<compile_context>
chip_gen: v7x
topology: tpu7x:2x2x1
jax: 0.10.2.dev20260603
libtpu: 0.0.44.dev20260713+nightly
codegen_flags: <defaults>
</compile_context>

<pallas_src>
import functools

import jax
import jax.numpy as jnp
from jax import lax
from jax.experimental import pallas as pl
from jax.experimental.pallas import tpu as pltpu
from jax.experimental.pallas import tpu_sc as plsc

_N = 10000
_D = 128
_NP = 10240
_RPT = 640
_SPA = 80
_EPAD = 32 * _SPA * 128
_PADROW = _NP - 1
_RB = 2048

_mesh = plsc.VectorSubcoreMesh(core_axis_name="c", subcore_axis_name="s")


def _zero_1d(ref, n):
    z = jnp.zeros((16,), jnp.float32)

    def body(i, carry):
        ref[pl.ds(i * 16, 16)] = z
        return carry

    lax.fori_loop(0, n // 16, body, 0)


def _zero_2d(ref, nrows, ncols):
    z = jnp.zeros((16,), jnp.float32)

    def body(i, carry):
        for k in range(ncols // 16):
            ref[i, pl.ds(k * 16, 16)] = z
        return carry

    lax.fori_loop(0, nrows, body, 0)


@functools.partial(
    pl.kernel,
    mesh=_mesh,
    out_type=jax.ShapeDtypeStruct((2, _NP), jnp.float32),
    scratch_types=[
        pltpu.VMEM((_SPA, 128), jnp.int32),
        pltpu.VMEM((128,), jnp.float32),
        pltpu.VMEM((_RPT,), jnp.float32),
        pltpu.VMEM_SHARED((_NP,), jnp.float32),
    ],
)
def _deg_kernel(dst_hbm, out_hbm, dst_v, ones_v, zb_v, acc_sh):
    c = lax.axis_index("c")
    s = lax.axis_index("s")
    wid = c * 16 + s
    pltpu.sync_copy(dst_hbm.at[wid], dst_v)
    ones16 = jnp.ones((16,), jnp.float32)
    for k in range(8):
        ones_v[pl.ds(k * 16, 16)] = ones16
    _zero_1d(zb_v, _RPT)
    base = s * _RPT
    pltpu.sync_copy(zb_v, acc_sh.at[pl.ds(base, _RPT)])
    plsc.subcore_barrier()

    def body(j, carry):
        pltpu.sync_copy(ones_v, acc_sh.at[dst_v.at[j]], add=True)
        return carry

    lax.fori_loop(0, _SPA, body, 0)
    plsc.subcore_barrier()
    pltpu.sync_copy(acc_sh.at[pl.ds(base, _RPT)],
                    out_hbm.at[c, pl.ds(base, _RPT)])


_SPC = _EPAD // 16 // 128
_HD = _D // 2


@functools.partial(
    pl.kernel,
    mesh=_mesh,
    out_type=jax.ShapeDtypeStruct((2, _NP, _HD), jnp.float32),
    scratch_types=[
        pltpu.VMEM((_SPC, 128), jnp.int32),
        pltpu.VMEM((_SPC, 128), jnp.int32),
        pltpu.VMEM((4, 128, _HD), jnp.float32),
        pltpu.VMEM_SHARED((_NP, _HD), jnp.float32),
        pltpu.SemaphoreType.DMA,
        pltpu.SemaphoreType.DMA,
        pltpu.SemaphoreType.DMA,
        pltpu.SemaphoreType.DMA,
        pltpu.SemaphoreType.DMA,
        pltpu.SemaphoreType.DMA,
        pltpu.SemaphoreType.DMA,
        pltpu.SemaphoreType.DMA,
    ],
    compiler_params=pltpu.CompilerParams(use_tc_tiling_on_sc=False),
)
def _agg_rows_kernel(src_hbm, dst_hbm, g_hbm, out_hbm,
                     src_v, dst_v, rows_v, acc_sh,
                     g0, g1, g2, g3, s0, s1, s2, s3):
    c = lax.axis_index("c")
    s = lax.axis_index("s")
    pltpu.sync_copy(src_hbm.at[s], src_v)
    pltpu.sync_copy(dst_hbm.at[s], dst_v)
    off = jnp.broadcast_to((c * _NP).astype(jnp.int32), (16,))

    def adj(j, carry):
        for k in range(8):
            src_v[j, pl.ds(k * 16, 16)] = src_v[j, pl.ds(k * 16, 16)] + off
        return carry

    lax.fori_loop(0, _SPC, adj, 0)
    _zero_2d(rows_v.at[0], 128, _HD)
    base = s * _RPT
    for q in range(5):
        pltpu.sync_copy(rows_v.at[0], acc_sh.at[pl.ds(base + q * 128, 128)])
    plsc.subcore_barrier()

    gsems = (g0, g1, g2, g3)
    ssems = (s0, s1, s2, s3)

    def _gather(jj, b):
        pltpu.async_copy(g_hbm.at[src_v.at[jj]], rows_v.at[b], gsems[b])

    def _gwait(b):
        pltpu.make_async_copy(g_hbm.at[src_v.at[0]], rows_v.at[b],
                              gsems[b]).wait()

    def _scatter(jj, b):
        pltpu.async_copy(rows_v.at[b], acc_sh.at[dst_v.at[jj]], ssems[b],
                         add=True)

    def _swait(b):
        pltpu.make_async_copy(rows_v.at[b], acc_sh.at[dst_v.at[0]],
                              ssems[b]).wait()

    for b in range(4):
        _gather(b, b)

    def quad(j0, carry):
        j = 4 * j0
        for b in range(4):
            _gwait(b)
            _scatter(j + b, b)
        for b in range(4):
            _swait(b)
            _gather(j + 4 + b, b)
        return carry

    lax.fori_loop(0, _SPC // 4 - 1, quad, 0)
    for b in range(4):
        _gwait(b)
        _scatter(_SPC - 4 + b, b)
    for b in range(4):
        _swait(b)
    plsc.subcore_barrier()
    pltpu.sync_copy(acc_sh.at[pl.ds(base, _RPT)],
                    out_hbm.at[c, pl.ds(base, _RPT)])


@functools.partial(
    pl.kernel,
    mesh=_mesh,
    out_type=jax.ShapeDtypeStruct((2, _NP), jnp.float32),
    scratch_types=[
        pltpu.VMEM((_SPA, 128), jnp.int32),
        pltpu.VMEM((_SPA, 128), jnp.int32),
        pltpu.VMEM((_NP,), jnp.float32),
        pltpu.VMEM((_SPA, 128), jnp.float32),
        pltpu.VMEM((_RPT,), jnp.float32),
        pltpu.VMEM_SHARED((_NP,), jnp.float32),
    ],
    compiler_params=pltpu.CompilerParams(needs_layout_passes=False),
)
def _agg_scalar_kernel(src_hbm, dst_hbm, g2_hbm, out_hbm,
                       src_v, dst_v, g2_v, gv_v, zb_v, acc_sh):
    c = lax.axis_index("c")
    s = lax.axis_index("s")
    wid = c * 16 + s
    pltpu.sync_copy(src_hbm.at[wid], src_v)
    pltpu.sync_copy(dst_hbm.at[wid], dst_v)
    pltpu.sync_copy(g2_hbm, g2_v)
    _zero_1d(zb_v, _RPT)
    base = s * _RPT
    pltpu.sync_copy(zb_v, acc_sh.at[pl.ds(base, _RPT)])
    plsc.subcore_barrier()

    def body(j, carry):
        for k in range(8):
            idx = src_v[j, pl.ds(k * 16, 16)]
            gv_v[j, pl.ds(k * 16, 16)] = plsc.load_gather(g2_v, [idx])
        pltpu.sync_copy(gv_v.at[j], acc_sh.at[dst_v.at[j]], add=True)
        return carry

    lax.fori_loop(0, _SPA, body, 0)
    plsc.subcore_barrier()
    pltpu.sync_copy(acc_sh.at[pl.ds(base, _RPT)],
                    out_hbm.at[c, pl.ds(base, _RPT)])


def _lin1_body(degp_ref, x_ref, w1_ref, g_ref, dinv_ref):
    degp = degp_ref[...]
    deg = degp[0] + degp[1] + 1.0
    dinv = jnp.where(deg > 0, lax.rsqrt(deg), 0.0)
    dcol = dinv[:, None]
    g = lax.dot(dcol * x_ref[...], w1_ref[...],
                preferred_element_type=jnp.float32)
    g_ref[0] = g[:, :_HD]
    g_ref[1] = g[:, _HD:]
    dinv_ref[...] = dcol


def _lin1(deg_p, x_pad, w1):
    return pl.pallas_call(
        _lin1_body,
        grid=(_NP // _RB,),
        in_specs=[
            pl.BlockSpec((2, _RB), lambda i: (0, i)),
            pl.BlockSpec((_RB, _D), lambda i: (i, 0)),
            pl.BlockSpec((_D, _D), lambda i: (0, 0)),
        ],
        out_specs=[
            pl.BlockSpec((2, _RB, _HD), lambda i: (0, i, 0)),
            pl.BlockSpec((_RB, 1), lambda i: (i, 0)),
        ],
        out_shape=[
            jax.ShapeDtypeStruct((2, _NP, _HD), jnp.float32),
            jax.ShapeDtypeStruct((_NP, 1), jnp.float32),
        ],
    )(deg_p, x_pad, w1)


def _lin2_body(aggp_ref, g_ref, dinv_ref, b1_ref, w2_ref, g2_ref):
    aggp = aggp_ref[...] + g_ref[...]
    agg = jnp.concatenate([aggp[0], aggp[1]], axis=1)
    dcol = dinv_ref[...]
    out1 = jnp.maximum(dcol * agg + b1_ref[...], 0.0)
    g2_ref[...] = dcol * lax.dot(out1, w2_ref[...],
                                 preferred_element_type=jnp.float32)


def _lin2(agg_p, g, dinv2d, b1, w2):
    return pl.pallas_call(
        _lin2_body,
        grid=(_NP // _RB,),
        in_specs=[
            pl.BlockSpec((2, _RB, _HD), lambda i: (0, i, 0)),
            pl.BlockSpec((2, _RB, _HD), lambda i: (0, i, 0)),
            pl.BlockSpec((_RB, 1), lambda i: (i, 0)),
            pl.BlockSpec((1, _D), lambda i: (0, 0)),
            pl.BlockSpec((_D, 1), lambda i: (0, 0)),
        ],
        out_specs=pl.BlockSpec((_RB, 1), lambda i: (i, 0)),
        out_shape=jax.ShapeDtypeStruct((_NP, 1), jnp.float32),
    )(agg_p, g, dinv2d, b1, w2)


def _fin_body(a2p_ref, g2_ref, dinv_ref, b2_ref, out_ref):
    a2p = a2p_ref[...]
    out_ref[...] = dinv_ref[...] * (a2p[0] + a2p[1] + g2_ref[...]) + b2_ref[...]


def _fin(a2_p, g2_blk, dinv_blk, b2):
    return pl.pallas_call(
        _fin_body,
        out_shape=jax.ShapeDtypeStruct((_NP // 128, 128), jnp.float32),
    )(a2_p, g2_blk, dinv_blk, b2)


def kernel(x, edge_index, W1, b1, W2, b2):
    npad = _EPAD - edge_index.shape[1]
    pad = _N + (jnp.arange(npad, dtype=jnp.int32) % (_NP - _N))
    src = jnp.concatenate([edge_index[0], pad])
    dst = jnp.concatenate([edge_index[1], pad])
    x_pad = jnp.pad(x, ((0, _NP - _N), (0, 0)))

    deg_p = _deg_kernel(dst.reshape(32, _SPA, 128))
    g, dinv2d = _lin1(deg_p, x_pad, W1)
    agg_p = _agg_rows_kernel(src.reshape(16, _SPC, 128),
                             dst.reshape(16, _SPC, 128),
                             g.reshape(2 * _NP, _HD))
    g2 = _lin2(agg_p, g, dinv2d, b1.reshape(1, _D), W2)
    a2_p = _agg_scalar_kernel(src.reshape(32, _SPA, 128),
                              dst.reshape(32, _SPA, 128), g2[:, 0])
    out = _fin(a2_p.reshape(2, _NP // 128, 128),
               g2[:, 0].reshape(_NP // 128, 128),
               dinv2d[:, 0].reshape(_NP // 128, 128),
               b2.reshape(1, 1))
    return out.reshape(_NP)[:_N]

# --- scband reference (transcript-rebuilt; emitter-appended) ---
"""Pipeline reference for scband-gnn-80607946211347 (READ-ONLY COPY).

The authoritative reference and input builder live on the scoring server;
editing this copy changes nothing except your own understanding.
"""

import jax, jax.numpy as jnp
import numpy as np

N = 10000
E = 320000
D_IN = 128
D_H = 128
D_OUT = 1


def setup_inputs(seed: int = 0) -> dict:
    key = jax.random.key(seed)
    ks = jax.random.split(key, 6)
    x = jax.random.normal(ks[0], (N, D_IN), dtype=jnp.float32)
    edge_index = jax.random.randint(ks[1], (2, E), 0, N, dtype=jnp.int32)
    W1 = jax.random.normal(ks[2], (D_IN, D_H), dtype=jnp.float32) * (1.0 / np.sqrt(D_IN))
    b1 = jnp.zeros((D_H,), dtype=jnp.float32)
    W2 = jax.random.normal(ks[3], (D_H, D_OUT), dtype=jnp.float32) * (1.0 / np.sqrt(D_H))
    b2 = jnp.zeros((D_OUT,), dtype=jnp.float32)
    return {"x": x, "edge_index": edge_index, "W1": W1, "b1": b1, "W2": W2, "b2": b2}


def _gcn_conv(x, src, dst, W, b):
    # PyG GCNConv: linear transform, then symmetric-normalized scatter-add aggregation
    h = x @ W
    deg = jnp.zeros((N,), dtype=h.dtype).at[dst].add(1.0)
    dinv = jnp.where(deg > 0, jax.lax.rsqrt(deg), 0.0)
    norm = dinv[src] * dinv[dst]
    msg = h[src] * norm[:, None]
    out = jnp.zeros((N, h.shape[1]), dtype=h.dtype).at[dst].add(msg)
    return out + b


def reference(x, edge_index, W1, b1, W2, b2):
    # add self loops (GCNConv default)
    loop = jnp.arange(N, dtype=edge_index.dtype)
    src = jnp.concatenate([edge_index[0], loop])
    dst = jnp.concatenate([edge_index[1], loop])
    h = _gcn_conv(x, src, dst, W1, b1)
    h = jax.nn.relu(h)
    out = _gcn_conv(h, src, dst, W2, b2)
    return jnp.squeeze(out, axis=-1)

if __name__ == "__main__":
    import jax
    _d = setup_inputs()
    print(jax.jit(kernel)(*tuple(_d.values())))

</pallas_src>

<mosaic_0001>
#map = affine_map<(d0, d1) -> (0, 0, 0)>
#map1 = affine_map<(d0, d1) -> (0, 0)>
module attributes {stable_mosaic.version = 14 : i64} {
  func.func @_agg_rows_kernel(%arg0: i32, %arg1: i32, %arg2: memref<16x160x128xi32, #tpu.memory_space<hbm>>, %arg3: memref<16x160x128xi32, #tpu.memory_space<hbm>>, %arg4: memref<20480x64xf32, #tpu.memory_space<hbm>>, %arg5: memref<2x10240x64xf32, #tpu.memory_space<hbm>>, %arg6: memref<160x128xi32, #tpu.memory_space<vmem>>, %arg7: memref<160x128xi32, #tpu.memory_space<vmem>>, %arg8: memref<4x128x64xf32, #tpu.memory_space<vmem>>, %arg9: memref<10240x64xf32, #tpu.memory_space<vmem_shared>>, %arg10: memref<!tpu.dma_semaphore, #tpu.memory_space<semaphore_mem>>, %arg11: memref<!tpu.dma_semaphore, #tpu.memory_space<semaphore_mem>>, %arg12: memref<!tpu.dma_semaphore, #tpu.memory_space<semaphore_mem>>, %arg13: memref<!tpu.dma_semaphore, #tpu.memory_space<semaphore_mem>>, %arg14: memref<!tpu.dma_semaphore, #tpu.memory_space<semaphore_mem>>, %arg15: memref<!tpu.dma_semaphore, #tpu.memory_space<semaphore_mem>>, %arg16: memref<!tpu.dma_semaphore, #tpu.memory_space<semaphore_mem>>, %arg17: memref<!tpu.dma_semaphore, #tpu.memory_space<semaphore_mem>>) attributes {dimension_semantics = [#tpu.dimension_semantics<core_parallel>, #tpu.dimension_semantics<subcore_parallel>], iteration_bounds = array<i64: 2, 16>, scalar_prefetch = 0 : i64, scratch_operands = 12 : i64, tpu.core_type = #tpu.core_type<sc_vector_subcore>, window_params = [{transform_indices = #map}, {transform_indices = #map}, {transform_indices = #map1}, {transform_indices = #map}]} {
    "tpu.region"() ({
      %run_scoped3A_227 = tpu.sem_alloc : memref<!tpu.dma_semaphore, #tpu.memory_space<semaphore_mem>>
      %dma_start3A_228 = arith.constant 0 : i32
      %dma_start3A_229 = arith.constant 0 : i32
      %dma_start3A_230 = tpu.memref_slice %arg2[%arg1, %dma_start3A_228, %dma_start3A_229] : memref<16x160x128xi32, #tpu.memory_space<hbm>> -> memref<1x160x128xi32, #tpu.memory_space<hbm>>
      %dma_start3A_231 = tpu.memref_squeeze %dma_start3A_230 : memref<1x160x128xi32, #tpu.memory_space<hbm>> -> memref<160x128xi32, #tpu.memory_space<hbm>>
      %dma_start3A_232 = arith.constant 0 : i32
      %dma_start3A_233 = arith.constant 0 : i32
      %dma_start3A_234 = tpu.memref_slice %arg2[%arg1, %dma_start3A_232, %dma_start3A_233] : memref<16x160x128xi32, #tpu.memory_space<hbm>> -> memref<1x160x128xi32, #tpu.memory_space<hbm>>
      %dma_start3A_235 = tpu.memref_squeeze %dma_start3A_234 : memref<1x160x128xi32, #tpu.memory_space<hbm>> -> memref<160x128xi32, #tpu.memory_space<hbm>>
      tpu.enqueue_dma source(%dma_start3A_235 : memref<160x128xi32, #tpu.memory_space<hbm>>) target(%arg6 : memref<160x128xi32, #tpu.memory_space<vmem>>) target_semaphore(%run_scoped3A_227 : memref<!tpu.dma_semaphore, #tpu.memory_space<semaphore_mem>>)
      %dma_wait3A_236 = arith.constant 0 : i32
      %dma_wait3A_237 = arith.constant 0 : i32
      %dma_wait3A_238 = tpu.memref_slice %arg2[%arg1, %dma_wait3A_236, %dma_wait3A_237] : memref<16x160x128xi32, #tpu.memory_space<hbm>> -> memref<1x160x128xi32, #tpu.memory_space<hbm>>
      %dma_wait3A_239 = tpu.memref_squeeze %dma_wait3A_238 : memref<1x160x128xi32, #tpu.memory_space<hbm>> -> memref<160x128xi32, #tpu.memory_space<hbm>>
      %dma_wait3A_240 = arith.constant 0 : i32
      %dma_wait3A_241 = arith.constant 0 : i32
      %dma_wait3A_242 = tpu.memref_slice %arg2[%arg1, %dma_wait3A_240, %dma_wait3A_241] : memref<16x160x128xi32, #tpu.memory_space<hbm>> -> memref<1x160x128xi32, #tpu.memory_space<hbm>>
      %dma_wait3A_243 = tpu.memref_squeeze %dma_wait3A_242 : memref<1x160x128xi32, #tpu.memory_space<hbm>> -> memref<160x128xi32, #tpu.memory_space<hbm>>
      tpu.wait_dma2 semaphore(%run_scoped3A_227 : memref<!tpu.dma_semaphore, #tpu.memory_space<semaphore_mem>>) src(%dma_wait3A_243 : memref<160x128xi32, #tpu.memory_space<hbm>>) dst(%arg6 : memref<160x128xi32, #tpu.memory_space<vmem>>)
      tpu.yield
    }) : () -> ()
    "tpu.region"() ({
      %run_scoped3A_227 = tpu.sem_alloc : memref<!tpu.dma_semaphore, #tpu.memory_space<semaphore_mem>>
      %dma_start3A_228 = arith.constant 0 : i32
      %dma_start3A_229 = arith.constant 0 : i32
      %dma_start3A_230 = tpu.memref_slice %arg3[%arg1, %dma_start3A_228, %dma_start3A_229] : memref<16x160x128xi32, #tpu.memory_space<hbm>> -> memref<1x160x128xi32, #tpu.memory_space<hbm>>
      %dma_start3A_231 = tpu.memref_squeeze %dma_start3A_230 : memref<1x160x128xi32, #tpu.memory_space<hbm>> -> memref<160x128xi32, #tpu.memory_space<hbm>>
      %dma_start3A_232 = arith.constant 0 : i32
      %dma_start3A_233 = arith.constant 0 : i32
      %dma_start3A_234 = tpu.memref_slice %arg3[%arg1, %dma_start3A_232, %dma_start3A_233] : memref<16x160x128xi32, #tpu.memory_space<hbm>> -> memref<1x160x128xi32, #tpu.memory_space<hbm>>
      %dma_start3A_235 = tpu.memref_squeeze %dma_start3A_234 : memref<1x160x128xi32, #tpu.memory_space<hbm>> -> memref<160x128xi32, #tpu.memory_space<hbm>>
      tpu.enqueue_dma source(%dma_start3A_235 : memref<160x128xi32, #tpu.memory_space<hbm>>) target(%arg7 : memref<160x128xi32, #tpu.memory_space<vmem>>) target_semaphore(%run_scoped3A_227 : memref<!tpu.dma_semaphore, #tpu.memory_space<semaphore_mem>>)
      %dma_wait3A_236 = arith.constant 0 : i32
      %dma_wait3A_237 = arith.constant 0 : i32
      %dma_wait3A_238 = tpu.memref_slice %arg3[%arg1, %dma_wait3A_236, %dma_wait3A_237] : memref<16x160x128xi32, #tpu.memory_space<hbm>> -> memref<1x160x128xi32, #tpu.memory_space<hbm>>
      %dma_wait3A_239 = tpu.memref_squeeze %dma_wait3A_238 : memref<1x160x128xi32, #tpu.memory_space<hbm>> -> memref<160x128xi32, #tpu.memory_space<hbm>>
      %dma_wait3A_240 = arith.constant 0 : i32
      %dma_wait3A_241 = arith.constant 0 : i32
      %dma_wait3A_242 = tpu.memref_slice %arg3[%arg1, %dma_wait3A_240, %dma_wait3A_241] : memref<16x160x128xi32, #tpu.memory_space<hbm>> -> memref<1x160x128xi32, #tpu.memory_space<hbm>>
      %dma_wait3A_243 = tpu.memref_squeeze %dma_wait3A_242 : memref<1x160x128xi32, #tpu.memory_space<hbm>> -> memref<160x128xi32, #tpu.memory_space<hbm>>
      tpu.wait_dma2 semaphore(%run_scoped3A_227 : memref<!tpu.dma_semaphore, #tpu.memory_space<semaphore_mem>>) src(%dma_wait3A_243 : memref<160x128xi32, #tpu.memory_space<hbm>>) dst(%arg7 : memref<160x128xi32, #tpu.memory_space<vmem>>)
      tpu.yield
    }) : () -> ()
    %mul3A = arith.constant 10240 : i32
    %mul3A_0 = arith.muli %arg0, %mul3A : i32
    %broadcast_in_dim3A = vector.broadcast %mul3A_0 : i32 to vector<16xi32>
    %scan3A = arith.constant 0 : i32
    %scan3A_1 = arith.constant 0 : i32
    %scan3A_2 = arith.constant 160 : i32
    %scan3A_3 = arith.addi %scan3A_1, %scan3A_2 : i32
    %scan3A_4 = arith.constant 1 : i32
    scf.for %scan3A_227 = %scan3A_1 to %scan3A_3 step %scan3A_4  : i32 {
      %get3A = arith.index_cast %scan3A_227 : i32 to index
      %get3A_228 = arith.constant 0 : index
      %get3A_229 = tpu.vector_load %arg6[%get3A, %get3A_228] {strides = array<i32>} : memref<160x128xi32, #tpu.memory_space<vmem>>, vector<1x16xi32>,
      %get3A_230 = vector.shape_cast %get3A_229 : vector<1x16xi32> to vector<16xi32>
      %add3A_231 = arith.addi %get3A_230, %broadcast_in_dim3A : vector<16xi32>
      %swap3A = arith.index_cast %scan3A_227 : i32 to index
      %swap3A_232 = arith.constant 0 : index
      %swap3A_233 = tpu.vector_load %arg6[%swap3A, %swap3A_232] {strides = array<i32>} : memref<160x128xi32, #tpu.memory_space<vmem>>, vector<1x16xi32>,
      %swap3A_234 = vector.shape_cast %swap3A_233 : vector<1x16xi32> to vector<16xi32>
      %swap3A_235 = vector.shape_cast %add3A_231 : vector<16xi32> to vector<1x16xi32>
      tpu.vector_store %arg6[%swap3A, %swap3A_232], %swap3A_235 {strides = array<i32>} : memref<160x128xi32, #tpu.memory_space<vmem>>, vector<1x16xi32>,
      %get3A_236 = arith.index_cast %scan3A_227 : i32 to index
      %get3A_237 = arith.constant 16 : index
      %get3A_238 = tpu.vector_load %arg6[%get3A_236, %get3A_237] {strides = array<i32>} : memref<160x128xi32, #tpu.memory_space<vmem>>, vector<1x16xi32>,
      %get3A_239 = vector.shape_cast %get3A_238 : vector<1x16xi32> to vector<16xi32>
      %add3A_240 = arith.addi %get3A_239, %broadcast_in_dim3A : vector<16xi32>
      %swap3A_241 = arith.index_cast %scan3A_227 : i32 to index
      %swap3A_242 = arith.constant 16 : index
      %swap3A_243 = tpu.vector_load %arg6[%swap3A_241, %swap3A_242] {strides = array<i32>} : memref<160x128xi32, #tpu.memory_space<vmem>>, vector<1x16xi32>,
      %swap3A_244 = vector.shape_cast %swap3A_243 : vector<1x16xi32> to vector<16xi32>
      %swap3A_245 = vector.shape_cast %add3A_240 : vector<16xi32> to vector<1x16xi32>
      tpu.vector_store %arg6[%swap3A_241, %swap3A_242], %swap3A_245 {strides = array<i32>} : memref<160x128xi32, #tpu.memory_space<vmem>>, vector<1x16xi32>,
      %get3A_246 = arith.index_cast %scan3A_227 : i32 to index
      %get3A_247 = arith.constant 32 : index
      %get3A_248 = tpu.vector_load %arg6[%get3A_246, %get3A_247] {strides = array<i32>} : memref<160x128xi32, #tpu.memory_space<vmem>>, vector<1x16xi32>,
      %get3A_249 = vector.shape_cast %get3A_248 : vector<1x16xi32> to vector<16xi32>
      %add3A_250 = arith.addi %get3A_249, %broadcast_in_dim3A : vector<16xi32>
      %swap3A_251 = arith.index_cast %scan3A_227 : i32 to index
      %swap3A_252 = arith.constant 32 : index
      %swap3A_253 = tpu.vector_load %arg6[%swap3A_251, %swap3A_252] {strides = array<i32>} : memref<160x128xi32, #tpu.memory_space<vmem>>, vector<1x16xi32>,
      %swap3A_254 = vector.shape_cast %swap3A_253 : vector<1x16xi32> to vector<16xi32>
      %swap3A_255 = vector.shape_cast %add3A_250 : vector<16xi32> to vector<1x16xi32>
      tpu.vector_store %arg6[%swap3A_251, %swap3A_252], %swap3A_255 {strides = array<i32>} : memref<160x128xi32, #tpu.memory_space<vmem>>, vector<1x16xi32>,
      %get3A_256 = arith.index_cast %scan3A_227 : i32 to index
      %get3A_257 = arith.constant 48 : index
      %get3A_258 = tpu.vector_load %arg6[%get3A_256, %get3A_257] {strides = array<i32>} : memref<160x128xi32, #tpu.memory_space<vmem>>, vector<1x16xi32>,
      %get3A_259 = vector.shape_cast %get3A_258 : vector<1x16xi32> to vector<16xi32>
      %add3A_260 = arith.addi %get3A_259, %broadcast_in_dim3A : vector<16xi32>
      %swap3A_261 = arith.index_cast %scan3A_227 : i32 to index
      %swap3A_262 = arith.constant 48 : index
      %swap3A_263 = tpu.vector_load %arg6[%swap3A_261, %swap3A_262] {strides = array<i32>} : memref<160x128xi32, #tpu.memory_space<vmem>>, vector<1x16xi32>,
      %swap3A_264 = vector.shape_cast %swap3A_263 : vector<1x16xi32> to vector<16xi32>
      %swap3A_265 = vector.shape_cast %add3A_260 : vector<16xi32> to vector<1x16xi32>
      tpu.vector_store %arg6[%swap3A_261, %swap3A_262], %swap3A_265 {strides = array<i32>} : memref<160x128xi32, #tpu.memory_space<vmem>>, vector<1x16xi32>,
      %get3A_266 = arith.index_cast %scan3A_227 : i32 to index
      %get3A_267 = arith.constant 64 : index
      %get3A_268 = tpu.vector_load %arg6[%get3A_266, %get3A_267] {strides = array<i32>} : memref<160x128xi32, #tpu.memory_space<vmem>>, vector<1x16xi32>,
      %get3A_269 = vector.shape_cast %get3A_268 : vector<1x16xi32> to vector<16xi32>
      %add3A_270 = arith.addi %get3A_269, %broadcast_in_dim3A : vector<16xi32>
      %swap3A_271 = arith.index_cast %scan3A_227 : i32 to index
      %swap3A_272 = arith.constant 64 : index
      %swap3A_273 = tpu.vector_load %arg6[%swap3A_271, %swap3A_272] {strides = array<i32>} : memref<160x128xi32, #tpu.memory_space<vmem>>, vector<1x16xi32>,
      %swap3A_274 = vector.shape_cast %swap3A_273 : vector<1x16xi32> to vector<16xi32>
      %swap3A_275 = vector.shape_cast %add3A_270 : vector<16xi32> to vector<1x16xi32>
      tpu.vector_store %arg6[%swap3A_271, %swap3A_272], %swap3A_275 {strides = array<i32>} : memref<160x128xi32, #tpu.memory_space<vmem>>, vector<1x16xi32>,
      %get3A_276 = arith.index_cast %scan3A_227 : i32 to index
      %get3A_277 = arith.constant 80 : index
      %get3A_278 = tpu.vector_load %arg6[%get3A_276, %get3A_277] {strides = array<i32>} : memref<160x128xi32, #tpu.memory_space<vmem>>, vector<1x16xi32>,
      %get3A_279 = vector.shape_cast %get3A_278 : vector<1x16xi32> to vector<16xi32>
      %add3A_280 = arith.addi %get3A_279, %broadcast_in_dim3A : vector<16xi32>
      %swap3A_281 = arith.index_cast %scan3A_227 : i32 to index
      %swap3A_282 = arith.constant 80 : index
      %swap3A_283 = tpu.vector_load %arg6[%swap3A_281, %swap3A_282] {strides = array<i32>} : memref<160x128xi32, #tpu.memory_space<vmem>>, vector<1x16xi32>,
      %swap3A_284 = vector.shape_cast %swap3A_283 : vector<1x16xi32> to vector<16xi32>
      %swap3A_285 = vector.shape_cast %add3A_280 : vector<16xi32> to vector<1x16xi32>
      tpu.vector_store %arg6[%swap3A_281, %swap3A_282], %swap3A_285 {strides = array<i32>} : memref<160x128xi32, #tpu.memory_space<vmem>>, vector<1x16xi32>,
      %get3A_286 = arith.index_cast %scan3A_227 : i32 to index
      %get3A_287 = arith.constant 96 : index
      %get3A_288 = tpu.vector_load %arg6[%get3A_286, %get3A_287] {strides = array<i32>} : memref<160x128xi32, #tpu.memory_space<vmem>>, vector<1x16xi32>,
      %get3A_289 = vector.shape_cast %get3A_288 : vector<1x16xi32> to vector<16xi32>
      %add3A_290 = arith.addi %get3A_289, %broadcast_in_dim3A : vector<16xi32>
      %swap3A_291 = arith.index_cast %scan3A_227 : i32 to index
      %swap3A_292 = arith.constant 96 : index
      %swap3A_293 = tpu.vector_load %arg6[%swap3A_291, %swap3A_292] {strides = array<i32>} : memref<160x128xi32, #tpu.memory_space<vmem>>, vector<1x16xi32>,
      %swap3A_294 = vector.shape_cast %swap3A_293 : vector<1x16xi32> to vector<16xi32>
      %swap3A_295 = vector.shape_cast %add3A_290 : vector<16xi32> to vector<1x16xi32>
      tpu.vector_store %arg6[%swap3A_291, %swap3A_292], %swap3A_295 {strides = array<i32>} : memref<160x128xi32, #tpu.memory_space<vmem>>, vector<1x16xi32>,
      %get3A_296 = arith.index_cast %scan3A_227 : i32 to index
      %get3A_297 = arith.constant 112 : index
      %get3A_298 = tpu.vector_load %arg6[%get3A_296, %get3A_297] {strides = array<i32>} : memref<160x128xi32, #tpu.memory_space<vmem>>, vector<1x16xi32>,
      %get3A_299 = vector.shape_cast %get3A_298 : vector<1x16xi32> to vector<16xi32>
      %add3A_300 = arith.addi %get3A_299, %broadcast_in_dim3A : vector<16xi32>
      %swap3A_301 = arith.index_cast %scan3A_227 : i32 to index
      %swap3A_302 = arith.constant 112 : index
      %swap3A_303 = tpu.vector_load %arg6[%swap3A_301, %swap3A_302] {strides = array<i32>} : memref<160x128xi32, #tpu.memory_space<vmem>>, vector<1x16xi32>,
      %swap3A_304 = vector.shape_cast %swap3A_303 : vector<1x16xi32> to vector<16xi32>
      %swap3A_305 = vector.shape_cast %add3A_300 : vector<16xi32> to vector<1x16xi32>
      tpu.vector_store %arg6[%swap3A_301, %swap3A_302], %swap3A_305 {strides = array<i32>} : memref<160x128xi32, #tpu.memory_space<vmem>>, vector<1x16xi32>,
    }
    %scan3A_5 = arith.constant 160 : i32
    %broadcast_in_dim3A_6 = arith.constant 0.000000e+00 : f32
    %broadcast_in_dim3A_7 = vector.broadcast %broadcast_in_dim3A_6 : f32 to vector<16xf32>
    %scan3A_8 = arith.constant 0 : i32
    %scan3A_9 = arith.constant 0 : i32
    %scan3A_10 = arith.constant 0 : i32
    %scan3A_11 = arith.constant 128 : i32
    %scan3A_12 = arith.addi %scan3A_10, %scan3A_11 : i32
    %scan3A_13 = arith.constant 1 : i32
    scf.for %scan3A_227 = %scan3A_10 to %scan3A_12 step %scan3A_13  : i32 {
      %swap3A = arith.constant 0 : i32
      %swap3A_228 = arith.constant 0 : i32
      %swap3A_229 = tpu.memref_slice %arg8[%scan3A_9, %swap3A, %swap3A_228] : memref<4x128x64xf32, #tpu.memory_space<vmem>> -> memref<1x128x64xf32, #tpu.memory_space<vmem>>
      %swap3A_230 = tpu.memref_squeeze %swap3A_229 : memref<1x128x64xf32, #tpu.memory_space<vmem>> -> memref<128x64xf32, #tpu.memory_space<vmem>>
      %swap3A_231 = arith.index_cast %scan3A_227 : i32 to index
      %swap3A_232 = arith.constant 0 : index
      %swap3A_233 = tpu.vector_load %swap3A_230[%swap3A_231, %swap3A_232] {strides = array<i32>} : memref<128x64xf32, #tpu.memory_space<vmem>>, vector<1x16xf32>,
      %swap3A_234 = vector.shape_cast %swap3A_233 : vector<1x16xf32> to vector<16xf32>
      %swap3A_235 = vector.shape_cast %broadcast_in_dim3A_7 : vector<16xf32> to vector<1x16xf32>
      tpu.vector_store %swap3A_230[%swap3A_231, %swap3A_232], %swap3A_235 {strides = array<i32>} : memref<128x64xf32, #tpu.memory_space<vmem>>, vector<1x16xf32>,
      %swap3A_236 = arith.constant 0 : i32
      %swap3A_237 = arith.constant 0 : i32
      %swap3A_238 = tpu.memref_slice %arg8[%scan3A_9, %swap3A_236, %swap3A_237] : memref<4x128x64xf32, #tpu.memory_space<vmem>> -> memref<1x128x64xf32, #tpu.memory_space<vmem>>
      %swap3A_239 = tpu.memref_squeeze %swap3A_238 : memref<1x128x64xf32, #tpu.memory_space<vmem>> -> memref<128x64xf32, #tpu.memory_space<vmem>>
      %swap3A_240 = arith.index_cast %scan3A_227 : i32 to index
      %swap3A_241 = arith.constant 16 : index
      %swap3A_242 = tpu.vector_load %swap3A_239[%swap3A_240, %swap3A_241] {strides = array<i32>} : memref<128x64xf32, #tpu.memory_space<vmem>>, vector<1x16xf32>,
      %swap3A_243 = vector.shape_cast %swap3A_242 : vector<1x16xf32> to vector<16xf32>
      %swap3A_244 = vector.shape_cast %broadcast_in_dim3A_7 : vector<16xf32> to vector<1x16xf32>
      tpu.vector_store %swap3A_239[%swap3A_240, %swap3A_241], %swap3A_244 {strides = array<i32>} : memref<128x64xf32, #tpu.memory_space<vmem>>, vector<1x16xf32>,
      %swap3A_245 = arith.constant 0 : i32
      %swap3A_246 = arith.constant 0 : i32
      %swap3A_247 = tpu.memref_slice %arg8[%scan3A_9, %swap3A_245, %swap3A_246] : memref<4x128x64xf32, #tpu.memory_space<vmem>> -> memref<1x128x64xf32, #tpu.memory_space<vmem>>
      %swap3A_248 = tpu.memref_squeeze %swap3A_247 : memref<1x128x64xf32, #tpu.memory_space<vmem>> -> memref<128x64xf32, #tpu.memory_space<vmem>>
      %swap3A_249 = arith.index_cast %scan3A_227 : i32 to index
      %swap3A_250 = arith.constant 32 : index
      %swap3A_251 = tpu.vector_load %swap3A_248[%swap3A_249, %swap3A_250] {strides = array<i32>} : memref<128x64xf32, #tpu.memory_space<vmem>>, vector<1x16xf32>,
      %swap3A_252 = vector.shape_cast %swap3A_251 : vector<1x16xf32> to vector<16xf32>
      %swap3A_253 = vector.shape_cast %broadcast_in_dim3A_7 : vector<16xf32> to vector<1x16xf32>
      tpu.vector_store %swap3A_248[%swap3A_249, %swap3A_250], %swap3A_253 {strides = array<i32>} : memref<128x64xf32, #tpu.memory_space<vmem>>, vector<1x16xf32>,
      %swap3A_254 = arith.constant 0 : i32
      %swap3A_255 = arith.constant 0 : i32
      %swap3A_256 = tpu.memref_slice %arg8[%scan3A_9, %swap3A_254, %swap3A_255] : memref<4x128x64xf32, #tpu.memory_space<vmem>> -> memref<1x128x64xf32, #tpu.memory_space<vmem>>
      %swap3A_257 = tpu.memref_squeeze %swap3A_256 : memref<1x128x64xf32, #tpu.memory_space<vmem>> -> memref<128x64xf32, #tpu.memory_space<vmem>>
      %swap3A_258 = arith.index_cast %scan3A_227 : i32 to index
      %swap3A_259 = arith.constant 48 : index
      %swap3A_260 = tpu.vector_load %swap3A_257[%swap3A_258, %swap3A_259] {strides = array<i32>} : memref<128x64xf32, #tpu.memory_space<vmem>>, vector<1x16xf32>,
      %swap3A_261 = vector.shape_cast %swap3A_260 : vector<1x16xf32> to vector<16xf32>
      %swap3A_262 = vector.shape_cast %broadcast_in_dim3A_7 : vector<16xf32> to vector<1x16xf32>
      tpu.vector_store %swap3A_257[%swap3A_258, %swap3A_259], %swap3A_262 {strides = array<i32>} : memref<128x64xf32, #tpu.memory_space<vmem>>, vector<1x16xf32>,
    }
    %scan3A_14 = arith.constant 128 : i32
    %mul3A_15 = arith.constant 640 : i32
    %mul3A_16 = arith.muli %arg1, %mul3A_15 : i32
    %add3A = arith.constant 0 : i32
    %add3A_17 = arith.addi %mul3A_16, %add3A : i32
    %run_scoped3A = arith.constant 0 : i32
    "tpu.region"() ({
      %run_scoped3A_227 = tpu.sem_alloc : memref<!tpu.dma_semaphore, #tpu.memory_space<semaphore_mem>>
      %dma_start3A_228 = arith.constant 0 : i32
      %dma_start3A_229 = arith.constant 0 : i32
      %dma_start3A_230 = tpu.memref_slice %arg8[%run_scoped3A, %dma_start3A_228, %dma_start3A_229] : memref<4x128x64xf32, #tpu.memory_space<vmem>> -> memref<1x128x64xf32, #tpu.memory_space<vmem>>
      %dma_start3A_231 = tpu.memref_squeeze %dma_start3A_230 : memref<1x128x64xf32, #tpu.memory_space<vmem>> -> memref<128x64xf32, #tpu.memory_space<vmem>>
      %dma_start3A_232 = arith.constant 0 : i32
      %dma_start3A_233 = tpu.memref_slice %arg9[%add3A_17, %dma_start3A_232] : memref<10240x64xf32, #tpu.memory_space<vmem_shared>> -> memref<128x64xf32, #tpu.memory_space<vmem_shared>>
      %dma_start3A_234 = arith.constant 0 : i32
      %dma_start3A_235 = tpu.memref_slice %arg9[%add3A_17, %dma_start3A_234] : memref<10240x64xf32, #tpu.memory_space<vmem_shared>> -> memref<128x64xf32, #tpu.memory_space<vmem_shared>>
      %dma_start3A_236 = arith.constant 0 : i32
      %dma_start3A_237 = arith.constant 0 : i32
      %dma_start3A_238 = tpu.memref_slice %arg8[%run_scoped3A, %dma_start3A_236, %dma_start3A_237] : memref<4x128x64xf32, #tpu.memory_space<vmem>> -> memref<1x128x64xf32, #tpu.memory_space<vmem>>
      %dma_start3A_239 = tpu.memref_squeeze %dma_start3A_238 : memref<1x128x64xf32, #tpu.memory_space<vmem>> -> memref<128x64xf32, #tpu.memory_space<vmem>>
      tpu.enqueue_dma source(%dma_start3A_239 : memref<128x64xf32, #tpu.memory_space<vmem>>) target(%dma_start3A_235 : memref<128x64xf32, #tpu.memory_space<vmem_shared>>) target_semaphore(%run_scoped3A_227 : memref<!tpu.dma_semaphore, #tpu.memory_space<semaphore_mem>>)
      %dma_wait3A_240 = arith.constant 0 : i32
      %dma_wait3A_241 = arith.constant 0 : i32
      %dma_wait3A_242 = tpu.memref_slice %arg8[%run_scoped3A, %dma_wait3A_240, %dma_wait3A_241] : memref<4x128x64xf32, #tpu.memory_space<vmem>> -> memref<1x128x64xf32, #tpu.memory_space<vmem>>
      %dma_wait3A_243 = tpu.memref_squeeze %dma_wait3A_242 : memref<1x128x64xf32, #tpu.memory_space<vmem>> -> memref<128x64xf32, #tpu.memory_space<vmem>>
      %dma_wait3A_244 = arith.constant 0 : i32
      %dma_wait3A_245 = tpu.memref_slice %arg9[%add3A_17, %dma_wait3A_244] : memref<10240x64xf32, #tpu.memory_space<vmem_shared>> -> memref<128x64xf32, #tpu.memory_space<vmem_shared>>
      %dma_wait3A_246 = arith.constant 0 : i32
      %dma_wait3A_247 = tpu.memref_slice %arg9[%add3A_17, %dma_wait3A_246] : memref<10240x64xf32, #tpu.memory_space<vmem_shared>> -> memref<128x64xf32, #tpu.memory_space<vmem_shared>>
      %dma_wait3A_248 = arith.constant 0 : i32
      %dma_wait3A_249 = arith.constant 0 : i32
      %dma_wait3A_250 = tpu.memref_slice %arg8[%run_scoped3A, %dma_wait3A_248, %dma_wait3A_249] : memref<4x128x64xf32, #tpu.memory_space<vmem>> -> memref<1x128x64xf32, #tpu.memory_space<vmem>>
      %dma_wait3A_251 = tpu.memref_squeeze %dma_wait3A_250 : memref<1x128x64xf32, #tpu.memory_space<vmem>> -> memref<128x64xf32, #tpu.memory_space<vmem>>
      tpu.wait_dma2 semaphore(%run_scoped3A_227 : memref<!tpu.dma_semaphore, #tpu.memory_space<semaphore_mem>>) src(%dma_wait3A_251 : memref<128x64xf32, #tpu.memory_space<vmem>>) dst(%dma_wait3A_247 : memref<128x64xf32, #tpu.memory_space<vmem_shared>>)
      tpu.yield
    }) : () -> ()
    %add3A_18 = arith.constant 128 : i32
    %add3A_19 = arith.addi %mul3A_16, %add3A_18 : i32
    %run_scoped3A_20 = arith.constant 0 : i32
    "tpu.region"() ({
      %run_scoped3A_227 = tpu.sem_alloc : memref<!tpu.dma_semaphore, #tpu.memory_space<semaphore_mem>>
      %dma_start3A_228 = arith.constant 0 : i32
      %dma_start3A_229 = arith.constant 0 : i32
      %dma_start3A_230 = tpu.memref_slice %arg8[%run_scoped3A_20, %dma_start3A_228, %dma_start3A_229] : memref<4x128x64xf32, #tpu.memory_space<vmem>> -> memref<1x128x64xf32, #tpu.memory_space<vmem>>
      %dma_start3A_231 = tpu.memref_squeeze %dma_start3A_230 : memref<1x128x64xf32, #tpu.memory_space<vmem>> -> memref<128x64xf32, #tpu.memory_space<vmem>>
      %dma_start3A_232 = arith.constant 0 : i32
      %dma_start3A_233 = tpu.memref_slice %arg9[%add3A_19, %dma_start3A_232] : memref<10240x64xf32, #tpu.memory_space<vmem_shared>> -> memref<128x64xf32, #tpu.memory_space<vmem_shared>>
      %dma_start3A_234 = arith.constant 0 : i32
      %dma_start3A_235 = tpu.memref_slice %arg9[%add3A_19, %dma_start3A_234] : memref<10240x64xf32, #tpu.memory_space<vmem_shared>> -> memref<128x64xf32, #tpu.memory_space<vmem_shared>>
      %dma_start3A_236 = arith.constant 0 : i32
      %dma_start3A_237 = arith.constant 0 : i32
      %dma_start3A_238 = tpu.memref_slice %arg8[%run_scoped3A_20, %dma_start3A_236, %dma_start3A_237] : memref<4x128x64xf32, #tpu.memory_space<vmem>> -> memref<1x128x64xf32, #tpu.memory_space<vmem>>
      %dma_start3A_239 = tpu.memref_squeeze %dma_start3A_238 : memref<1x128x64xf32, #tpu.memory_space<vmem>> -> memref<128x64xf32, #tpu.memory_space<vmem>>
      tpu.enqueue_dma source(%dma_start3A_239 : memref<128x64xf32, #tpu.memory_space<vmem>>) target(%dma_start3A_235 : memref<128x64xf32, #tpu.memory_space<vmem_shared>>) target_semaphore(%run_scoped3A_227 : memref<!tpu.dma_semaphore, #tpu.memory_space<semaphore_mem>>)
      %dma_wait3A_240 = arith.constant 0 : i32
      %dma_wait3A_241 = arith.constant 0 : i32
      %dma_wait3A_242 = tpu.memref_slice %arg8[%run_scoped3A_20, %dma_wait3A_240, %dma_wait3A_241] : memref<4x128x64xf32, #tpu.memory_space<vmem>> -> memref<1x128x64xf32, #tpu.memory_space<vmem>>
      %dma_wait3A_243 = tpu.memref_squeeze %dma_wait3A_242 : memref<1x128x64xf32, #tpu.memory_space<vmem>> -> memref<128x64xf32, #tpu.memory_space<vmem>>
      %dma_wait3A_244 = arith.constant 0 : i32
      %dma_wait3A_245 = tpu.memref_slice %arg9[%add3A_19, %dma_wait3A_244] : memref<10240x64xf32, #tpu.memory_space<vmem_shared>> -> memref<128x64xf32, #tpu.memory_space<vmem_shared>>
      %dma_wait3A_246 = arith.constant 0 : i32
      %dma_wait3A_247 = tpu.memref_slice %arg9[%add3A_19, %dma_wait3A_246] : memref<10240x64xf32, #tpu.memory_space<vmem_shared>> -> memref<128x64xf32, #tpu.memory_space<vmem_shared>>
      %dma_wait3A_248 = arith.constant 0 : i32
      %dma_wait3A_249 = arith.constant 0 : i32
      %dma_wait3A_250 = tpu.memref_slice %arg8[%run_scoped3A_20, %dma_wait3A_248, %dma_wait3A_249] : memref<4x128x64xf32, #tpu.memory_space<vmem>> -> memref<1x128x64xf32, #tpu.memory_space<vmem>>
      %dma_wait3A_251 = tpu.memref_squeeze %dma_wait3A_250 : memref<1x128x64xf32, #tpu.memory_space<vmem>> -> memref<128x64xf32, #tpu.memory_space<vmem>>
      tpu.wait_dma2 semaphore(%run_scoped3A_227 : memref<!tpu.dma_semaphore, #tpu.memory_space<semaphore_mem>>) src(%dma_wait3A_251 : memref<128x64xf32, #tpu.memory_space<vmem>>) dst(%dma_wait3A_247 : memref<128x64xf32, #tpu.memory_space<vmem_shared>>)
      tpu.yield
    }) : () -> ()
    %add3A_21 = arith.constant 256 : i32
    %add3A_22 = arith.addi %mul3A_16, %add3A_21 : i32
    %run_scoped3A_23 = arith.constant 0 : i32
    "tpu.region"() ({
      %run_scoped3A_227 = tpu.sem_alloc : memref<!tpu.dma_semaphore, #tpu.memory_space<semaphore_mem>>
      %dma_start3A_228 = arith.constant 0 : i32
      %dma_start3A_229 = arith.constant 0 : i32
      %dma_start3A_230 = tpu.memref_slice %arg8[%run_scoped3A_23, %dma_start3A_228, %dma_start3A_229] : memref<4x128x64xf32, #tpu.memory_space<vmem>> -> memref<1x128x64xf32, #tpu.memory_space<vmem>>
      %dma_start3A_231 = tpu.memref_squeeze %dma_start3A_230 : memref<1x128x64xf32, #tpu.memory_space<vmem>> -> memref<128x64xf32, #tpu.memory_space<vmem>>
      %dma_start3A_232 = arith.constant 0 : i32
      %dma_start3A_233 = tpu.memref_slice %arg9[%add3A_22, %dma_start3A_232] : memref<10240x64xf32, #tpu.memory_space<vmem_shared>> -> memref<128x64xf32, #tpu.memory_space<vmem_shared>>
      %dma_start3A_234 = arith.constant 0 : i32
      %dma_start3A_235 = tpu.memref_slice %arg9[%add3A_22, %dma_start3A_234] : memref<10240x64xf32, #tpu.memory_space<vmem_shared>> -> memref<128x64xf32, #tpu.memory_space<vmem_shared>>
      %dma_start3A_236 = arith.constant 0 : i32
      %dma_start3A_237 = arith.constant 0 : i32
      %dma_start3A_238 = tpu.memref_slice %arg8[%run_scoped3A_23, %dma_start3A_236, %dma_start3A_237] : memref<4x128x64xf32, #tpu.memory_space<vmem>> -> memref<1x128x64xf32, #tpu.memory_space<vmem>>
      %dma_start3A_239 = tpu.memref_squeeze %dma_start3A_238 : memref<1x128x64xf32, #tpu.memory_space<vmem>> -> memref<128x64xf32, #tpu.memory_space<vmem>>
      tpu.enqueue_dma source(%dma_start3A_239 : memref<128x64xf32, #tpu.memory_space<vmem>>) target(%dma_start3A_235 : memref<128x64xf32, #tpu.memory_space<vmem_shared>>) target_semaphore(%run_scoped3A_227 : memref<!tpu.dma_semaphore, #tpu.memory_space<semaphore_mem>>)
      %dma_wait3A_240 = arith.constant 0 : i32
      %dma_wait3A_241 = arith.constant 0 : i32
      %dma_wait3A_242 = tpu.memref_slice %arg8[%run_scoped3A_23, %dma_wait3A_240, %dma_wait3A_241] : memref<4x128x64xf32, #tpu.memory_space<vmem>> -> memref<1x128x64xf32, #tpu.memory_space<vmem>>
      %dma_wait3A_243 = tpu.memref_squeeze %dma_wait3A_242 : memref<1x128x64xf32, #tpu.memory_space<vmem>> -> memref<128x64xf32, #tpu.memory_space<vmem>>
      %dma_wait3A_244 = arith.constant 0 : i32
      %dma_wait3A_245 = tpu.memref_slice %arg9[%add3A_22, %dma_wait3A_244] : memref<10240x64xf32, #tpu.memory_space<vmem_shared>> -> memref<128x64xf32, #tpu.memory_space<vmem_shared>>
      %dma_wait3A_246 = arith.constant 0 : i32
      %dma_wait3A_247 = tpu.memref_slice %arg9[%add3A_22, %dma_wait3A_246] : memref<10240x64xf32, #tpu.memory_space<vmem_shared>> -> memref<128x64xf32, #tpu.memory_space<vmem_shared>>
      %dma_wait3A_248 = arith.constant 0 : i32
      %dma_wait3A_249 = arith.constant 0 : i32
      %dma_wait3A_250 = tpu.memref_slice %arg8[%run_scoped3A_23, %dma_wait3A_248, %dma_wait3A_249] : memref<4x128x64xf32, #tpu.memory_space<vmem>> -> memref<1x128x64xf32, #tpu.memory_space<vmem>>
      %dma_wait3A_251 = tpu.memref_squeeze %dma_wait3A_250 : memref<1x128x64xf32, #tpu.memory_space<vmem>> -> memref<128x64xf32, #tpu.memory_space<vmem>>
      tpu.wait_dma2 semaphore(%run_scoped3A_227 : memref<!tpu.dma_semaphore, #tpu.memory_space<semaphore_mem>>) src(%dma_wait3A_251 : memref<128x64xf32, #tpu.memory_space<vmem>>) dst(%dma_wait3A_247 : memref<128x64xf32, #tpu.memory_space<vmem_shared>>)
      tpu.yield
    }) : () -> ()
    %add3A_24 = arith.constant 384 : i32
    %add3A_25 = arith.addi %mul3A_16, %add3A_24 : i32
    %run_scoped3A_26 = arith.constant 0 : i32
    "tpu.region"() ({
      %run_scoped3A_227 = tpu.sem_alloc : memref<!tpu.dma_semaphore, #tpu.memory_space<semaphore_mem>>
      %dma_start3A_228 = arith.constant 0 : i32
      %dma_start3A_229 = arith.constant 0 : i32
      %dma_start3A_230 = tpu.memref_slice %arg8[%run_scoped3A_26, %dma_start3A_228, %dma_start3A_229] : memref<4x128x64xf32, #tpu.memory_space<vmem>> -> memref<1x128x64xf32, #tpu.memory_space<vmem>>
      %dma_start3A_231 = tpu.memref_squeeze %dma_start3A_230 : memref<1x128x64xf32, #tpu.memory_space<vmem>> -> memref<128x64xf32, #tpu.memory_space<vmem>>
      %dma_start3A_232 = arith.constant 0 : i32
      %dma_start3A_233 = tpu.memref_slice %arg9[%add3A_25, %dma_start3A_232] : memref<10240x64xf32, #tpu.memory_space<vmem_shared>> -> memref<128x64xf32, #tpu.memory_space<vmem_shared>>
      %dma_start3A_234 = arith.constant 0 : i32
      %dma_start3A_235 = tpu.memref_slice %arg9[%add3A_25, %dma_start3A_234] : memref<10240x64xf32, #tpu.memory_space<vmem_shared>> -> memref<128x64xf32, #tpu.memory_space<vmem_shared>>
      %dma_start3A_236 = arith.constant 0 : i32
      %dma_start3A_237 = arith.constant 0 : i32
      %dma_start3A_238 = tpu.memref_slice %arg8[%run_scoped3A_26, %dma_start3A_236, %dma_start3A_237] : memref<4x128x64xf32, #tpu.memory_space<vmem>> -> memref<1x128x64xf32, #tpu.memory_space<vmem>>
      %dma_start3A_239 = tpu.memref_squeeze %dma_start3A_238 : memref<1x128x64xf32, #tpu.memory_space<vmem>> -> memref<128x64xf32, #tpu.memory_space<vmem>>
      tpu.enqueue_dma source(%dma_start3A_239 : memref<128x64xf32, #tpu.memory_space<vmem>>) target(%dma_start3A_235 : memref<128x64xf32, #tpu.memory_space<vmem_shared>>) target_semaphore(%run_scoped3A_227 : memref<!tpu.dma_semaphore, #tpu.memory_space<semaphore_mem>>)
      %dma_wait3A_240 = arith.constant 0 : i32
      %dma_wait3A_241 = arith.constant 0 : i32
      %dma_wait3A_242 = tpu.memref_slice %arg8[%run_scoped3A_26, %dma_wait3A_240, %dma_wait3A_241] : memref<4x128x64xf32, #tpu.memory_space<vmem>> -> memref<1x128x64xf32, #tpu.memory_space<vmem>>
      %dma_wait3A_243 = tpu.memref_squeeze %dma_wait3A_242 : memref<1x128x64xf32, #tpu.memory_space<vmem>> -> memref<128x64xf32, #tpu.memory_space<vmem>>
      %dma_wait3A_244 = arith.constant 0 : i32
      %dma_wait3A_245 = tpu.memref_slice %arg9[%add3A_25, %dma_wait3A_244] : memref<10240x64xf32, #tpu.memory_space<vmem_shared>> -> memref<128x64xf32, #tpu.memory_space<vmem_shared>>
      %dma_wait3A_246 = arith.constant 0 : i32
      %dma_wait3A_247 = tpu.memref_slice %arg9[%add3A_25, %dma_wait3A_246] : memref<10240x64xf32, #tpu.memory_space<vmem_shared>> -> memref<128x64xf32, #tpu.memory_space<vmem_shared>>
      %dma_wait3A_248 = arith.constant 0 : i32
      %dma_wait3A_249 = arith.constant 0 : i32
      %dma_wait3A_250 = tpu.memref_slice %arg8[%run_scoped3A_26, %dma_wait3A_248, %dma_wait3A_249] : memref<4x128x64xf32, #tpu.memory_space<vmem>> -> memref<1x128x64xf32, #tpu.memory_space<vmem>>
      %dma_wait3A_251 = tpu.memref_squeeze %dma_wait3A_250 : memref<1x128x64xf32, #tpu.memory_space<vmem>> -> memref<128x64xf32, #tpu.memory_space<vmem>>
      tpu.wait_dma2 semaphore(%run_scoped3A_227 : memref<!tpu.dma_semaphore, #tpu.memory_space<semaphore_mem>>) src(%dma_wait3A_251 : memref<128x64xf32, #tpu.memory_space<vmem>>) dst(%dma_wait3A_247 : memref<128x64xf32, #tpu.memory_space<vmem_shared>>)
      tpu.yield
    }) : () -> ()
    %add3A_27 = arith.constant 512 : i32
    %add3A_28 = arith.addi %mul3A_16, %add3A_27 : i32
    %run_scoped3A_29 = arith.constant 0 : i32
    "tpu.region"() ({
      %run_scoped3A_227 = tpu.sem_alloc : memref<!tpu.dma_semaphore, #tpu.memory_space<semaphore_mem>>
      %dma_start3A_228 = arith.constant 0 : i32
      %dma_start3A_229 = arith.constant 0 : i32
      %dma_start3A_230 = tpu.memref_slice %arg8[%run_scoped3A_29, %dma_start3A_228, %dma_start3A_229] : memref<4x128x64xf32, #tpu.memory_space<vmem>> -> memref<1x128x64xf32, #tpu.memory_space<vmem>>
      %dma_start3A_231 = tpu.memref_squeeze %dma_start3A_230 : memref<1x128x64xf32, #tpu.memory_space<vmem>> -> memref<128x64xf32, #tpu.memory_space<vmem>>
      %dma_start3A_232 = arith.constant 0 : i32
      %dma_start3A_233 = tpu.memref_slice %arg9[%add3A_28, %dma_start3A_232] : memref<10240x64xf32, #tpu.memory_space<vmem_shared>> -> memref<128x64xf32, #tpu.memory_space<vmem_shared>>
      %dma_start3A_234 = arith.constant 0 : i32
      %dma_start3A_235 = tpu.memref_slice %arg9[%add3A_28, %dma_start3A_234] : memref<10240x64xf32, #tpu.memory_space<vmem_shared>> -> memref<128x64xf32, #tpu.memory_space<vmem_shared>>
      %dma_start3A_236 = arith.constant 0 : i32
      %dma_start3A_237 = arith.constant 0 : i32
      %dma_start3A_238 = tpu.memref_slice %arg8[%run_scoped3A_29, %dma_start3A_236, %dma_start3A_237] : memref<4x128x64xf32, #tpu.memory_space<vmem>> -> memref<1x128x64xf32, #tpu.memory_space<vmem>>
      %dma_start3A_239 = tpu.memref_squeeze %dma_start3A_238 : memref<1x128x64xf32, #tpu.memory_space<vmem>> -> memref<128x64xf32, #tpu.memory_space<vmem>>
      tpu.enqueue_dma source(%dma_start3A_239 : memref<128x64xf32, #tpu.memory_space<vmem>>) target(%dma_start3A_235 : memref<128x64xf32, #tpu.memory_space<vmem_shared>>) target_semaphore(%run_scoped3A_227 : memref<!tpu.dma_semaphore, #tpu.memory_space<semaphore_mem>>)
      %dma_wait3A_240 = arith.constant 0 : i32
      %dma_wait3A_241 = arith.constant 0 : i32
      %dma_wait3A_242 = tpu.memref_slice %arg8[%run_scoped3A_29, %dma_wait3A_240, %dma_wait3A_241] : memref<4x128x64xf32, #tpu.memory_space<vmem>> -> memref<1x128x64xf32, #tpu.memory_space<vmem>>
      %dma_wait3A_243 = tpu.memref_squeeze %dma_wait3A_242 : memref<1x128x64xf32, #tpu.memory_space<vmem>> -> memref<128x64xf32, #tpu.memory_space<vmem>>
      %dma_wait3A_244 = arith.constant 0 : i32
      %dma_wait3A_245 = tpu.memref_slice %arg9[%add3A_28, %dma_wait3A_244] : memref<10240x64xf32, #tpu.memory_space<vmem_shared>> -> memref<128x64xf32, #tpu.memory_space<vmem_shared>>
      %dma_wait3A_246 = arith.constant 0 : i32
      %dma_wait3A_247 = tpu.memref_slice %arg9[%add3A_28, %dma_wait3A_246] : memref<10240x64xf32, #tpu.memory_space<vmem_shared>> -> memref<128x64xf32, #tpu.memory_space<vmem_shared>>
      %dma_wait3A_248 = arith.constant 0 : i32
      %dma_wait3A_249 = arith.constant 0 : i32
      %dma_wait3A_250 = tpu.memref_slice %arg8[%run_scoped3A_29, %dma_wait3A_248, %dma_wait3A_249] : memref<4x128x64xf32, #tpu.memory_space<vmem>> -> memref<1x128x64xf32, #tpu.memory_space<vmem>>
      %dma_wait3A_251 = tpu.memref_squeeze %dma_wait3A_250 : memref<1x128x64xf32, #tpu.memory_space<vmem>> -> memref<128x64xf32, #tpu.memory_space<vmem>>
      tpu.wait_dma2 semaphore(%run_scoped3A_227 : memref<!tpu.dma_semaphore, #tpu.memory_space<semaphore_mem>>) src(%dma_wait3A_251 : memref<128x64xf32, #tpu.memory_space<vmem>>) dst(%dma_wait3A_247 : memref<128x64xf32, #tpu.memory_space<vmem_shared>>)
      tpu.yield
    }) : () -> ()
    %barrier3A = arith.constant 0 : index
    tpu.barrier barrier_id(%barrier3A)
    %dma_start3A = arith.constant 0 : i32
    %dma_start3A_30 = arith.constant 0 : i32
    %dma_start3A_31 = arith.constant 0 : i32
    %dma_start3A_32 = arith.constant 0 : i32
    %dma_start3A_33 = tpu.memref_slice %arg8[%dma_start3A_30, %dma_start3A_31, %dma_start3A_32] : memref<4x128x64xf32, #tpu.memory_space<vmem>> -> memref<1x128x64xf32, #tpu.memory_space<vmem>>
    %dma_start3A_34 = tpu.memref_squeeze %dma_start3A_33 : memref<1x128x64xf32, #tpu.memory_space<vmem>> -> memref<128x64xf32, #tpu.memory_space<vmem>>
    %dma_start3A_35 = arith.constant 0 : i32
    %dma_start3A_36 = tpu.memref_slice %arg6[%dma_start3A, %dma_start3A_35] : memref<160x128xi32, #tpu.memory_space<vmem>> -> memref<1x128xi32, #tpu.memory_space<vmem>>
    %dma_start3A_37 = tpu.memref_squeeze %dma_start3A_36 : memref<1x128xi32, #tpu.memory_space<vmem>> -> memref<128xi32, #tpu.memory_space<vmem>>
    %dma_start3A_38 = arith.constant 0 : i32
    %dma_start3A_39 = arith.constant 0 : i32
    %dma_start3A_40 = tpu.memref_slice %arg4[%dma_start3A_38, %dma_start3A_39] : memref<20480x64xf32, #tpu.memory_space<hbm>> -> memref<20480x64xf32, #tpu.memory_space<hbm>>
    tpu.enqueue_indirect_dma source(%dma_start3A_40 : memref<20480x64xf32, #tpu.memory_space<hbm>>) target(%dma_start3A_34 : memref<128x64xf32, #tpu.memory_space<vmem>>) offsets(%dma_start3A_37 : memref<128xi32, #tpu.memory_space<vmem>>) semaphore(%arg10 : memref<!tpu.dma_semaphore, #tpu.memory_space<semaphore_mem>>)
    %dma_start3A_41 = arith.constant 1 : i32
    %dma_start3A_42 = arith.constant 1 : i32
    %dma_start3A_43 = arith.constant 0 : i32
    %dma_start3A_44 = arith.constant 0 : i32
    %dma_start3A_45 = tpu.memref_slice %arg8[%dma_start3A_42, %dma_start3A_43, %dma_start3A_44] : memref<4x128x64xf32, #tpu.memory_space<vmem>> -> memref<1x128x64xf32, #tpu.memory_space<vmem>>
    %dma_start3A_46 = tpu.memref_squeeze %dma_start3A_45 : memref<1x128x64xf32, #tpu.memory_space<vmem>> -> memref<128x64xf32, #tpu.memory_space<vmem>>
    %dma_start3A_47 = arith.constant 0 : i32
    %dma_start3A_48 = tpu.memref_slice %arg6[%dma_start3A_41, %dma_start3A_47] : memref<160x128xi32, #tpu.memory_space<vmem>> -> memref<1x128xi32, #tpu.memory_space<vmem>>
    %dma_start3A_49 = tpu.memref_squeeze %dma_start3A_48 : memref<1x128xi32, #tpu.memory_space<vmem>> -> memref<128xi32, #tpu.memory_space<vmem>>
    %dma_start3A_50 = arith.constant 0 : i32
    %dma_start3A_51 = arith.constant 0 : i32
    %dma_start3A_52 = tpu.memref_slice %arg4[%dma_start3A_50, %dma_start3A_51] : memref<20480x64xf32, #tpu.memory_space<hbm>> -> memref<20480x64xf32, #tpu.memory_space<hbm>>
    tpu.enqueue_indirect_dma source(%dma_start3A_52 : memref<20480x64xf32, #tpu.memory_space<hbm>>) target(%dma_start3A_46 : memref<128x64xf32, #tpu.memory_space<vmem>>) offsets(%dma_start3A_49 : memref<128xi32, #tpu.memory_space<vmem>>) semaphore(%arg11 : memref<!tpu.dma_semaphore, #tpu.memory_space<semaphore_mem>>)
    %dma_start3A_53 = arith.constant 2 : i32
    %dma_start3A_54 = arith.constant 2 : i32
    %dma_start3A_55 = arith.constant 0 : i32
    %dma_start3A_56 = arith.constant 0 : i32
    %dma_start3A_57 = tpu.memref_slice %arg8[%dma_start3A_54, %dma_start3A_55, %dma_start3A_56] : memref<4x128x64xf32, #tpu.memory_space<vmem>> -> memref<1x128x64xf32, #tpu.memory_space<vmem>>
    %dma_start3A_58 = tpu.memref_squeeze %dma_start3A_57 : memref<1x128x64xf32, #tpu.memory_space<vmem>> -> memref<128x64xf32, #tpu.memory_space<vmem>>
    %dma_start3A_59 = arith.constant 0 : i32
    %dma_start3A_60 = tpu.memref_slice %arg6[%dma_start3A_53, %dma_start3A_59] : memref<160x128xi32, #tpu.memory_space<vmem>> -> memref<1x128xi32, #tpu.memory_space<vmem>>
    %dma_start3A_61 = tpu.memref_squeeze %dma_start3A_60 : memref<1x128xi32, #tpu.memory_space<vmem>> -> memref<128xi32, #tpu.memory_space<vmem>>
    %dma_start3A_62 = arith.constant 0 : i32
    %dma_start3A_63 = arith.constant 0 : i32
    %dma_start3A_64 = tpu.memref_slice %arg4[%dma_start3A_62, %dma_start3A_63] : memref<20480x64xf32, #tpu.memory_space<hbm>> -> memref<20480x64xf32, #tpu.memory_space<hbm>>
    tpu.enqueue_indirect_dma source(%dma_start3A_64 : memref<20480x64xf32, #tpu.memory_space<hbm>>) target(%dma_start3A_58 : memref<128x64xf32, #tpu.memory_space<vmem>>) offsets(%dma_start3A_61 : memref<128xi32, #tpu.memory_space<vmem>>) semaphore(%arg12 : memref<!tpu.dma_semaphore, #tpu.memory_space<semaphore_mem>>)
    %dma_start3A_65 = arith.constant 3 : i32
    %dma_start3A_66 = arith.constant 3 : i32
    %dma_start3A_67 = arith.constant 0 : i32
    %dma_start3A_68 = arith.constant 0 : i32
    %dma_start3A_69 = tpu.memref_slice %arg8[%dma_start3A_66, %dma_start3A_67, %dma_start3A_68] : memref<4x128x64xf32, #tpu.memory_space<vmem>> -> memref<1x128x64xf32, #tpu.memory_space<vmem>>
    %dma_start3A_70 = tpu.memref_squeeze %dma_start3A_69 : memref<1x128x64xf32, #tpu.memory_space<vmem>> -> memref<128x64xf32, #tpu.memory_space<vmem>>
    %dma_start3A_71 = arith.constant 0 : i32
    %dma_start3A_72 = tpu.memref_slice %arg6[%dma_start3A_65, %dma_start3A_71] : memref<160x128xi32, #tpu.memory_space<vmem>> -> memref<1x128xi32, #tpu.memory_space<vmem>>
    %dma_start3A_73 = tpu.memref_squeeze %dma_start3A_72 : memref<1x128xi32, #tpu.memory_space<vmem>> -> memref<128xi32, #tpu.memory_space<vmem>>
    %dma_start3A_74 = arith.constant 0 : i32
    %dma_start3A_75 = arith.constant 0 : i32
    %dma_start3A_76 = tpu.memref_slice %arg4[%dma_start3A_74, %dma_start3A_75] : memref<20480x64xf32, #tpu.memory_space<hbm>> -> memref<20480x64xf32, #tpu.memory_space<hbm>>
    tpu.enqueue_indirect_dma source(%dma_start3A_76 : memref<20480x64xf32, #tpu.memory_space<hbm>>) target(%dma_start3A_70 : memref<128x64xf32, #tpu.memory_space<vmem>>) offsets(%dma_start3A_73 : memref<128xi32, #tpu.memory_space<vmem>>) semaphore(%arg13 : memref<!tpu.dma_semaphore, #tpu.memory_space<semaphore_mem>>)
    %scan3A_77 = arith.constant 0 : i32
    %scan3A_78 = arith.constant 0 : i32
    %scan3A_79 = arith.constant 39 : i32
    %scan3A_80 = arith.addi %scan3A_78, %scan3A_79 : i32
    %scan3A_81 = arith.constant 1 : i32
    scf.for %scan3A_227 = %scan3A_78 to %scan3A_80 step %scan3A_81  : i32 {
      %mul3A_228 = arith.constant 4 : i32
      %mul3A_229 = arith.muli %mul3A_228, %scan3A_227 : i32
      %dma_wait3A_230 = arith.constant 0 : i32
      %dma_wait3A_231 = arith.constant 0 : i32
      %dma_wait3A_232 = arith.constant 0 : i32
      %dma_wait3A_233 = arith.constant 0 : i32
      %dma_wait3A_234 = tpu.memref_slice %arg8[%dma_wait3A_231, %dma_wait3A_232, %dma_wait3A_233] : memref<4x128x64xf32, #tpu.memory_space<vmem>> -> memref<1x128x64xf32, #tpu.memory_space<vmem>>
      %dma_wait3A_235 = tpu.memref_squeeze %dma_wait3A_234 : memref<1x128x64xf32, #tpu.memory_space<vmem>> -> memref<128x64xf32, #tpu.memory_space<vmem>>
      %dma_wait3A_236 = arith.constant 0 : i32
      %dma_wait3A_237 = tpu.memref_slice %arg6[%dma_wait3A_230, %dma_wait3A_236] : memref<160x128xi32, #tpu.memory_space<vmem>> -> memref<1x128xi32, #tpu.memory_space<vmem>>
      %dma_wait3A_238 = tpu.memref_squeeze %dma_wait3A_237 : memref<1x128xi32, #tpu.memory_space<vmem>> -> memref<128xi32, #tpu.memory_space<vmem>>
      %dma_wait3A_239 = arith.constant 0 : i32
      %dma_wait3A_240 = arith.constant 0 : i32
      %dma_wait3A_241 = tpu.memref_slice %arg4[%dma_wait3A_239, %dma_wait3A_240] : memref<20480x64xf32, #tpu.memory_space<hbm>> -> memref<20480x64xf32, #tpu.memory_space<hbm>>
      tpu.wait_indirect_dma semaphore(%arg10 : memref<!tpu.dma_semaphore, #tpu.memory_space<semaphore_mem>>) src(%dma_wait3A_241 : memref<20480x64xf32, #tpu.memory_space<hbm>>) dst(%dma_wait3A_235 : memref<128x64xf32, #tpu.memory_space<vmem>>)
      %add3A_242 = arith.constant 0 : i32
      %add3A_243 = arith.addi %mul3A_229, %add3A_242 : i32
      %dma_start3A_244 = arith.constant 0 : i32
      %dma_start3A_245 = arith.constant 0 : i32
      %dma_start3A_246 = arith.constant 0 : i32
      %dma_start3A_247 = tpu.memref_slice %arg8[%dma_start3A_244, %dma_start3A_245, %dma_start3A_246] : memref<4x128x64xf32, #tpu.memory_space<vmem>> -> memref<1x128x64xf32, #tpu.memory_space<vmem>>
      %dma_start3A_248 = tpu.memref_squeeze %dma_start3A_247 : memref<1x128x64xf32, #tpu.memory_space<vmem>> -> memref<128x64xf32, #tpu.memory_space<vmem>>
      %dma_start3A_249 = arith.constant 0 : i32
      %dma_start3A_250 = tpu.memref_slice %arg7[%add3A_243, %dma_start3A_249] : memref<160x128xi32, #tpu.memory_space<vmem>> -> memref<1x128xi32, #tpu.memory_space<vmem>>
      %dma_start3A_251 = tpu.memref_squeeze %dma_start3A_250 : memref<1x128xi32, #tpu.memory_space<vmem>> -> memref<128xi32, #tpu.memory_space<vmem>>
      %dma_start3A_252 = arith.constant 0 : i32
      %dma_start3A_253 = arith.constant 0 : i32
      %dma_start3A_254 = tpu.memref_slice %arg9[%dma_start3A_252, %dma_start3A_253] : memref<10240x64xf32, #tpu.memory_space<vmem_shared>> -> memref<10240x64xf32, #tpu.memory_space<vmem_shared>>
      tpu.enqueue_indirect_dma source(%dma_start3A_248 : memref<128x64xf32, #tpu.memory_space<vmem>>) target(%dma_start3A_254 : memref<10240x64xf32, #tpu.memory_space<vmem_shared>>) offsets(%dma_start3A_251 : memref<128xi32, #tpu.memory_space<vmem>>) semaphore(%arg14 : memref<!tpu.dma_semaphore, #tpu.memory_space<semaphore_mem>>) {add = true}
      %dma_wait3A_255 = arith.constant 0 : i32
      %dma_wait3A_256 = arith.constant 1 : i32
      %dma_wait3A_257 = arith.constant 0 : i32
      %dma_wait3A_258 = arith.constant 0 : i32
      %dma_wait3A_259 = tpu.memref_slice %arg8[%dma_wait3A_256, %dma_wait3A_257, %dma_wait3A_258] : memref<4x128x64xf32, #tpu.memory_space<vmem>> -> memref<1x128x64xf32, #tpu.memory_space<vmem>>
      %dma_wait3A_260 = tpu.memref_squeeze %dma_wait3A_259 : memref<1x128x64xf32, #tpu.memory_space<vmem>> -> memref<128x64xf32, #tpu.memory_space<vmem>>
      %dma_wait3A_261 = arith.constant 0 : i32
      %dma_wait3A_262 = tpu.memref_slice %arg6[%dma_wait3A_255, %dma_wait3A_261] : memref<160x128xi32, #tpu.memory_space<vmem>> -> memref<1x128xi32, #tpu.memory_space<vmem>>
      %dma_wait3A_263 = tpu.memref_squeeze %dma_wait3A_262 : memref<1x128xi32, #tpu.memory_space<vmem>> -> memref<128xi32, #tpu.memory_space<vmem>>
      %dma_wait3A_264 = arith.constant 0 : i32
      %dma_wait3A_265 = arith.constant 0 : i32
      %dma_wait3A_266 = tpu.memref_slice %arg4[%dma_wait3A_264, %dma_wait3A_265] : memref<20480x64xf32, #tpu.memory_space<hbm>> -> memref<20480x64xf32, #tpu.memory_space<hbm>>
      tpu.wait_indirect_dma semaphore(%arg11 : memref<!tpu.dma_semaphore, #tpu.memory_space<semaphore_mem>>) src(%dma_wait3A_266 : memref<20480x64xf32, #tpu.memory_space<hbm>>) dst(%dma_wait3A_260 : memref<128x64xf32, #tpu.memory_space<vmem>>)
      %add3A_267 = arith.constant 1 : i32
      %add3A_268 = arith.addi %mul3A_229, %add3A_267 : i32
      %dma_start3A_269 = arith.constant 1 : i32
      %dma_start3A_270 = arith.constant 0 : i32
      %dma_start3A_271 = arith.constant 0 : i32
      %dma_start3A_272 = tpu.memref_slice %arg8[%dma_start3A_269, %dma_start3A_270, %dma_start3A_271] : memref<4x128x64xf32, #tpu.memory_space<vmem>> -> memref<1x128x64xf32, #tpu.memory_space<vmem>>
      %dma_start3A_273 = tpu.memref_squeeze %dma_start3A_272 : memref<1x128x64xf32, #tpu.memory_space<vmem>> -> memref<128x64xf32, #tpu.memory_space<vmem>>
      %dma_start3A_274 = arith.constant 0 : i32
      %dma_start3A_275 = tpu.memref_slice %arg7[%add3A_268, %dma_start3A_274] : memref<160x128xi32, #tpu.memory_space<vmem>> -> memref<1x128xi32, #tpu.memory_space<vmem>>
      %dma_start3A_276 = tpu.memref_squeeze %dma_start3A_275 : memref<1x128xi32, #tpu.memory_space<vmem>> -> memref<128xi32, #tpu.memory_space<vmem>>
      %dma_start3A_277 = arith.constant 0 : i32
      %dma_start3A_278 = arith.constant 0 : i32
      %dma_start3A_279 = tpu.memref_slice %arg9[%dma_start3A_277, %dma_start3A_278] : memref<10240x64xf32, #tpu.memory_space<vmem_shared>> -> memref<10240x64xf32, #tpu.memory_space<vmem_shared>>
      tpu.enqueue_indirect_dma source(%dma_start3A_273 : memref<128x64xf32, #tpu.memory_space<vmem>>) target(%dma_start3A_279 : memref<10240x64xf32, #tpu.memory_space<vmem_shared>>) offsets(%dma_start3A_276 : memref<128xi32, #tpu.memory_space<vmem>>) semaphore(%arg15 : memref<!tpu.dma_semaphore, #tpu.memory_space<semaphore_mem>>) {add = true}
      %dma_wait3A_280 = arith.constant 0 : i32
      %dma_wait3A_281 = arith.constant 2 : i32
      %dma_wait3A_282 = arith.constant 0 : i32
      %dma_wait3A_283 = arith.constant 0 : i32
      %dma_wait3A_284 = tpu.memref_slice %arg8[%dma_wait3A_281, %dma_wait3A_282, %dma_wait3A_283] : memref<4x128x64xf32, #tpu.memory_space<vmem>> -> memref<1x128x64xf32, #tpu.memory_space<vmem>>
      %dma_wait3A_285 = tpu.memref_squeeze %dma_wait3A_284 : memref<1x128x64xf32, #tpu.memory_space<vmem>> -> memref<128x64xf32, #tpu.memory_space<vmem>>
      %dma_wait3A_286 = arith.constant 0 : i32
      %dma_wait3A_287 = tpu.memref_slice %arg6[%dma_wait3A_280, %dma_wait3A_286] : memref<160x128xi32, #tpu.memory_space<vmem>> -> memref<1x128xi32, #tpu.memory_space<vmem>>
      %dma_wait3A_288 = tpu.memref_squeeze %dma_wait3A_287 : memref<1x128xi32, #tpu.memory_space<vmem>> -> memref<128xi32, #tpu.memory_space<vmem>>
      %dma_wait3A_289 = arith.constant 0 : i32
      %dma_wait3A_290 = arith.constant 0 : i32
      %dma_wait3A_291 = tpu.memref_slice %arg4[%dma_wait3A_289, %dma_wait3A_290] : memref<20480x64xf32, #tpu.memory_space<hbm>> -> memref<20480x64xf32, #tpu.memory_space<hbm>>
      tpu.wait_indirect_dma semaphore(%arg12 : memref<!tpu.dma_semaphore, #tpu.memory_space<semaphore_mem>>) src(%dma_wait3A_291 : memref<20480x64xf32, #tpu.memory_space<hbm>>) dst(%dma_wait3A_285 : memref<128x64xf32, #tpu.memory_space<vmem>>)
      %add3A_292 = arith.constant 2 : i32
      %add3A_293 = arith.addi %mul3A_229, %add3A_292 : i32
      %dma_start3A_294 = arith.constant 2 : i32
      %dma_start3A_295 = arith.constant 0 : i32
      %dma_start3A_296 = arith.constant 0 : i32
      %dma_start3A_297 = tpu.memref_slice %arg8[%dma_start3A_294, %dma_start3A_295, %dma_start3A_296] : memref<4x128x64xf32, #tpu.memory_space<vmem>> -> memref<1x128x64xf32, #tpu.memory_space<vmem>>
      %dma_start3A_298 = tpu.memref_squeeze %dma_start3A_297 : memref<1x128x64xf32, #tpu.memory_space<vmem>> -> memref<128x64xf32, #tpu.memory_space<vmem>>
      %dma_start3A_299 = arith.constant 0 : i32
      %dma_start3A_300 = tpu.memref_slice %arg7[%add3A_293, %dma_start3A_299] : memref<160x128xi32, #tpu.memory_space<vmem>> -> memref<1x128xi32, #tpu.memory_space<vmem>>
      %dma_start3A_301 = tpu.memref_squeeze %dma_start3A_300 : memref<1x128xi32, #tpu.memory_space<vmem>> -> memref<128xi32, #tpu.memory_space<vmem>>
      %dma_start3A_302 = arith.constant 0 : i32
      %dma_start3A_303 = arith.constant 0 : i32
      %dma_start3A_304 = tpu.memref_slice %arg9[%dma_start3A_302, %dma_start3A_303] : memref<10240x64xf32, #tpu.memory_space<vmem_shared>> -> memref<10240x64xf32, #tpu.memory_space<vmem_shared>>
      tpu.enqueue_indirect_dma source(%dma_start3A_298 : memref<128x64xf32, #tpu.memory_space<vmem>>) target(%dma_start3A_304 : memref<10240x64xf32, #tpu.memory_space<vmem_shared>>) offsets(%dma_start3A_301 : memref<128xi32, #tpu.memory_space<vmem>>) semaphore(%arg16 : memref<!tpu.dma_semaphore, #tpu.memory_space<semaphore_mem>>) {add = true}
      %dma_wait3A_305 = arith.constant 0 : i32
      %dma_wait3A_306 = arith.constant 3 : i32
      %dma_wait3A_307 = arith.constant 0 : i32
      %dma_wait3A_308 = arith.constant 0 : i32
      %dma_wait3A_309 = tpu.memref_slice %arg8[%dma_wait3A_306, %dma_wait3A_307, %dma_wait3A_308] : memref<4x128x64xf32, #tpu.memory_space<vmem>> -> memref<1x128x64xf32, #tpu.memory_space<vmem>>
      %dma_wait3A_310 = tpu.memref_squeeze %dma_wait3A_309 : memref<1x128x64xf32, #tpu.memory_space<vmem>> -> memref<128x64xf32, #tpu.memory_space<vmem>>
      %dma_wait3A_311 = arith.constant 0 : i32
      %dma_wait3A_312 = tpu.memref_slice %arg6[%dma_wait3A_305, %dma_wait3A_311] : memref<160x128xi32, #tpu.memory_space<vmem>> -> memref<1x128xi32, #tpu.memory_space<vmem>>
      %dma_wait3A_313 = tpu.memref_squeeze %dma_wait3A_312 : memref<1x128xi32, #tpu.memory_space<vmem>> -> memref<128xi32, #tpu.memory_space<vmem>>
      %dma_wait3A_314 = arith.constant 0 : i32
      %dma_wait3A_315 = arith.constant 0 : i32
      %dma_wait3A_316 = tpu.memref_slice %arg4[%dma_wait3A_314, %dma_wait3A_315] : memref<20480x64xf32, #tpu.memory_space<hbm>> -> memref<20480x64xf32, #tpu.memory_space<hbm>>
      tpu.wait_indirect_dma semaphore(%arg13 : memref<!tpu.dma_semaphore, #tpu.memory_space<semaphore_mem>>) src(%dma_wait3A_316 : memref<20480x64xf32, #tpu.memory_space<hbm>>) dst(%dma_wait3A_310 : memref<128x64xf32, #tpu.memory_space<vmem>>)
      %add3A_317 = arith.constant 3 : i32
      %add3A_318 = arith.addi %mul3A_229, %add3A_317 : i32
      %dma_start3A_319 = arith.constant 3 : i32
      %dma_start3A_320 = arith.constant 0 : i32
      %dma_start3A_321 = arith.constant 0 : i32
      %dma_start3A_322 = tpu.memref_slice %arg8[%dma_start3A_319, %dma_start3A_320, %dma_start3A_321] : memref<4x128x64xf32, #tpu.memory_space<vmem>> -> memref<1x128x64xf32, #tpu.memory_space<vmem>>
      %dma_start3A_323 = tpu.memref_squeeze %dma_start3A_322 : memref<1x128x64xf32, #tpu.memory_space<vmem>> -> memref<128x64xf32, #tpu.memory_space<vmem>>
      %dma_start3A_324 = arith.constant 0 : i32
      %dma_start3A_325 = tpu.memref_slice %arg7[%add3A_318, %dma_start3A_324] : memref<160x128xi32, #tpu.memory_space<vmem>> -> memref<1x128xi32, #tpu.memory_space<vmem>>
      %dma_start3A_326 = tpu.memref_squeeze %dma_start3A_325 : memref<1x128xi32, #tpu.memory_space<vmem>> -> memref<128xi32, #tpu.memory_space<vmem>>
      %dma_start3A_327 = arith.constant 0 : i32
      %dma_start3A_328 = arith.constant 0 : i32
      %dma_start3A_329 = tpu.memref_slice %arg9[%dma_start3A_327, %dma_start3A_328] : memref<10240x64xf32, #tpu.memory_space<vmem_shared>> -> memref<10240x64xf32, #tpu.memory_space<vmem_shared>>
      tpu.enqueue_indirect_dma source(%dma_start3A_323 : memref<128x64xf32, #tpu.memory_space<vmem>>) target(%dma_start3A_329 : memref<10240x64xf32, #tpu.memory_space<vmem_shared>>) offsets(%dma_start3A_326 : memref<128xi32, #tpu.memory_space<vmem>>) semaphore(%arg17 : memref<!tpu.dma_semaphore, #tpu.memory_space<semaphore_mem>>) {add = true}
      %dma_wait3A_330 = arith.constant 0 : i32
      %dma_wait3A_331 = arith.constant 0 : i32
      %dma_wait3A_332 = arith.constant 0 : i32
      %dma_wait3A_333 = arith.constant 0 : i32
      %dma_wait3A_334 = tpu.memref_slice %arg8[%dma_wait3A_330, %dma_wait3A_332, %dma_wait3A_333] : memref<4x128x64xf32, #tpu.memory_space<vmem>> -> memref<1x128x64xf32, #tpu.memory_space<vmem>>
      %dma_wait3A_335 = tpu.memref_squeeze %dma_wait3A_334 : memref<1x128x64xf32, #tpu.memory_space<vmem>> -> memref<128x64xf32, #tpu.memory_space<vmem>>
      %dma_wait3A_336 = arith.constant 0 : i32
      %dma_wait3A_337 = tpu.memref_slice %arg7[%dma_wait3A_331, %dma_wait3A_336] : memref<160x128xi32, #tpu.memory_space<vmem>> -> memref<1x128xi32, #tpu.memory_space<vmem>>
      %dma_wait3A_338 = tpu.memref_squeeze %dma_wait3A_337 : memref<1x128xi32, #tpu.memory_space<vmem>> -> memref<128xi32, #tpu.memory_space<vmem>>
      %dma_wait3A_339 = arith.constant 0 : i32
      %dma_wait3A_340 = arith.constant 0 : i32
      %dma_wait3A_341 = tpu.memref_slice %arg9[%dma_wait3A_339, %dma_wait3A_340] : memref<10240x64xf32, #tpu.memory_space<vmem_shared>> -> memref<10240x64xf32, #tpu.memory_space<vmem_shared>>
      tpu.wait_indirect_dma semaphore(%arg14 : memref<!tpu.dma_semaphore, #tpu.memory_space<semaphore_mem>>) src(%dma_wait3A_335 : memref<128x64xf32, #tpu.memory_space<vmem>>) dst(%dma_wait3A_341 : memref<10240x64xf32, #tpu.memory_space<vmem_shared>>)
      %add3A_342 = arith.constant 4 : i32
      %add3A_343 = arith.addi %mul3A_229, %add3A_342 : i32
      %add3A_344 = arith.constant 0 : i32
      %add3A_345 = arith.addi %add3A_343, %add3A_344 : i32
      %dma_start3A_346 = arith.constant 0 : i32
      %dma_start3A_347 = arith.constant 0 : i32
      %dma_start3A_348 = arith.constant 0 : i32
      %dma_start3A_349 = tpu.memref_slice %arg8[%dma_start3A_346, %dma_start3A_347, %dma_start3A_348] : memref<4x128x64xf32, #tpu.memory_space<vmem>> -> memref<1x128x64xf32, #tpu.memory_space<vmem>>
      %dma_start3A_350 = tpu.memref_squeeze %dma_start3A_349 : memref<1x128x64xf32, #tpu.memory_space<vmem>> -> memref<128x64xf32, #tpu.memory_space<vmem>>
      %dma_start3A_351 = arith.constant 0 : i32
      %dma_start3A_352 = tpu.memref_slice %arg6[%add3A_345, %dma_start3A_351] : memref<160x128xi32, #tpu.memory_space<vmem>> -> memref<1x128xi32, #tpu.memory_space<vmem>>
      %dma_start3A_353 = tpu.memref_squeeze %dma_start3A_352 : memref<1x128xi32, #tpu.memory_space<vmem>> -> memref<128xi32, #tpu.memory_space<vmem>>
      %dma_start3A_354 = arith.constant 0 : i32
      %dma_start3A_355 = arith.constant 0 : i32
      %dma_start3A_356 = tpu.memref_slice %arg4[%dma_start3A_354, %dma_start3A_355] : memref<20480x64xf32, #tpu.memory_space<hbm>> -> memref<20480x64xf32, #tpu.memory_space<hbm>>
      tpu.enqueue_indirect_dma source(%dma_start3A_356 : memref<20480x64xf32, #tpu.memory_space<hbm>>) target(%dma_start3A_350 : memref<128x64xf32, #tpu.memory_space<vmem>>) offsets(%dma_start3A_353 : memref<128xi32, #tpu.memory_space<vmem>>) semaphore(%arg10 : memref<!tpu.dma_semaphore, #tpu.memory_space<semaphore_mem>>)
      %dma_wait3A_357 = arith.constant 1 : i32
      %dma_wait3A_358 = arith.constant 0 : i32
      %dma_wait3A_359 = arith.constant 0 : i32
      %dma_wait3A_360 = arith.constant 0 : i32
      %dma_wait3A_361 = tpu.memref_slice %arg8[%dma_wait3A_357, %dma_wait3A_359, %dma_wait3A_360] : memref<4x128x64xf32, #tpu.memory_space<vmem>> -> memref<1x128x64xf32, #tpu.memory_space<vmem>>
      %dma_wait3A_362 = tpu.memref_squeeze %dma_wait3A_361 : memref<1x128x64xf32, #tpu.memory_space<vmem>> -> memref<128x64xf32, #tpu.memory_space<vmem>>
      %dma_wait3A_363 = arith.constant 0 : i32
      %dma_wait3A_364 = tpu.memref_slice %arg7[%dma_wait3A_358, %dma_wait3A_363] : memref<160x128xi32, #tpu.memory_space<vmem>> -> memref<1x128xi32, #tpu.memory_space<vmem>>
      %dma_wait3A_365 = tpu.memref_squeeze %dma_wait3A_364 : memref<1x128xi32, #tpu.memory_space<vmem>> -> memref<128xi32, #tpu.memory_space<vmem>>
      %dma_wait3A_366 = arith.constant 0 : i32
      %dma_wait3A_367 = arith.constant 0 : i32
      %dma_wait3A_368 = tpu.memref_slice %arg9[%dma_wait3A_366, %dma_wait3A_367] : memref<10240x64xf32, #tpu.memory_space<vmem_shared>> -> memref<10240x64xf32, #tpu.memory_space<vmem_shared>>
      tpu.wait_indirect_dma semaphore(%arg15 : memref<!tpu.dma_semaphore, #tpu.memory_space<semaphore_mem>>) src(%dma_wait3A_362 : memref<128x64xf32, #tpu.memory_space<vmem>>) dst(%dma_wait3A_368 : memref<10240x64xf32, #tpu.memory_space<vmem_shared>>)
      %add3A_369 = arith.constant 4 : i32
      %add3A_370 = arith.addi %mul3A_229, %add3A_369 : i32
      %add3A_371 = arith.constant 1 : i32
      %add3A_372 = arith.addi %add3A_370, %add3A_371 : i32
      %dma_start3A_373 = arith.constant 1 : i32
      %dma_start3A_374 = arith.constant 0 : i32
      %dma_start3A_375 = arith.constant 0 : i32
      %dma_start3A_376 = tpu.memref_slice %arg8[%dma_start3A_373, %dma_start3A_374, %dma_start3A_375] : memref<4x128x64xf32, #tpu.memory_space<vmem>> -> memref<1x128x64xf32, #tpu.memory_space<vmem>>
      %dma_start3A_377 = tpu.memref_squeeze %dma_start3A_376 : memref<1x128x64xf32, #tpu.memory_space<vmem>> -> memref<128x64xf32, #tpu.memory_space<vmem>>
      %dma_start3A_378 = arith.constant 0 : i32
      %dma_start3A_379 = tpu.memref_slice %arg6[%add3A_372, %dma_start3A_378] : memref<160x128xi32, #tpu.memory_space<vmem>> -> memref<1x128xi32, #tpu.memory_space<vmem>>
      %dma_start3A_380 = tpu.memref_squeeze %dma_start3A_379 : memref<1x128xi32, #tpu.memory_space<vmem>> -> memref<128xi32, #tpu.memory_space<vmem>>
      %dma_start3A_381 = arith.constant 0 : i32
      %dma_start3A_382 = arith.constant 0 : i32
      %dma_start3A_383 = tpu.memref_slice %arg4[%dma_start3A_381, %dma_start3A_382] : memref<20480x64xf32, #tpu.memory_space<hbm>> -> memref<20480x64xf32, #tpu.memory_space<hbm>>
      tpu.enqueue_indirect_dma source(%dma_start3A_383 : memref<20480x64xf32, #tpu.memory_space<hbm>>) target(%dma_start3A_377 : memref<128x64xf32, #tpu.memory_space<vmem>>) offsets(%dma_start3A_380 : memref<128xi32, #tpu.memory_space<vmem>>) semaphore(%arg11 : memref<!tpu.dma_semaphore, #tpu.memory_space<semaphore_mem>>)
      %dma_wait3A_384 = arith.constant 2 : i32
      %dma_wait3A_385 = arith.constant 0 : i32
      %dma_wait3A_386 = arith.constant 0 : i32
      %dma_wait3A_387 = arith.constant 0 : i32
      %dma_wait3A_388 = tpu.memref_slice %arg8[%dma_wait3A_384, %dma_wait3A_386, %dma_wait3A_387] : memref<4x128x64xf32, #tpu.memory_space<vmem>> -> memref<1x128x64xf32, #tpu.memory_space<vmem>>
      %dma_wait3A_389 = tpu.memref_squeeze %dma_wait3A_388 : memref<1x128x64xf32, #tpu.memory_space<vmem>> -> memref<128x64xf32, #tpu.memory_space<vmem>>
      %dma_wait3A_390 = arith.constant 0 : i32
      %dma_wait3A_391 = tpu.memref_slice %arg7[%dma_wait3A_385, %dma_wait3A_390] : memref<160x128xi32, #tpu.memory_space<vmem>> -> memref<1x128xi32, #tpu.memory_space<vmem>>
      %dma_wait3A_392 = tpu.memref_squeeze %dma_wait3A_391 : memref<1x128xi32, #tpu.memory_space<vmem>> -> memref<128xi32, #tpu.memory_space<vmem>>
      %dma_wait3A_393 = arith.constant 0 : i32
      %dma_wait3A_394 = arith.constant 0 : i32
      %dma_wait3A_395 = tpu.memref_slice %arg9[%dma_wait3A_393, %dma_wait3A_394] : memref<10240x64xf32, #tpu.memory_space<vmem_shared>> -> memref<10240x64xf32, #tpu.memory_space<vmem_shared>>
      tpu.wait_indirect_dma semaphore(%arg16 : memref<!tpu.dma_semaphore, #tpu.memory_space<semaphore_mem>>) src(%dma_wait3A_389 : memref<128x64xf32, #tpu.memory_space<vmem>>) dst(%dma_wait3A_395 : memref<10240x64xf32, #tpu.memory_space<vmem_shared>>)
      %add3A_396 = arith.constant 4 : i32
      %add3A_397 = arith.addi %mul3A_229, %add3A_396 : i32
      %add3A_398 = arith.constant 2 : i32
      %add3A_399 = arith.addi %add3A_397, %add3A_398 : i32
      %dma_start3A_400 = arith.constant 2 : i32
      %dma_start3A_401 = arith.constant 0 : i32
      %dma_start3A_402 = arith.constant 0 : i32
      %dma_start3A_403 = tpu.memref_slice %arg8[%dma_start3A_400, %dma_start3A_401, %dma_start3A_402] : memref<4x128x64xf32, #tpu.memory_space<vmem>> -> memref<1x128x64xf32, #tpu.memory_space<vmem>>
      %dma_start3A_404 = tpu.memref_squeeze %dma_start3A_403 : memref<1x128x64xf32, #tpu.memory_space<vmem>> -> memref<128x64xf32, #tpu.memory_space<vmem>>
      %dma_start3A_405 = arith.constant 0 : i32
      %dma_start3A_406 = tpu.memref_slice %arg6[%add3A_399, %dma_start3A_405] : memref<160x128xi32, #tpu.memory_space<vmem>> -> memref<1x128xi32, #tpu.memory_space<vmem>>
      %dma_start3A_407 = tpu.memref_squeeze %dma_start3A_406 : memref<1x128xi32, #tpu.memory_space<vmem>> -> memref<128xi32, #tpu.memory_space<vmem>>
      %dma_start3A_408 = arith.constant 0 : i32
      %dma_start3A_409 = arith.constant 0 : i32
      %dma_start3A_410 = tpu.memref_slice %arg4[%dma_start3A_408, %dma_start3A_409] : memref<20480x64xf32, #tpu.memory_space<hbm>> -> memref<20480x64xf32, #tpu.memory_space<hbm>>
      tpu.enqueue_indirect_dma source(%dma_start3A_410 : memref<20480x64xf32, #tpu.memory_space<hbm>>) target(%dma_start3A_404 : memref<128x64xf32, #tpu.memory_space<vmem>>) offsets(%dma_start3A_407 : memref<128xi32, #tpu.memory_space<vmem>>) semaphore(%arg12 : memref<!tpu.dma_semaphore, #tpu.memory_space<semaphore_mem>>)
      %dma_wait3A_411 = arith.constant 3 : i32
      %dma_wait3A_412 = arith.constant 0 : i32
      %dma_wait3A_413 = arith.constant 0 : i32
      %dma_wait3A_414 = arith.constant 0 : i32
      %dma_wait3A_415 = tpu.memref_slice %arg8[%dma_wait3A_411, %dma_wait3A_413, %dma_wait3A_414] : memref<4x128x64xf32, #tpu.memory_space<vmem>> -> memref<1x128x64xf32, #tpu.memory_space<vmem>>
      %dma_wait3A_416 = tpu.memref_squeeze %dma_wait3A_415 : memref<1x128x64xf32, #tpu.memory_space<vmem>> -> memref<128x64xf32, #tpu.memory_space<vmem>>
      %dma_wait3A_417 = arith.constant 0 : i32
      %dma_wait3A_418 = tpu.memref_slice %arg7[%dma_wait3A_412, %dma_wait3A_417] : memref<160x128xi32, #tpu.memory_space<vmem>> -> memref<1x128xi32, #tpu.memory_space<vmem>>
      %dma_wait3A_419 = tpu.memref_squeeze %dma_wait3A_418 : memref<1x128xi32, #tpu.memory_space<vmem>> -> memref<128xi32, #tpu.memory_space<vmem>>
      %dma_wait3A_420 = arith.constant 0 : i32
      %dma_wait3A_421 = arith.constant 0 : i32
      %dma_wait3A_422 = tpu.memref_slice %arg9[%dma_wait3A_420, %dma_wait3A_421] : memref<10240x64xf32, #tpu.memory_space<vmem_shared>> -> memref<10240x64xf32, #tpu.memory_space<vmem_shared>>
      tpu.wait_indirect_dma semaphore(%arg17 : memref<!tpu.dma_semaphore, #tpu.memory_space<semaphore_mem>>) src(%dma_wait3A_416 : memref<128x64xf32, #tpu.memory_space<vmem>>) dst(%dma_wait3A_422 : memref<10240x64xf32, #tpu.memory_space<vmem_shared>>)
      %add3A_423 = arith.constant 4 : i32
      %add3A_424 = arith.addi %mul3A_229, %add3A_423 : i32
      %add3A_425 = arith.constant 3 : i32
      %add3A_426 = arith.addi %add3A_424, %add3A_425 : i32
      %dma_start3A_427 = arith.constant 3 : i32
      %dma_start3A_428 = arith.constant 0 : i32
      %dma_start3A_429 = arith.constant 0 : i32
      %dma_start3A_430 = tpu.memref_slice %arg8[%dma_start3A_427, %dma_start3A_428, %dma_start3A_429] : memref<4x128x64xf32, #tpu.memory_space<vmem>> -> memref<1x128x64xf32, #tpu.memory_space<vmem>>
      %dma_start3A_431 = tpu.memref_squeeze %dma_start3A_430 : memref<1x128x64xf32, #tpu.memory_space<vmem>> -> memref<128x64xf32, #tpu.memory_space<vmem>>
      %dma_start3A_432 = arith.constant 0 : i32
      %dma_start3A_433 = tpu.memref_slice %arg6[%add3A_426, %dma_start3A_432] : memref<160x128xi32, #tpu.memory_space<vmem>> -> memref<1x128xi32, #tpu.memory_space<vmem>>
      %dma_start3A_434 = tpu.memref_squeeze %dma_start3A_433 : memref<1x128xi32, #tpu.memory_space<vmem>> -> memref<128xi32, #tpu.memory_space<vmem>>
      %dma_start3A_435 = arith.constant 0 : i32
      %dma_start3A_436 = arith.constant 0 : i32
      %dma_start3A_437 = tpu.memref_slice %arg4[%dma_start3A_435, %dma_start3A_436] : memref<20480x64xf32, #tpu.memory_space<hbm>> -> memref<20480x64xf32, #tpu.memory_space<hbm>>
      tpu.enqueue_indirect_dma source(%dma_start3A_437 : memref<20480x64xf32, #tpu.memory_space<hbm>>) target(%dma_start3A_431 : memref<128x64xf32, #tpu.memory_space<vmem>>) offsets(%dma_start3A_434 : memref<128xi32, #tpu.memory_space<vmem>>) semaphore(%arg13 : memref<!tpu.dma_semaphore, #tpu.memory_space<semaphore_mem>>)
    }
    %scan3A_82 = arith.constant 39 : i32
    %dma_wait3A = arith.constant 0 : i32
    %dma_wait3A_83 = arith.constant 0 : i32
    %dma_wait3A_84 = arith.constant 0 : i32
    %dma_wait3A_85 = arith.constant 0 : i32
    %dma_wait3A_86 = tpu.memref_slice %arg8[%dma_wait3A_83, %dma_wait3A_84, %dma_wait3A_85] : memref<4x128x64xf32, #tpu.memory_space<vmem>> -> memref<1x128x64xf32, #tpu.memory_space<vmem>>
    %dma_wait3A_87 = tpu.memref_squeeze %dma_wait3A_86 : memref<1x128x64xf32, #tpu.memory_space<vmem>> -> memref<128x64xf32, #tpu.memory_space<vmem>>
    %dma_wait3A_88 = arith.constant 0 : i32
    %dma_wait3A_89 = tpu.memref_slice %arg6[%dma_wait3A, %dma_wait3A_88] : memref<160x128xi32, #tpu.memory_space<vmem>> -> memref<1x128xi32, #tpu.memory_space<vmem>>
    %dma_wait3A_90 = tpu.memref_squeeze %dma_wait3A_89 : memref<1x128xi32, #tpu.memory_space<vmem>> -> memref<128xi32, #tpu.memory_space<vmem>>
    %dma_wait3A_91 = arith.constant 0 : i32
    %dma_wait3A_92 = arith.constant 0 : i32
    %dma_wait3A_93 = tpu.memref_slice %arg4[%dma_wait3A_91, %dma_wait3A_92] : memref<20480x64xf32, #tpu.memory_space<hbm>> -> memref<20480x64xf32, #tpu.memory_space<hbm>>
    tpu.wait_indirect_dma semaphore(%arg10 : memref<!tpu.dma_semaphore, #tpu.memory_space<semaphore_mem>>) src(%dma_wait3A_93 : memref<20480x64xf32, #tpu.memory_space<hbm>>) dst(%dma_wait3A_87 : memref<128x64xf32, #tpu.memory_space<vmem>>)
    %dma_start3A_94 = arith.constant 0 : i32
    %dma_start3A_95 = arith.constant 156 : i32
    %dma_start3A_96 = arith.constant 0 : i32
    %dma_start3A_97 = arith.constant 0 : i32
    %dma_start3A_98 = tpu.memref_slice %arg8[%dma_start3A_94, %dma_start3A_96, %dma_start3A_97] : memref<4x128x64xf32, #tpu.memory_space<vmem>> -> memref<1x128x64xf32, #tpu.memory_space<vmem>>
    %dma_start3A_99 = tpu.memref_squeeze %dma_start3A_98 : memref<1x128x64xf32, #tpu.memory_space<vmem>> -> memref<128x64xf32, #tpu.memory_space<vmem>>
    %dma_start3A_100 = arith.constant 0 : i32
    %dma_start3A_101 = tpu.memref_slice %arg7[%dma_start3A_95, %dma_start3A_100] : memref<160x128xi32, #tpu.memory_space<vmem>> -> memref<1x128xi32, #tpu.memory_space<vmem>>
    %dma_start3A_102 = tpu.memref_squeeze %dma_start3A_101 : memref<1x128xi32, #tpu.memory_space<vmem>> -> memref<128xi32, #tpu.memory_space<vmem>>
    %dma_start3A_103 = arith.constant 0 : i32
    %dma_start3A_104 = arith.constant 0 : i32
    %dma_start3A_105 = tpu.memref_slice %arg9[%dma_start3A_103, %dma_start3A_104] : memref<10240x64xf32, #tpu.memory_space<vmem_shared>> -> memref<10240x64xf32, #tpu.memory_space<vmem_shared>>
    tpu.enqueue_indirect_dma source(%dma_start3A_99 : memref<128x64xf32, #tpu.memory_space<vmem>>) target(%dma_start3A_105 : memref<10240x64xf32, #tpu.memory_space<vmem_shared>>) offsets(%dma_start3A_102 : memref<128xi32, #tpu.memory_space<vmem>>) semaphore(%arg14 : memref<!tpu.dma_semaphore, #tpu.memory_space<semaphore_mem>>) {add = true}
    %dma_wait3A_106 = arith.constant 0 : i32
    %dma_wait3A_107 = arith.constant 1 : i32
    %dma_wait3A_108 = arith.constant 0 : i32
    %dma_wait3A_109 = arith.constant 0 : i32
    %dma_wait3A_110 = tpu.memref_slice %arg8[%dma_wait3A_107, %dma_wait3A_108, %dma_wait3A_109] : memref<4x128x64xf32, #tpu.memory_space<vmem>> -> memref<1x128x64xf32, #tpu.memory_space<vmem>>
    %dma_wait3A_111 = tpu.memref_squeeze %dma_wait3A_110 : memref<1x128x64xf32, #tpu.memory_space<vmem>> -> memref<128x64xf32, #tpu.memory_space<vmem>>
    %dma_wait3A_112 = arith.constant 0 : i32
    %dma_wait3A_113 = tpu.memref_slice %arg6[%dma_wait3A_106, %dma_wait3A_112] : memref<160x128xi32, #tpu.memory_space<vmem>> -> memref<1x128xi32, #tpu.memory_space<vmem>>
    %dma_wait3A_114 = tpu.memref_squeeze %dma_wait3A_113 : memref<1x128xi32, #tpu.memory_space<vmem>> -> memref<128xi32, #tpu.memory_space<vmem>>
    %dma_wait3A_115 = arith.constant 0 : i32
    %dma_wait3A_116 = arith.constant 0 : i32
    %dma_wait3A_117 = tpu.memref_slice %arg4[%dma_wait3A_115, %dma_wait3A_116] : memref<20480x64xf32, #tpu.memory_space<hbm>> -> memref<20480x64xf32, #tpu.memory_space<hbm>>
    tpu.wait_indirect_dma semaphore(%arg11 : memref<!tpu.dma_semaphore, #tpu.memory_space<semaphore_mem>>) src(%dma_wait3A_117 : memref<20480x64xf32, #tpu.memory_space<hbm>>) dst(%dma_wait3A_111 : memref<128x64xf32, #tpu.memory_space<vmem>>)
    %dma_start3A_118 = arith.constant 1 : i32
    %dma_start3A_119 = arith.constant 157 : i32
    %dma_start3A_120 = arith.constant 0 : i32
    %dma_start3A_121 = arith.constant 0 : i32
    %dma_start3A_122 = tpu.memref_slice %arg8[%dma_start3A_118, %dma_start3A_120, %dma_start3A_121] : memref<4x128x64xf32, #tpu.memory_space<vmem>> -> memref<1x128x64xf32, #tpu.memory_space<vmem>>
    %dma_start3A_123 = tpu.memref_squeeze %dma_start3A_122 : memref<1x128x64xf32, #tpu.memory_space<vmem>> -> memref<128x64xf32, #tpu.memory_space<vmem>>
    %dma_start3A_124 = arith.constant 0 : i32
    %dma_start3A_125 = tpu.memref_slice %arg7[%dma_start3A_119, %dma_start3A_124] : memref<160x128xi32, #tpu.memory_space<vmem>> -> memref<1x128xi32, #tpu.memory_space<vmem>>
    %dma_start3A_126 = tpu.memref_squeeze %dma_start3A_125 : memref<1x128xi32, #tpu.memory_space<vmem>> -> memref<128xi32, #tpu.memory_space<vmem>>
    %dma_start3A_127 = arith.constant 0 : i32
    %dma_start3A_128 = arith.constant 0 : i32
    %dma_start3A_129 = tpu.memref_slice %arg9[%dma_start3A_127, %dma_start3A_128] : memref<10240x64xf32, #tpu.memory_space<vmem_shared>> -> memref<10240x64xf32, #tpu.memory_space<vmem_shared>>
    tpu.enqueue_indirect_dma source(%dma_start3A_123 : memref<128x64xf32, #tpu.memory_space<vmem>>) target(%dma_start3A_129 : memref<10240x64xf32, #tpu.memory_space<vmem_shared>>) offsets(%dma_start3A_126 : memref<128xi32, #tpu.memory_space<vmem>>) semaphore(%arg15 : memref<!tpu.dma_semaphore, #tpu.memory_space<semaphore_mem>>) {add = true}
    %dma_wait3A_130 = arith.constant 0 : i32
    %dma_wait3A_131 = arith.constant 2 : i32
    %dma_wait3A_132 = arith.constant 0 : i32
    %dma_wait3A_133 = arith.constant 0 : i32
    %dma_wait3A_134 = tpu.memref_slice %arg8[%dma_wait3A_131, %dma_wait3A_132, %dma_wait3A_133] : memref<4x128x64xf32, #tpu.memory_space<vmem>> -> memref<1x128x64xf32, #tpu.memory_space<vmem>>
    %dma_wait3A_135 = tpu.memref_squeeze %dma_wait3A_134 : memref<1x128x64xf32, #tpu.memory_space<vmem>> -> memref<128x64xf32, #tpu.memory_space<vmem>>
    %dma_wait3A_136 = arith.constant 0 : i32
    %dma_wait3A_137 = tpu.memref_slice %arg6[%dma_wait3A_130, %dma_wait3A_136] : memref<160x128xi32, #tpu.memory_space<vmem>> -> memref<1x128xi32, #tpu.memory_space<vmem>>
    %dma_wait3A_138 = tpu.memref_squeeze %dma_wait3A_137 : memref<1x128xi32, #tpu.memory_space<vmem>> -> memref<128xi32, #tpu.memory_space<vmem>>
    %dma_wait3A_139 = arith.constant 0 : i32
    %dma_wait3A_140 = arith.constant 0 : i32
    %dma_wait3A_141 = tpu.memref_slice %arg4[%dma_wait3A_139, %dma_wait3A_140] : memref<20480x64xf32, #tpu.memory_space<hbm>> -> memref<20480x64xf32, #tpu.memory_space<hbm>>
    tpu.wait_indirect_dma semaphore(%arg12 : memref<!tpu.dma_semaphore, #tpu.memory_space<semaphore_mem>>) src(%dma_wait3A_141 : memref<20480x64xf32, #tpu.memory_space<hbm>>) dst(%dma_wait3A_135 : memref<128x64xf32, #tpu.memory_space<vmem>>)
    %dma_start3A_142 = arith.constant 2 : i32
    %dma_start3A_143 = arith.constant 158 : i32
    %dma_start3A_144 = arith.constant 0 : i32
    %dma_start3A_145 = arith.constant 0 : i32
    %dma_start3A_146 = tpu.memref_slice %arg8[%dma_start3A_142, %dma_start3A_144, %dma_start3A_145] : memref<4x128x64xf32, #tpu.memory_space<vmem>> -> memref<1x128x64xf32, #tpu.memory_space<vmem>>
    %dma_start3A_147 = tpu.memref_squeeze %dma_start3A_146 : memref<1x128x64xf32, #tpu.memory_space<vmem>> -> memref<128x64xf32, #tpu.memory_space<vmem>>
    %dma_start3A_148 = arith.constant 0 : i32
    %dma_start3A_149 = tpu.memref_slice %arg7[%dma_start3A_143, %dma_start3A_148] : memref<160x128xi32, #tpu.memory_space<vmem>> -> memref<1x128xi32, #tpu.memory_space<vmem>>
    %dma_start3A_150 = tpu.memref_squeeze %dma_start3A_149 : memref<1x128xi32, #tpu.memory_space<vmem>> -> memref<128xi32, #tpu.memory_space<vmem>>
    %dma_start3A_151 = arith.constant 0 : i32
    %dma_start3A_152 = arith.constant 0 : i32
    %dma_start3A_153 = tpu.memref_slice %arg9[%dma_start3A_151, %dma_start3A_152] : memref<10240x64xf32, #tpu.memory_space<vmem_shared>> -> memref<10240x64xf32, #tpu.memory_space<vmem_shared>>
    tpu.enqueue_indirect_dma source(%dma_start3A_147 : memref<128x64xf32, #tpu.memory_space<vmem>>) target(%dma_start3A_153 : memref<10240x64xf32, #tpu.memory_space<vmem_shared>>) offsets(%dma_start3A_150 : memref<128xi32, #tpu.memory_space<vmem>>) semaphore(%arg16 : memref<!tpu.dma_semaphore, #tpu.memory_space<semaphore_mem>>) {add = true}
    %dma_wait3A_154 = arith.constant 0 : i32
    %dma_wait3A_155 = arith.constant 3 : i32
    %dma_wait3A_156 = arith.constant 0 : i32
    %dma_wait3A_157 = arith.constant 0 : i32
    %dma_wait3A_158 = tpu.memref_slice %arg8[%dma_wait3A_155, %dma_wait3A_156, %dma_wait3A_157] : memref<4x128x64xf32, #tpu.memory_space<vmem>> -> memref<1x128x64xf32, #tpu.memory_space<vmem>>
    %dma_wait3A_159 = tpu.memref_squeeze %dma_wait3A_158 : memref<1x128x64xf32, #tpu.memory_space<vmem>> -> memref<128x64xf32, #tpu.memory_space<vmem>>
    %dma_wait3A_160 = arith.constant 0 : i32
    %dma_wait3A_161 = tpu.memref_slice %arg6[%dma_wait3A_154, %dma_wait3A_160] : memref<160x128xi32, #tpu.memory_space<vmem>> -> memref<1x128xi32, #tpu.memory_space<vmem>>
    %dma_wait3A_162 = tpu.memref_squeeze %dma_wait3A_161 : memref<1x128xi32, #tpu.memory_space<vmem>> -> memref<128xi32, #tpu.memory_space<vmem>>
    %dma_wait3A_163 = arith.constant 0 : i32
    %dma_wait3A_164 = arith.constant 0 : i32
    %dma_wait3A_165 = tpu.memref_slice %arg4[%dma_wait3A_163, %dma_wait3A_164] : memref<20480x64xf32, #tpu.memory_space<hbm>> -> memref<20480x64xf32, #tpu.memory_space<hbm>>
    tpu.wait_indirect_dma semaphore(%arg13 : memref<!tpu.dma_semaphore, #tpu.memory_space<semaphore_mem>>) src(%dma_wait3A_165 : memref<20480x64xf32, #tpu.memory_space<hbm>>) dst(%dma_wait3A_159 : memref<128x64xf32, #tpu.memory_space<vmem>>)
    %dma_start3A_166 = arith.constant 3 : i32
    %dma_start3A_167 = arith.constant 159 : i32
    %dma_start3A_168 = arith.constant 0 : i32
    %dma_start3A_169 = arith.constant 0 : i32
    %dma_start3A_170 = tpu.memref_slice %arg8[%dma_start3A_166, %dma_start3A_168, %dma_start3A_169] : memref<4x128x64xf32, #tpu.memory_space<vmem>> -> memref<1x128x64xf32, #tpu.memory_space<vmem>>
    %dma_start3A_171 = tpu.memref_squeeze %dma_start3A_170 : memref<1x128x64xf32, #tpu.memory_space<vmem>> -> memref<128x64xf32, #tpu.memory_space<vmem>>
    %dma_start3A_172 = arith.constant 0 : i32
    %dma_start3A_173 = tpu.memref_slice %arg7[%dma_start3A_167, %dma_start3A_172] : memref<160x128xi32, #tpu.memory_space<vmem>> -> memref<1x128xi32, #tpu.memory_space<vmem>>
    %dma_start3A_174 = tpu.memref_squeeze %dma_start3A_173 : memref<1x128xi32, #tpu.memory_space<vmem>> -> memref<128xi32, #tpu.memory_space<vmem>>
    %dma_start3A_175 = arith.constant 0 : i32
    %dma_start3A_176 = arith.constant 0 : i32
    %dma_start3A_177 = tpu.memref_slice %arg9[%dma_start3A_175, %dma_start3A_176] : memref<10240x64xf32, #tpu.memory_space<vmem_shared>> -> memref<10240x64xf32, #tpu.memory_space<vmem_shared>>
    tpu.enqueue_indirect_dma source(%dma_start3A_171 : memref<128x64xf32, #tpu.memory_space<vmem>>) target(%dma_start3A_177 : memref<10240x64xf32, #tpu.memory_space<vmem_shared>>) offsets(%dma_start3A_174 : memref<128xi32, #tpu.memory_space<vmem>>) semaphore(%arg17 : memref<!tpu.dma_semaphore, #tpu.memory_space<semaphore_mem>>) {add = true}
    %dma_wait3A_178 = arith.constant 0 : i32
    %dma_wait3A_179 = arith.constant 0 : i32
    %dma_wait3A_180 = arith.constant 0 : i32
    %dma_wait3A_181 = arith.constant 0 : i32
    %dma_wait3A_182 = tpu.memref_slice %arg8[%dma_wait3A_178, %dma_wait3A_180, %dma_wait3A_181] : memref<4x128x64xf32, #tpu.memory_space<vmem>> -> memref<1x128x64xf32, #tpu.memory_space<vmem>>
    %dma_wait3A_183 = tpu.memref_squeeze %dma_wait3A_182 : memref<1x128x64xf32, #tpu.memory_space<vmem>> -> memref<128x64xf32, #tpu.memory_space<vmem>>
    %dma_wait3A_184 = arith.constant 0 : i32
    %dma_wait3A_185 = tpu.memref_slice %arg7[%dma_wait3A_179, %dma_wait3A_184] : memref<160x128xi32, #tpu.memory_space<vmem>> -> memref<1x128xi32, #tpu.memory_space<vmem>>
    %dma_wait3A_186 = tpu.memref_squeeze %dma_wait3A_185 : memref<1x128xi32, #tpu.memory_space<vmem>> -> memref<128xi32, #tpu.memory_space<vmem>>
    %dma_wait3A_187 = arith.constant 0 : i32
    %dma_wait3A_188 = arith.constant 0 : i32
    %dma_wait3A_189 = tpu.memref_slice %arg9[%dma_wait3A_187, %dma_wait3A_188] : memref<10240x64xf32, #tpu.memory_space<vmem_shared>> -> memref<10240x64xf32, #tpu.memory_space<vmem_shared>>
    tpu.wait_indirect_dma semaphore(%arg14 : memref<!tpu.dma_semaphore, #tpu.memory_space<semaphore_mem>>) src(%dma_wait3A_183 : memref<128x64xf32, #tpu.memory_space<vmem>>) dst(%dma_wait3A_189 : memref<10240x64xf32, #tpu.memory_space<vmem_shared>>)
    %dma_wait3A_190 = arith.constant 1 : i32
    %dma_wait3A_191 = arith.constant 0 : i32
    %dma_wait3A_192 = arith.constant 0 : i32
    %dma_wait3A_193 = arith.constant 0 : i32
    %dma_wait3A_194 = tpu.memref_slice %arg8[%dma_wait3A_190, %dma_wait3A_192, %dma_wait3A_193] : memref<4x128x64xf32, #tpu.memory_space<vmem>> -> memref<1x128x64xf32, #tpu.memory_space<vmem>>
    %dma_wait3A_195 = tpu.memref_squeeze %dma_wait3A_194 : memref<1x128x64xf32, #tpu.memory_space<vmem>> -> memref<128x64xf32, #tpu.memory_space<vmem>>
    %dma_wait3A_196 = arith.constant 0 : i32
    %dma_wait3A_197 = tpu.memref_slice %arg7[%dma_wait3A_191, %dma_wait3A_196] : memref<160x128xi32, #tpu.memory_space<vmem>> -> memref<1x128xi32, #tpu.memory_space<vmem>>
    %dma_wait3A_198 = tpu.memref_squeeze %dma_wait3A_197 : memref<1x128xi32, #tpu.memory_space<vmem>> -> memref<128xi32, #tpu.memory_space<vmem>>
    %dma_wait3A_199 = arith.constant 0 : i32
    %dma_wait3A_200 = arith.constant 0 : i32
    %dma_wait3A_201 = tpu.memref_slice %arg9[%dma_wait3A_199, %dma_wait3A_200] : memref<10240x64xf32, #tpu.memory_space<vmem_shared>> -> memref<10240x64xf32, #tpu.memory_space<vmem_shared>>
    tpu.wait_indirect_dma semaphore(%arg15 : memref<!tpu.dma_semaphore, #tpu.memory_space<semaphore_mem>>) src(%dma_wait3A_195 : memref<128x64xf32, #tpu.memory_space<vmem>>) dst(%dma_wait3A_201 : memref<10240x64xf32, #tpu.memory_space<vmem_shared>>)
    %dma_wait3A_202 = arith.constant 2 : i32
    %dma_wait3A_203 = arith.constant 0 : i32
    %dma_wait3A_204 = arith.constant 0 : i32
    %dma_wait3A_205 = arith.constant 0 : i32
    %dma_wait3A_206 = tpu.memref_slice %arg8[%dma_wait3A_202, %dma_wait3A_204, %dma_wait3A_205] : memref<4x128x64xf32, #tpu.memory_space<vmem>> -> memref<1x128x64xf32, #tpu.memory_space<vmem>>
    %dma_wait3A_207 = tpu.memref_squeeze %dma_wait3A_206 : memref<1x128x64xf32, #tpu.memory_space<vmem>> -> memref<128x64xf32, #tpu.memory_space<vmem>>
    %dma_wait3A_208 = arith.constant 0 : i32
    %dma_wait3A_209 = tpu.memref_slice %arg7[%dma_wait3A_203, %dma_wait3A_208] : memref<160x128xi32, #tpu.memory_space<vmem>> -> memref<1x128xi32, #tpu.memory_space<vmem>>
    %dma_wait3A_210 = tpu.memref_squeeze %dma_wait3A_209 : memref<1x128xi32, #tpu.memory_space<vmem>> -> memref<128xi32, #tpu.memory_space<vmem>>
    %dma_wait3A_211 = arith.constant 0 : i32
    %dma_wait3A_212 = arith.constant 0 : i32
    %dma_wait3A_213 = tpu.memref_slice %arg9[%dma_wait3A_211, %dma_wait3A_212] : memref<10240x64xf32, #tpu.memory_space<vmem_shared>> -> memref<10240x64xf32, #tpu.memory_space<vmem_shared>>
    tpu.wait_indirect_dma semaphore(%arg16 : memref<!tpu.dma_semaphore, #tpu.memory_space<semaphore_mem>>) src(%dma_wait3A_207 : memref<128x64xf32, #tpu.memory_space<vmem>>) dst(%dma_wait3A_213 : memref<10240x64xf32, #tpu.memory_space<vmem_shared>>)
    %dma_wait3A_214 = arith.constant 3 : i32
    %dma_wait3A_215 = arith.constant 0 : i32
    %dma_wait3A_216 = arith.constant 0 : i32
    %dma_wait3A_217 = arith.constant 0 : i32
    %dma_wait3A_218 = tpu.memref_slice %arg8[%dma_wait3A_214, %dma_wait3A_216, %dma_wait3A_217] : memref<4x128x64xf32, #tpu.memory_space<vmem>> -> memref<1x128x64xf32, #tpu.memory_space<vmem>>
    %dma_wait3A_219 = tpu.memref_squeeze %dma_wait3A_218 : memref<1x128x64xf32, #tpu.memory_space<vmem>> -> memref<128x64xf32, #tpu.memory_space<vmem>>
    %dma_wait3A_220 = arith.constant 0 : i32
    %dma_wait3A_221 = tpu.memref_slice %arg7[%dma_wait3A_215, %dma_wait3A_220] : memref<160x128xi32, #tpu.memory_space<vmem>> -> memref<1x128xi32, #tpu.memory_space<vmem>>
    %dma_wait3A_222 = tpu.memref_squeeze %dma_wait3A_221 : memref<1x128xi32, #tpu.memory_space<vmem>> -> memref<128xi32, #tpu.memory_space<vmem>>
    %dma_wait3A_223 = arith.constant 0 : i32
    %dma_wait3A_224 = arith.constant 0 : i32
    %dma_wait3A_225 = tpu.memref_slice %arg9[%dma_wait3A_223, %dma_wait3A_224] : memref<10240x64xf32, #tpu.memory_space<vmem_shared>> -> memref<10240x64xf32, #tpu.memory_space<vmem_shared>>
    tpu.wait_indirect_dma semaphore(%arg17 : memref<!tpu.dma_semaphore, #tpu.memory_space<semaphore_mem>>) src(%dma_wait3A_219 : memref<128x64xf32, #tpu.memory_space<vmem>>) dst(%dma_wait3A_225 : memref<10240x64xf32, #tpu.memory_space<vmem_shared>>)
    %barrier3A_226 = arith.constant 0 : index
    tpu.barrier barrier_id(%barrier3A_226)
    "tpu.region"() ({
      %run_scoped3A_227 = tpu.sem_alloc : memref<!tpu.dma_semaphore, #tpu.memory_space<semaphore_mem>>
      %dma_start3A_228 = arith.constant 0 : i32
      %dma_start3A_229 = tpu.memref_slice %arg5[%arg0, %mul3A_16, %dma_start3A_228] : memref<2x10240x64xf32, #tpu.memory_space<hbm>> -> memref<1x640x64xf32, #tpu.memory_space<hbm>>
      %dma_start3A_230 = tpu.memref_squeeze %dma_start3A_229 : memref<1x640x64xf32, #tpu.memory_space<hbm>> -> memref<640x64xf32, #tpu.memory_space<hbm>>
      %dma_start3A_231 = arith.constant 0 : i32
      %dma_start3A_232 = tpu.memref_slice %arg9[%mul3A_16, %dma_start3A_231] : memref<10240x64xf32, #tpu.memory_space<vmem_shared>> -> memref<640x64xf32, #tpu.memory_space<vmem_shared>>
      tpu.enqueue_dma source(%dma_start3A_232 : memref<640x64xf32, #tpu.memory_space<vmem_shared>>) target(%dma_start3A_230 : memref<640x64xf32, #tpu.memory_space<hbm>>) target_semaphore(%run_scoped3A_227 : memref<!tpu.dma_semaphore, #tpu.memory_space<semaphore_mem>>)
      %dma_wait3A_233 = arith.constant 0 : i32
      %dma_wait3A_234 = tpu.memref_slice %arg5[%arg0, %mul3A_16, %dma_wait3A_233] : memref<2x10240x64xf32, #tpu.memory_space<hbm>> -> memref<1x640x64xf32, #tpu.memory_space<hbm>>
      %dma_wait3A_235 = tpu.memref_squeeze %dma_wait3A_234 : memref<1x640x64xf32, #tpu.memory_space<hbm>> -> memref<640x64xf32, #tpu.memory_space<hbm>>
      %dma_wait3A_236 = arith.constant 0 : i32
      %dma_wait3A_237 = tpu.memref_slice %arg9[%mul3A_16, %dma_wait3A_236] : memref<10240x64xf32, #tpu.memory_space<vmem_shared>> -> memref<640x64xf32, #tpu.memory_space<vmem_shared>>
      tpu.wait_dma2 semaphore(%run_scoped3A_227 : memref<!tpu.dma_semaphore, #tpu.memory_space<semaphore_mem>>) src(%dma_wait3A_237 : memref<640x64xf32, #tpu.memory_space<vmem_shared>>) dst(%dma_wait3A_235 : memref<640x64xf32, #tpu.memory_space<hbm>>)
      tpu.yield
    }) : () -> ()
    return
  }
}

#map = affine_map<(d0, d1) -> (0, 0, 0)>
#map1 = affine_map<(d0, d1) -> (0, 0)>
module attributes {stable_mosaic.version = 14 : i64} {
  func.func @_deg_kernel(%arg0: i32, %arg1: i32, %arg2: memref<32x80x128xi32, #tpu.memory_space<hbm>>, %arg3: memref<2x10240xf32, #tpu.memory_space<hbm>>, %arg4: memref<80x128xi32, #tpu.memory_space<vmem>>, %arg5: memref<128xf32, #tpu.memory_space<vmem>>, %arg6: memref<640xf32, #tpu.memory_space<vmem>>, %arg7: memref<10240xf32, #tpu.memory_space<vmem_shared>>) attributes {dimension_semantics = [#tpu.dimension_semantics<core_parallel>, #tpu.dimension_semantics<subcore_parallel>], iteration_bounds = array<i64: 2, 16>, scalar_prefetch = 0 : i64, scratch_operands = 4 : i64, tpu.core_type = #tpu.core_type<sc_vector_subcore>, window_params = [{transform_indices = #map}, {transform_indices = #map1}]} {
    %mul3A = arith.constant 16 : i32
    %mul3A_0 = arith.muli %arg0, %mul3A : i32
    %add3A = arith.addi %mul3A_0, %arg1 : i32
    "tpu.region"() ({
      %run_scoped3A = tpu.sem_alloc : memref<!tpu.dma_semaphore, #tpu.memory_space<semaphore_mem>>
      %dma_start3A = arith.constant 0 : i32
      %dma_start3A_49 = arith.constant 0 : i32
      %dma_start3A_50 = tpu.memref_slice %arg2[%add3A, %dma_start3A, %dma_start3A_49] : memref<32x80x128xi32, #tpu.memory_space<hbm>> -> memref<1x80x128xi32, #tpu.memory_space<hbm>>
      %dma_start3A_51 = tpu.memref_squeeze %dma_start3A_50 : memref<1x80x128xi32, #tpu.memory_space<hbm>> -> memref<80x128xi32, #tpu.memory_space<hbm>>
      %dma_start3A_52 = arith.constant 0 : i32
      %dma_start3A_53 = arith.constant 0 : i32
      %dma_start3A_54 = tpu.memref_slice %arg2[%add3A, %dma_start3A_52, %dma_start3A_53] : memref<32x80x128xi32, #tpu.memory_space<hbm>> -> memref<1x80x128xi32, #tpu.memory_space<hbm>>
      %dma_start3A_55 = tpu.memref_squeeze %dma_start3A_54 : memref<1x80x128xi32, #tpu.memory_space<hbm>> -> memref<80x128xi32, #tpu.memory_space<hbm>>
      tpu.enqueue_dma source(%dma_start3A_55 : memref<80x128xi32, #tpu.memory_space<hbm>>) target(%arg4 : memref<80x128xi32, #tpu.memory_space<vmem>>) target_semaphore(%run_scoped3A : memref<!tpu.dma_semaphore, #tpu.memory_space<semaphore_mem>>)
      %dma_wait3A = arith.constant 0 : i32
      %dma_wait3A_56 = arith.constant 0 : i32
      %dma_wait3A_57 = tpu.memref_slice %arg2[%add3A, %dma_wait3A, %dma_wait3A_56] : memref<32x80x128xi32, #tpu.memory_space<hbm>> -> memref<1x80x128xi32, #tpu.memory_space<hbm>>
      %dma_wait3A_58 = tpu.memref_squeeze %dma_wait3A_57 : memref<1x80x128xi32, #tpu.memory_space<hbm>> -> memref<80x128xi32, #tpu.memory_space<hbm>>
      %dma_wait3A_59 = arith.constant 0 : i32
      %dma_wait3A_60 = arith.constant 0 : i32
      %dma_wait3A_61 = tpu.memref_slice %arg2[%add3A, %dma_wait3A_59, %dma_wait3A_60] : memref<32x80x128xi32, #tpu.memory_space<hbm>> -> memref<1x80x128xi32, #tpu.memory_space<hbm>>
      %dma_wait3A_62 = tpu.memref_squeeze %dma_wait3A_61 : memref<1x80x128xi32, #tpu.memory_space<hbm>> -> memref<80x128xi32, #tpu.memory_space<hbm>>
      tpu.wait_dma2 semaphore(%run_scoped3A : memref<!tpu.dma_semaphore, #tpu.memory_space<semaphore_mem>>) src(%dma_wait3A_62 : memref<80x128xi32, #tpu.memory_space<hbm>>) dst(%arg4 : memref<80x128xi32, #tpu.memory_space<vmem>>)
      tpu.yield
    }) : () -> ()
    %broadcast_in_dim3A = arith.constant 1.000000e+00 : f32
    %broadcast_in_dim3A_1 = vector.broadcast %broadcast_in_dim3A : f32 to vector<16xf32>
    %swap3A = arith.constant 0 : index
    %swap3A_2 = tpu.vector_load %arg5[%swap3A] {strides = array<i32>} : memref<128xf32, #tpu.memory_space<vmem>>, vector<16xf32>,
    %swap3A_3 = vector.shape_cast %swap3A_2 : vector<16xf32> to vector<16xf32>
    %swap3A_4 = vector.shape_cast %broadcast_in_dim3A_1 : vector<16xf32> to vector<16xf32>
    tpu.vector_store %arg5[%swap3A], %swap3A_4 {strides = array<i32>} : memref<128xf32, #tpu.memory_space<vmem>>, vector<16xf32>,
    %swap3A_5 = arith.constant 16 : index
    %swap3A_6 = tpu.vector_load %arg5[%swap3A_5] {strides = array<i32>} : memref<128xf32, #tpu.memory_space<vmem>>, vector<16xf32>,
    %swap3A_7 = vector.shape_cast %swap3A_6 : vector<16xf32> to vector<16xf32>
    %swap3A_8 = vector.shape_cast %broadcast_in_dim3A_1 : vector<16xf32> to vector<16xf32>
    tpu.vector_store %arg5[%swap3A_5], %swap3A_8 {strides = array<i32>} : memref<128xf32, #tpu.memory_space<vmem>>, vector<16xf32>,
    %swap3A_9 = arith.constant 32 : index
    %swap3A_10 = tpu.vector_load %arg5[%swap3A_9] {strides = array<i32>} : memref<128xf32, #tpu.memory_space<vmem>>, vector<16xf32>,
    %swap3A_11 = vector.shape_cast %swap3A_10 : vector<16xf32> to vector<16xf32>
    %swap3A_12 = vector.shape_cast %broadcast_in_dim3A_1 : vector<16xf32> to vector<16xf32>
    tpu.vector_store %arg5[%swap3A_9], %swap3A_12 {strides = array<i32>} : memref<128xf32, #tpu.memory_space<vmem>>, vector<16xf32>,
    %swap3A_13 = arith.constant 48 : index
    %swap3A_14 = tpu.vector_load %arg5[%swap3A_13] {strides = array<i32>} : memref<128xf32, #tpu.memory_space<vmem>>, vector<16xf32>,
    %swap3A_15 = vector.shape_cast %swap3A_14 : vector<16xf32> to vector<16xf32>
    %swap3A_16 = vector.shape_cast %broadcast_in_dim3A_1 : vector<16xf32> to vector<16xf32>
    tpu.vector_store %arg5[%swap3A_13], %swap3A_16 {strides = array<i32>} : memref<128xf32, #tpu.memory_space<vmem>>, vector<16xf32>,
    %swap3A_17 = arith.constant 64 : index
    %swap3A_18 = tpu.vector_load %arg5[%swap3A_17] {strides = array<i32>} : memref<128xf32, #tpu.memory_space<vmem>>, vector<16xf32>,
    %swap3A_19 = vector.shape_cast %swap3A_18 : vector<16xf32> to vector<16xf32>
    %swap3A_20 = vector.shape_cast %broadcast_in_dim3A_1 : vector<16xf32> to vector<16xf32>
    tpu.vector_store %arg5[%swap3A_17], %swap3A_20 {strides = array<i32>} : memref<128xf32, #tpu.memory_space<vmem>>, vector<16xf32>,
    %swap3A_21 = arith.constant 80 : index
    %swap3A_22 = tpu.vector_load %arg5[%swap3A_21] {strides = array<i32>} : memref<128xf32, #tpu.memory_space<vmem>>, vector<16xf32>,
    %swap3A_23 = vector.shape_cast %swap3A_22 : vector<16xf32> to vector<16xf32>
    %swap3A_24 = vector.shape_cast %broadcast_in_dim3A_1 : vector<16xf32> to vector<16xf32>
    tpu.vector_store %arg5[%swap3A_21], %swap3A_24 {strides = array<i32>} : memref<128xf32, #tpu.memory_space<vmem>>, vector<16xf32>,
    %swap3A_25 = arith.constant 96 : index
    %swap3A_26 = tpu.vector_load %arg5[%swap3A_25] {strides = array<i32>} : memref<128xf32, #tpu.memory_space<vmem>>, vector<16xf32>,
    %swap3A_27 = vector.shape_cast %swap3A_26 : vector<16xf32> to vector<16xf32>
    %swap3A_28 = vector.shape_cast %broadcast_in_dim3A_1 : vector<16xf32> to vector<16xf32>
    tpu.vector_store %arg5[%swap3A_25], %swap3A_28 {strides = array<i32>} : memref<128xf32, #tpu.memory_space<vmem>>, vector<16xf32>,
    %swap3A_29 = arith.constant 112 : index
    %swap3A_30 = tpu.vector_load %arg5[%swap3A_29] {strides = array<i32>} : memref<128xf32, #tpu.memory_space<vmem>>, vector<16xf32>,
    %swap3A_31 = vector.shape_cast %swap3A_30 : vector<16xf32> to vector<16xf32>
    %swap3A_32 = vector.shape_cast %broadcast_in_dim3A_1 : vector<16xf32> to vector<16xf32>
    tpu.vector_store %arg5[%swap3A_29], %swap3A_32 {strides = array<i32>} : memref<128xf32, #tpu.memory_space<vmem>>, vector<16xf32>,
    %broadcast_in_dim3A_33 = arith.constant 0.000000e+00 : f32
    %broadcast_in_dim3A_34 = vector.broadcast %broadcast_in_dim3A_33 : f32 to vector<16xf32>
    %scan3A = arith.constant 0 : i32
    %scan3A_35 = arith.constant 0 : i32
    %scan3A_36 = arith.constant 40 : i32
    %scan3A_37 = arith.addi %scan3A_35, %scan3A_36 : i32
    %scan3A_38 = arith.constant 1 : i32
    scf.for %scan3A_49 = %scan3A_35 to %scan3A_37 step %scan3A_38  : i32 {
      %mul3A_50 = arith.constant 16 : i32
      %mul3A_51 = arith.muli %scan3A_49, %mul3A_50 : i32
      %swap3A_52 = arith.index_cast %mul3A_51 : i32 to index
      %swap3A_53 = tpu.vector_load %arg6[%swap3A_52] {strides = array<i32>} : memref<640xf32, #tpu.memory_space<vmem>>, vector<16xf32>,
      %swap3A_54 = vector.shape_cast %swap3A_53 : vector<16xf32> to vector<16xf32>
      %swap3A_55 = vector.shape_cast %broadcast_in_dim3A_34 : vector<16xf32> to vector<16xf32>
      tpu.vector_store %arg6[%swap3A_52], %swap3A_55 {strides = array<i32>} : memref<640xf32, #tpu.memory_space<vmem>>, vector<16xf32>,
    }
    %scan3A_39 = arith.constant 40 : i32
    %mul3A_40 = arith.constant 640 : i32
    %mul3A_41 = arith.muli %arg1, %mul3A_40 : i32
    "tpu.region"() ({
      %run_scoped3A = tpu.sem_alloc : memref<!tpu.dma_semaphore, #tpu.memory_space<semaphore_mem>>
      %dma_start3A = tpu.memref_slice %arg7[%mul3A_41] : memref<10240xf32, #tpu.memory_space<vmem_shared>> -> memref<640xf32, #tpu.memory_space<vmem_shared>>
      %dma_start3A_49 = tpu.memref_slice %arg7[%mul3A_41] : memref<10240xf32, #tpu.memory_space<vmem_shared>> -> memref<640xf32, #tpu.memory_space<vmem_shared>>
      tpu.enqueue_dma source(%arg6 : memref<640xf32, #tpu.memory_space<vmem>>) target(%dma_start3A_49 : memref<640xf32, #tpu.memory_space<vmem_shared>>) target_semaphore(%run_scoped3A : memref<!tpu.dma_semaphore, #tpu.memory_space<semaphore_mem>>)
      %dma_wait3A = tpu.memref_slice %arg7[%mul3A_41] : memref<10240xf32, #tpu.memory_space<vmem_shared>> -> memref<640xf32, #tpu.memory_space<vmem_shared>>
      %dma_wait3A_50 = tpu.memref_slice %arg7[%mul3A_41] : memref<10240xf32, #tpu.memory_space<vmem_shared>> -> memref<640xf32, #tpu.memory_space<vmem_shared>>
      tpu.wait_dma2 semaphore(%run_scoped3A : memref<!tpu.dma_semaphore, #tpu.memory_space<semaphore_mem>>) src(%arg6 : memref<640xf32, #tpu.memory_space<vmem>>) dst(%dma_wait3A_50 : memref<640xf32, #tpu.memory_space<vmem_shared>>)
      tpu.yield
    }) : () -> ()
    %barrier3A = arith.constant 0 : index
    tpu.barrier barrier_id(%barrier3A)
    %scan3A_42 = arith.constant 0 : i32
    %scan3A_43 = arith.constant 0 : i32
    %scan3A_44 = arith.constant 80 : i32
    %scan3A_45 = arith.addi %scan3A_43, %scan3A_44 : i32
    %scan3A_46 = arith.constant 1 : i32
    scf.for %scan3A_49 = %scan3A_43 to %scan3A_45 step %scan3A_46  : i32 {
      "tpu.region"() ({
        %run_scoped3A = tpu.sem_alloc : memref<!tpu.dma_semaphore, #tpu.memory_space<semaphore_mem>>
        %dma_start3A = arith.constant 0 : i32
        %dma_start3A_50 = tpu.memref_slice %arg4[%scan3A_49, %dma_start3A] : memref<80x128xi32, #tpu.memory_space<vmem>> -> memref<1x128xi32, #tpu.memory_space<vmem>>
        %dma_start3A_51 = tpu.memref_squeeze %dma_start3A_50 : memref<1x128xi32, #tpu.memory_space<vmem>> -> memref<128xi32, #tpu.memory_space<vmem>>
        %dma_start3A_52 = arith.constant 0 : i32
        %dma_start3A_53 = tpu.memref_slice %arg7[%dma_start3A_52] : memref<10240xf32, #tpu.memory_space<vmem_shared>> -> memref<10240xf32, #tpu.memory_space<vmem_shared>>
        tpu.enqueue_indirect_dma source(%arg5 : memref<128xf32, #tpu.memory_space<vmem>>) target(%dma_start3A_53 : memref<10240xf32, #tpu.memory_space<vmem_shared>>) offsets(%dma_start3A_51 : memref<128xi32, #tpu.memory_space<vmem>>) semaphore(%run_scoped3A : memref<!tpu.dma_semaphore, #tpu.memory_space<semaphore_mem>>) {add = true}
        %dma_wait3A = arith.constant 0 : i32
        %dma_wait3A_54 = tpu.memref_slice %arg4[%scan3A_49, %dma_wait3A] : memref<80x128xi32, #tpu.memory_space<vmem>> -> memref<1x128xi32, #tpu.memory_space<vmem>>
        %dma_wait3A_55 = tpu.memref_squeeze %dma_wait3A_54 : memref<1x128xi32, #tpu.memory_space<vmem>> -> memref<128xi32, #tpu.memory_space<vmem>>
        %dma_wait3A_56 = arith.constant 0 : i32
        %dma_wait3A_57 = tpu.memref_slice %arg7[%dma_wait3A_56] : memref<10240xf32, #tpu.memory_space<vmem_shared>> -> memref<10240xf32, #tpu.memory_space<vmem_shared>>
        tpu.wait_indirect_dma semaphore(%run_scoped3A : memref<!tpu.dma_semaphore, #tpu.memory_space<semaphore_mem>>) src(%arg5 : memref<128xf32, #tpu.memory_space<vmem>>) dst(%dma_wait3A_57 : memref<10240xf32, #tpu.memory_space<vmem_shared>>)
        tpu.yield
      }) : () -> ()
    }
    %scan3A_47 = arith.constant 80 : i32
    %barrier3A_48 = arith.constant 0 : index
    tpu.barrier barrier_id(%barrier3A_48)
    "tpu.region"() ({
      %run_scoped3A = tpu.sem_alloc : memref<!tpu.dma_semaphore, #tpu.memory_space<semaphore_mem>>
      %dma_start3A = tpu.memref_slice %arg3[%arg0, %mul3A_41] : memref<2x10240xf32, #tpu.memory_space<hbm>> -> memref<1x640xf32, #tpu.memory_space<hbm>>
      %dma_start3A_49 = tpu.memref_squeeze %dma_start3A : memref<1x640xf32, #tpu.memory_space<hbm>> -> memref<640xf32, #tpu.memory_space<hbm>>
      %dma_start3A_50 = tpu.memref_slice %arg7[%mul3A_41] : memref<10240xf32, #tpu.memory_space<vmem_shared>> -> memref<640xf32, #tpu.memory_space<vmem_shared>>
      tpu.enqueue_dma source(%dma_start3A_50 : memref<640xf32, #tpu.memory_space<vmem_shared>>) target(%dma_start3A_49 : memref<640xf32, #tpu.memory_space<hbm>>) target_semaphore(%run_scoped3A : memref<!tpu.dma_semaphore, #tpu.memory_space<semaphore_mem>>)
      %dma_wait3A = tpu.memref_slice %arg3[%arg0, %mul3A_41] : memref<2x10240xf32, #tpu.memory_space<hbm>> -> memref<1x640xf32, #tpu.memory_space<hbm>>
      %dma_wait3A_51 = tpu.memref_squeeze %dma_wait3A : memref<1x640xf32, #tpu.memory_space<hbm>> -> memref<640xf32, #tpu.memory_space<hbm>>
      %dma_wait3A_52 = tpu.memref_slice %arg7[%mul3A_41] : memref<10240xf32, #tpu.memory_space<vmem_shared>> -> memref<640xf32, #tpu.memory_space<vmem_shared>>
      tpu.wait_dma2 semaphore(%run_scoped3A : memref<!tpu.dma_semaphore, #tpu.memory_space<semaphore_mem>>) src(%dma_wait3A_52 : memref<640xf32, #tpu.memory_space<vmem_shared>>) dst(%dma_wait3A_51 : memref<640xf32, #tpu.memory_space<hbm>>)
      tpu.yield
    }) : () -> ()
    return
  }
}

#map = affine_map<(d0, d1) -> (0, 0, 0)>
#map1 = affine_map<(d0, d1) -> (0)>
#map2 = affine_map<(d0, d1) -> (0, 0)>
module attributes {stable_mosaic.version = 14 : i64} {
  func.func @_agg_scalar_kernel(%arg0: i32, %arg1: i32, %arg2: memref<32x80x128xi32, #tpu.memory_space<hbm>>, %arg3: memref<32x80x128xi32, #tpu.memory_space<hbm>>, %arg4: memref<10240xf32, #tpu.memory_space<hbm>>, %arg5: memref<2x10240xf32, #tpu.memory_space<hbm>>, %arg6: memref<80x128xi32, #tpu.memory_space<vmem>>, %arg7: memref<80x128xi32, #tpu.memory_space<vmem>>, %arg8: memref<10240xf32, #tpu.memory_space<vmem>>, %arg9: memref<80x128xf32, #tpu.memory_space<vmem>>, %arg10: memref<640xf32, #tpu.memory_space<vmem>>, %arg11: memref<10240xf32, #tpu.memory_space<vmem_shared>>) attributes {dimension_semantics = [#tpu.dimension_semantics<core_parallel>, #tpu.dimension_semantics<subcore_parallel>], iteration_bounds = array<i64: 2, 16>, scalar_prefetch = 0 : i64, scratch_operands = 6 : i64, tpu.core_type = #tpu.core_type<sc_vector_subcore>, window_params = [{transform_indices = #map}, {transform_indices = #map}, {transform_indices = #map1}, {transform_indices = #map2}]} {
    %mul3A = arith.constant 16 : i32
    %mul3A_0 = arith.muli %arg0, %mul3A : i32
    %add3A = arith.addi %mul3A_0, %arg1 : i32
    "tpu.region"() ({
      %run_scoped3A = tpu.sem_alloc : memref<!tpu.dma_semaphore, #tpu.memory_space<semaphore_mem>>
      %dma_start3A = arith.constant 0 : i32
      %dma_start3A_16 = arith.constant 0 : i32
      %dma_start3A_17 = tpu.memref_slice %arg2[%add3A, %dma_start3A, %dma_start3A_16] : memref<32x80x128xi32, #tpu.memory_space<hbm>> -> memref<1x80x128xi32, #tpu.memory_space<hbm>>
      %dma_start3A_18 = tpu.memref_squeeze %dma_start3A_17 : memref<1x80x128xi32, #tpu.memory_space<hbm>> -> memref<80x128xi32, #tpu.memory_space<hbm>>
      %dma_start3A_19 = arith.constant 0 : i32
      %dma_start3A_20 = arith.constant 0 : i32
      %dma_start3A_21 = tpu.memref_slice %arg2[%add3A, %dma_start3A_19, %dma_start3A_20] : memref<32x80x128xi32, #tpu.memory_space<hbm>> -> memref<1x80x128xi32, #tpu.memory_space<hbm>>
      %dma_start3A_22 = tpu.memref_squeeze %dma_start3A_21 : memref<1x80x128xi32, #tpu.memory_space<hbm>> -> memref<80x128xi32, #tpu.memory_space<hbm>>
      tpu.enqueue_dma source(%dma_start3A_22 : memref<80x128xi32, #tpu.memory_space<hbm>>) target(%arg6 : memref<80x128xi32, #tpu.memory_space<vmem>>) target_semaphore(%run_scoped3A : memref<!tpu.dma_semaphore, #tpu.memory_space<semaphore_mem>>)
      %dma_wait3A = arith.constant 0 : i32
      %dma_wait3A_23 = arith.constant 0 : i32
      %dma_wait3A_24 = tpu.memref_slice %arg2[%add3A, %dma_wait3A, %dma_wait3A_23] : memref<32x80x128xi32, #tpu.memory_space<hbm>> -> memref<1x80x128xi32, #tpu.memory_space<hbm>>
      %dma_wait3A_25 = tpu.memref_squeeze %dma_wait3A_24 : memref<1x80x128xi32, #tpu.memory_space<hbm>> -> memref<80x128xi32, #tpu.memory_space<hbm>>
      %dma_wait3A_26 = arith.constant 0 : i32
      %dma_wait3A_27 = arith.constant 0 : i32
      %dma_wait3A_28 = tpu.memref_slice %arg2[%add3A, %dma_wait3A_26, %dma_wait3A_27] : memref<32x80x128xi32, #tpu.memory_space<hbm>> -> memref<1x80x128xi32, #tpu.memory_space<hbm>>
      %dma_wait3A_29 = tpu.memref_squeeze %dma_wait3A_28 : memref<1x80x128xi32, #tpu.memory_space<hbm>> -> memref<80x128xi32, #tpu.memory_space<hbm>>
      tpu.wait_dma2 semaphore(%run_scoped3A : memref<!tpu.dma_semaphore, #tpu.memory_space<semaphore_mem>>) src(%dma_wait3A_29 : memref<80x128xi32, #tpu.memory_space<hbm>>) dst(%arg6 : memref<80x128xi32, #tpu.memory_space<vmem>>)
      tpu.yield
    }) : () -> ()
    "tpu.region"() ({
      %run_scoped3A = tpu.sem_alloc : memref<!tpu.dma_semaphore, #tpu.memory_space<semaphore_mem>>
      %dma_start3A = arith.constant 0 : i32
      %dma_start3A_16 = arith.constant 0 : i32
      %dma_start3A_17 = tpu.memref_slice %arg3[%add3A, %dma_start3A, %dma_start3A_16] : memref<32x80x128xi32, #tpu.memory_space<hbm>> -> memref<1x80x128xi32, #tpu.memory_space<hbm>>
      %dma_start3A_18 = tpu.memref_squeeze %dma_start3A_17 : memref<1x80x128xi32, #tpu.memory_space<hbm>> -> memref<80x128xi32, #tpu.memory_space<hbm>>
      %dma_start3A_19 = arith.constant 0 : i32
      %dma_start3A_20 = arith.constant 0 : i32
      %dma_start3A_21 = tpu.memref_slice %arg3[%add3A, %dma_start3A_19, %dma_start3A_20] : memref<32x80x128xi32, #tpu.memory_space<hbm>> -> memref<1x80x128xi32, #tpu.memory_space<hbm>>
      %dma_start3A_22 = tpu.memref_squeeze %dma_start3A_21 : memref<1x80x128xi32, #tpu.memory_space<hbm>> -> memref<80x128xi32, #tpu.memory_space<hbm>>
      tpu.enqueue_dma source(%dma_start3A_22 : memref<80x128xi32, #tpu.memory_space<hbm>>) target(%arg7 : memref<80x128xi32, #tpu.memory_space<vmem>>) target_semaphore(%run_scoped3A : memref<!tpu.dma_semaphore, #tpu.memory_space<semaphore_mem>>)
      %dma_wait3A = arith.constant 0 : i32
      %dma_wait3A_23 = arith.constant 0 : i32
      %dma_wait3A_24 = tpu.memref_slice %arg3[%add3A, %dma_wait3A, %dma_wait3A_23] : memref<32x80x128xi32, #tpu.memory_space<hbm>> -> memref<1x80x128xi32, #tpu.memory_space<hbm>>
      %dma_wait3A_25 = tpu.memref_squeeze %dma_wait3A_24 : memref<1x80x128xi32, #tpu.memory_space<hbm>> -> memref<80x128xi32, #tpu.memory_space<hbm>>
      %dma_wait3A_26 = arith.constant 0 : i32
      %dma_wait3A_27 = arith.constant 0 : i32
      %dma_wait3A_28 = tpu.memref_slice %arg3[%add3A, %dma_wait3A_26, %dma_wait3A_27] : memref<32x80x128xi32, #tpu.memory_space<hbm>> -> memref<1x80x128xi32, #tpu.memory_space<hbm>>
      %dma_wait3A_29 = tpu.memref_squeeze %dma_wait3A_28 : memref<1x80x128xi32, #tpu.memory_space<hbm>> -> memref<80x128xi32, #tpu.memory_space<hbm>>
      tpu.wait_dma2 semaphore(%run_scoped3A : memref<!tpu.dma_semaphore, #tpu.memory_space<semaphore_mem>>) src(%dma_wait3A_29 : memref<80x128xi32, #tpu.memory_space<hbm>>) dst(%arg7 : memref<80x128xi32, #tpu.memory_space<vmem>>)
      tpu.yield
    }) : () -> ()
    "tpu.region"() ({
      %run_scoped3A = tpu.sem_alloc : memref<!tpu.dma_semaphore, #tpu.memory_space<semaphore_mem>>
      tpu.enqueue_dma source(%arg4 : memref<10240xf32, #tpu.memory_space<hbm>>) target(%arg8 : memref<10240xf32, #tpu.memory_space<vmem>>) target_semaphore(%run_scoped3A : memref<!tpu.dma_semaphore, #tpu.memory_space<semaphore_mem>>)
      tpu.wait_dma2 semaphore(%run_scoped3A : memref<!tpu.dma_semaphore, #tpu.memory_space<semaphore_mem>>) src(%arg4 : memref<10240xf32, #tpu.memory_space<hbm>>) dst(%arg8 : memref<10240xf32, #tpu.memory_space<vmem>>)
      tpu.yield
    }) : () -> ()
    %broadcast_in_dim3A = arith.constant 0.000000e+00 : f32
    %broadcast_in_dim3A_1 = vector.broadcast %broadcast_in_dim3A : f32 to vector<16xf32>
    %scan3A = arith.constant 0 : i32
    %scan3A_2 = arith.constant 0 : i32
    %scan3A_3 = arith.constant 40 : i32
    %scan3A_4 = arith.addi %scan3A_2, %scan3A_3 : i32
    %scan3A_5 = arith.constant 1 : i32
    scf.for %scan3A_16 = %scan3A_2 to %scan3A_4 step %scan3A_5  : i32 {
      %mul3A_17 = arith.constant 16 : i32
      %mul3A_18 = arith.muli %scan3A_16, %mul3A_17 : i32
      %swap3A = arith.index_cast %mul3A_18 : i32 to index
      %swap3A_19 = tpu.vector_load %arg10[%swap3A] {strides = array<i32>} : memref<640xf32, #tpu.memory_space<vmem>>, vector<16xf32>,
      %swap3A_20 = vector.shape_cast %swap3A_19 : vector<16xf32> to vector<16xf32>
      %swap3A_21 = vector.shape_cast %broadcast_in_dim3A_1 : vector<16xf32> to vector<16xf32>
      tpu.vector_store %arg10[%swap3A], %swap3A_21 {strides = array<i32>} : memref<640xf32, #tpu.memory_space<vmem>>, vector<16xf32>,
    }
    %scan3A_6 = arith.constant 40 : i32
    %mul3A_7 = arith.constant 640 : i32
    %mul3A_8 = arith.muli %arg1, %mul3A_7 : i32
    "tpu.region"() ({
      %run_scoped3A = tpu.sem_alloc : memref<!tpu.dma_semaphore, #tpu.memory_space<semaphore_mem>>
      %dma_start3A = tpu.memref_slice %arg11[%mul3A_8] : memref<10240xf32, #tpu.memory_space<vmem_shared>> -> memref<640xf32, #tpu.memory_space<vmem_shared>>
      %dma_start3A_16 = tpu.memref_slice %arg11[%mul3A_8] : memref<10240xf32, #tpu.memory_space<vmem_shared>> -> memref<640xf32, #tpu.memory_space<vmem_shared>>
      tpu.enqueue_dma source(%arg10 : memref<640xf32, #tpu.memory_space<vmem>>) target(%dma_start3A_16 : memref<640xf32, #tpu.memory_space<vmem_shared>>) target_semaphore(%run_scoped3A : memref<!tpu.dma_semaphore, #tpu.memory_space<semaphore_mem>>)
      %dma_wait3A = tpu.memref_slice %arg11[%mul3A_8] : memref<10240xf32, #tpu.memory_space<vmem_shared>> -> memref<640xf32, #tpu.memory_space<vmem_shared>>
      %dma_wait3A_17 = tpu.memref_slice %arg11[%mul3A_8] : memref<10240xf32, #tpu.memory_space<vmem_shared>> -> memref<640xf32, #tpu.memory_space<vmem_shared>>
      tpu.wait_dma2 semaphore(%run_scoped3A : memref<!tpu.dma_semaphore, #tpu.memory_space<semaphore_mem>>) src(%arg10 : memref<640xf32, #tpu.memory_space<vmem>>) dst(%dma_wait3A_17 : memref<640xf32, #tpu.memory_space<vmem_shared>>)
      tpu.yield
    }) : () -> ()
    %barrier3A = arith.constant 0 : index
    tpu.barrier barrier_id(%barrier3A)
    %scan3A_9 = arith.constant 0 : i32
    %scan3A_10 = arith.constant 0 : i32
    %scan3A_11 = arith.constant 80 : i32
    %scan3A_12 = arith.addi %scan3A_10, %scan3A_11 : i32
    %scan3A_13 = arith.constant 1 : i32
    scf.for %scan3A_16 = %scan3A_10 to %scan3A_12 step %scan3A_13  : i32 {
      %get3A = arith.index_cast %scan3A_16 : i32 to index
      %get3A_17 = arith.constant 0 : index
      %get3A_18 = tpu.vector_load %arg6[%get3A, %get3A_17] {strides = array<i32>} : memref<80x128xi32, #tpu.memory_space<vmem>>, vector<16xi32>,
      %gather3A = tpu.vector_load_idx %arg8[%get3A_18] : memref<10240xf32, #tpu.memory_space<vmem>>[vector<16xi32>], vector<16xf32>,
      %swap3A = arith.index_cast %scan3A_16 : i32 to index
      %swap3A_19 = arith.constant 0 : index
      %swap3A_20 = tpu.vector_load %arg9[%swap3A, %swap3A_19] {strides = array<i32>} : memref<80x128xf32, #tpu.memory_space<vmem>>, vector<16xf32>,
      tpu.vector_store %arg9[%swap3A, %swap3A_19], %gather3A {strides = array<i32>} : memref<80x128xf32, #tpu.memory_space<vmem>>, vector<16xf32>,
      %get3A_21 = arith.index_cast %scan3A_16 : i32 to index
      %get3A_22 = arith.constant 16 : index
      %get3A_23 = tpu.vector_load %arg6[%get3A_21, %get3A_22] {strides = array<i32>} : memref<80x128xi32, #tpu.memory_space<vmem>>, vector<16xi32>,
      %gather3A_24 = tpu.vector_load_idx %arg8[%get3A_23] : memref<10240xf32, #tpu.memory_space<vmem>>[vector<16xi32>], vector<16xf32>,
      %swap3A_25 = arith.index_cast %scan3A_16 : i32 to index
      %swap3A_26 = arith.constant 16 : index
      %swap3A_27 = tpu.vector_load %arg9[%swap3A_25, %swap3A_26] {strides = array<i32>} : memref<80x128xf32, #tpu.memory_space<vmem>>, vector<16xf32>,
      tpu.vector_store %arg9[%swap3A_25, %swap3A_26], %gather3A_24 {strides = array<i32>} : memref<80x128xf32, #tpu.memory_space<vmem>>, vector<16xf32>,
      %get3A_28 = arith.index_cast %scan3A_16 : i32 to index
      %get3A_29 = arith.constant 32 : index
      %get3A_30 = tpu.vector_load %arg6[%get3A_28, %get3A_29] {strides = array<i32>} : memref<80x128xi32, #tpu.memory_space<vmem>>, vector<16xi32>,
      %gather3A_31 = tpu.vector_load_idx %arg8[%get3A_30] : memref<10240xf32, #tpu.memory_space<vmem>>[vector<16xi32>], vector<16xf32>,
      %swap3A_32 = arith.index_cast %scan3A_16 : i32 to index
      %swap3A_33 = arith.constant 32 : index
      %swap3A_34 = tpu.vector_load %arg9[%swap3A_32, %swap3A_33] {strides = array<i32>} : memref<80x128xf32, #tpu.memory_space<vmem>>, vector<16xf32>,
      tpu.vector_store %arg9[%swap3A_32, %swap3A_33], %gather3A_31 {strides = array<i32>} : memref<80x128xf32, #tpu.memory_space<vmem>>, vector<16xf32>,
      %get3A_35 = arith.index_cast %scan3A_16 : i32 to index
      %get3A_36 = arith.constant 48 : index
      %get3A_37 = tpu.vector_load %arg6[%get3A_35, %get3A_36] {strides = array<i32>} : memref<80x128xi32, #tpu.memory_space<vmem>>, vector<16xi32>,
      %gather3A_38 = tpu.vector_load_idx %arg8[%get3A_37] : memref<10240xf32, #tpu.memory_space<vmem>>[vector<16xi32>], vector<16xf32>,
      %swap3A_39 = arith.index_cast %scan3A_16 : i32 to index
      %swap3A_40 = arith.constant 48 : index
      %swap3A_41 = tpu.vector_load %arg9[%swap3A_39, %swap3A_40] {strides = array<i32>} : memref<80x128xf32, #tpu.memory_space<vmem>>, vector<16xf32>,
      tpu.vector_store %arg9[%swap3A_39, %swap3A_40], %gather3A_38 {strides = array<i32>} : memref<80x128xf32, #tpu.memory_space<vmem>>, vector<16xf32>,
      %get3A_42 = arith.index_cast %scan3A_16 : i32 to index
      %get3A_43 = arith.constant 64 : index
      %get3A_44 = tpu.vector_load %arg6[%get3A_42, %get3A_43] {strides = array<i32>} : memref<80x128xi32, #tpu.memory_space<vmem>>, vector<16xi32>,
      %gather3A_45 = tpu.vector_load_idx %arg8[%get3A_44] : memref<10240xf32, #tpu.memory_space<vmem>>[vector<16xi32>], vector<16xf32>,
      %swap3A_46 = arith.index_cast %scan3A_16 : i32 to index
      %swap3A_47 = arith.constant 64 : index
      %swap3A_48 = tpu.vector_load %arg9[%swap3A_46, %swap3A_47] {strides = array<i32>} : memref<80x128xf32, #tpu.memory_space<vmem>>, vector<16xf32>,
      tpu.vector_store %arg9[%swap3A_46, %swap3A_47], %gather3A_45 {strides = array<i32>} : memref<80x128xf32, #tpu.memory_space<vmem>>, vector<16xf32>,
      %get3A_49 = arith.index_cast %scan3A_16 : i32 to index
      %get3A_50 = arith.constant 80 : index
      %get3A_51 = tpu.vector_load %arg6[%get3A_49, %get3A_50] {strides = array<i32>} : memref<80x128xi32, #tpu.memory_space<vmem>>, vector<16xi32>,
      %gather3A_52 = tpu.vector_load_idx %arg8[%get3A_51] : memref<10240xf32, #tpu.memory_space<vmem>>[vector<16xi32>], vector<16xf32>,
      %swap3A_53 = arith.index_cast %scan3A_16 : i32 to index
      %swap3A_54 = arith.constant 80 : index
      %swap3A_55 = tpu.vector_load %arg9[%swap3A_53, %swap3A_54] {strides = array<i32>} : memref<80x128xf32, #tpu.memory_space<vmem>>, vector<16xf32>,
      tpu.vector_store %arg9[%swap3A_53, %swap3A_54], %gather3A_52 {strides = array<i32>} : memref<80x128xf32, #tpu.memory_space<vmem>>, vector<16xf32>,
      %get3A_56 = arith.index_cast %scan3A_16 : i32 to index
      %get3A_57 = arith.constant 96 : index
      %get3A_58 = tpu.vector_load %arg6[%get3A_56, %get3A_57] {strides = array<i32>} : memref<80x128xi32, #tpu.memory_space<vmem>>, vector<16xi32>,
      %gather3A_59 = tpu.vector_load_idx %arg8[%get3A_58] : memref<10240xf32, #tpu.memory_space<vmem>>[vector<16xi32>], vector<16xf32>,
      %swap3A_60 = arith.index_cast %scan3A_16 : i32 to index
      %swap3A_61 = arith.constant 96 : index
      %swap3A_62 = tpu.vector_load %arg9[%swap3A_60, %swap3A_61] {strides = array<i32>} : memref<80x128xf32, #tpu.memory_space<vmem>>, vector<16xf32>,
      tpu.vector_store %arg9[%swap3A_60, %swap3A_61], %gather3A_59 {strides = array<i32>} : memref<80x128xf32, #tpu.memory_space<vmem>>, vector<16xf32>,
      %get3A_63 = arith.index_cast %scan3A_16 : i32 to index
      %get3A_64 = arith.constant 112 : index
      %get3A_65 = tpu.vector_load %arg6[%get3A_63, %get3A_64] {strides = array<i32>} : memref<80x128xi32, #tpu.memory_space<vmem>>, vector<16xi32>,
      %gather3A_66 = tpu.vector_load_idx %arg8[%get3A_65] : memref<10240xf32, #tpu.memory_space<vmem>>[vector<16xi32>], vector<16xf32>,
      %swap3A_67 = arith.index_cast %scan3A_16 : i32 to index
      %swap3A_68 = arith.constant 112 : index
      %swap3A_69 = tpu.vector_load %arg9[%swap3A_67, %swap3A_68] {strides = array<i32>} : memref<80x128xf32, #tpu.memory_space<vmem>>, vector<16xf32>,
      tpu.vector_store %arg9[%swap3A_67, %swap3A_68], %gather3A_66 {strides = array<i32>} : memref<80x128xf32, #tpu.memory_space<vmem>>, vector<16xf32>,
      "tpu.region"() ({
        %run_scoped3A = tpu.sem_alloc : memref<!tpu.dma_semaphore, #tpu.memory_space<semaphore_mem>>
        %dma_start3A = arith.constant 0 : i32
        %dma_start3A_70 = tpu.memref_slice %arg9[%scan3A_16, %dma_start3A] : memref<80x128xf32, #tpu.memory_space<vmem>> -> memref<1x128xf32, #tpu.memory_space<vmem>>
        %dma_start3A_71 = tpu.memref_squeeze %dma_start3A_70 : memref<1x128xf32, #tpu.memory_space<vmem>> -> memref<128xf32, #tpu.memory_space<vmem>>
        %dma_start3A_72 = arith.constant 0 : i32
        %dma_start3A_73 = tpu.memref_slice %arg7[%scan3A_16, %dma_start3A_72] : memref<80x128xi32, #tpu.memory_space<vmem>> -> memref<1x128xi32, #tpu.memory_space<vmem>>
        %dma_start3A_74 = tpu.memref_squeeze %dma_start3A_73 : memref<1x128xi32, #tpu.memory_space<vmem>> -> memref<128xi32, #tpu.memory_space<vmem>>
        %dma_start3A_75 = arith.constant 0 : i32
        %dma_start3A_76 = tpu.memref_slice %arg11[%dma_start3A_75] : memref<10240xf32, #tpu.memory_space<vmem_shared>> -> memref<10240xf32, #tpu.memory_space<vmem_shared>>
        tpu.enqueue_indirect_dma source(%dma_start3A_71 : memref<128xf32, #tpu.memory_space<vmem>>) target(%dma_start3A_76 : memref<10240xf32, #tpu.memory_space<vmem_shared>>) offsets(%dma_start3A_74 : memref<128xi32, #tpu.memory_space<vmem>>) semaphore(%run_scoped3A : memref<!tpu.dma_semaphore, #tpu.memory_space<semaphore_mem>>) {add = true}
        %dma_wait3A = arith.constant 0 : i32
        %dma_wait3A_77 = tpu.memref_slice %arg9[%scan3A_16, %dma_wait3A] : memref<80x128xf32, #tpu.memory_space<vmem>> -> memref<1x128xf32, #tpu.memory_space<vmem>>
        %dma_wait3A_78 = tpu.memref_squeeze %dma_wait3A_77 : memref<1x128xf32, #tpu.memory_space<vmem>> -> memref<128xf32, #tpu.memory_space<vmem>>
        %dma_wait3A_79 = arith.constant 0 : i32
        %dma_wait3A_80 = tpu.memref_slice %arg7[%scan3A_16, %dma_wait3A_79] : memref<80x128xi32, #tpu.memory_space<vmem>> -> memref<1x128xi32, #tpu.memory_space<vmem>>
        %dma_wait3A_81 = tpu.memref_squeeze %dma_wait3A_80 : memref<1x128xi32, #tpu.memory_space<vmem>> -> memref<128xi32, #tpu.memory_space<vmem>>
        %dma_wait3A_82 = arith.constant 0 : i32
        %dma_wait3A_83 = tpu.memref_slice %arg11[%dma_wait3A_82] : memref<10240xf32, #tpu.memory_space<vmem_shared>> -> memref<10240xf32, #tpu.memory_space<vmem_shared>>
        tpu.wait_indirect_dma semaphore(%run_scoped3A : memref<!tpu.dma_semaphore, #tpu.memory_space<semaphore_mem>>) src(%dma_wait3A_78 : memref<128xf32, #tpu.memory_space<vmem>>) dst(%dma_wait3A_83 : memref<10240xf32, #tpu.memory_space<vmem_shared>>)
        tpu.yield
      }) : () -> ()
    }
    %scan3A_14 = arith.constant 80 : i32
    %barrier3A_15 = arith.constant 0 : index
    tpu.barrier barrier_id(%barrier3A_15)
    "tpu.region"() ({
      %run_scoped3A = tpu.sem_alloc : memref<!tpu.dma_semaphore, #tpu.memory_space<semaphore_mem>>
      %dma_start3A = tpu.memref_slice %arg5[%arg0, %mul3A_8] : memref<2x10240xf32, #tpu.memory_space<hbm>> -> memref<1x640xf32, #tpu.memory_space<hbm>>
      %dma_start3A_16 = tpu.memref_squeeze %dma_start3A : memref<1x640xf32, #tpu.memory_space<hbm>> -> memref<640xf32, #tpu.memory_space<hbm>>
      %dma_start3A_17 = tpu.memref_slice %arg11[%mul3A_8] : memref<10240xf32, #tpu.memory_space<vmem_shared>> -> memref<640xf32, #tpu.memory_space<vmem_shared>>
      tpu.enqueue_dma source(%dma_start3A_17 : memref<640xf32, #tpu.memory_space<vmem_shared>>) target(%dma_start3A_16 : memref<640xf32, #tpu.memory_space<hbm>>) target_semaphore(%run_scoped3A : memref<!tpu.dma_semaphore, #tpu.memory_space<semaphore_mem>>)
      %dma_wait3A = tpu.memref_slice %arg5[%arg0, %mul3A_8] : memref<2x10240xf32, #tpu.memory_space<hbm>> -> memref<1x640xf32, #tpu.memory_space<hbm>>
      %dma_wait3A_18 = tpu.memref_squeeze %dma_wait3A : memref<1x640xf32, #tpu.memory_space<hbm>> -> memref<640xf32, #tpu.memory_space<hbm>>
      %dma_wait3A_19 = tpu.memref_slice %arg11[%mul3A_8] : memref<10240xf32, #tpu.memory_space<vmem_shared>> -> memref<640xf32, #tpu.memory_space<vmem_shared>>
      tpu.wait_dma2 semaphore(%run_scoped3A : memref<!tpu.dma_semaphore, #tpu.memory_space<semaphore_mem>>) src(%dma_wait3A_19 : memref<640xf32, #tpu.memory_space<vmem_shared>>) dst(%dma_wait3A_18 : memref<640xf32, #tpu.memory_space<hbm>>)
      tpu.yield
    }) : () -> ()
    return
  }
}

module attributes {stable_mosaic.version = 14 : i64} {
  func.func @_lin1_body(%arg0: i32, %arg1: memref<2x2048xf32, #tpu.memory_space<vmem>>, %arg2: memref<2048x128xf32, #tpu.memory_space<vmem>>, %arg3: memref<128x128xf32, #tpu.memory_space<vmem>>, %arg4: memref<2x2048x64xf32, #tpu.memory_space<vmem>>, %arg5: memref<2048x1xf32, #tpu.memory_space<vmem>>) attributes {dimension_semantics = [#tpu.dimension_semantics<arbitrary>], iteration_bounds = array<i64: 5>, scalar_prefetch = 0 : i64, scratch_operands = 0 : i64, tpu.core_type = #tpu.core_type<tc>, window_params = [{transform_indices = @transform_0, window_bounds = array<i64: 2, 2048>}, {transform_indices = @transform_1, window_bounds = array<i64: 2048, 128>}, {pipeline_mode = #tpu.pipeline_mode<synchronous>, transform_indices = @transform_2, window_bounds = array<i64: 128, 128>}, {transform_indices = @transform_3, window_bounds = array<i64: 2, 2048, 64>}, {transform_indices = @transform_4, window_bounds = array<i64: 2048, 1>}]} {
    %get3A = arith.constant 0 : index
    %get3A_0 = arith.constant 0 : index
    %get3A_1 = vector.load %arg1[%get3A, %get3A_0] : memref<2x2048xf32, #tpu.memory_space<vmem>>, vector<2x2048xf32>
    %slice3A = vector.extract_strided_slice %get3A_1 {offsets = [0, 0], sizes = [1, 2048], strides = [1, 1]} : vector<2x2048xf32> to vector<1x2048xf32>
    %squeeze3A = vector.shape_cast %slice3A : vector<1x2048xf32> to vector<2048xf32>
    %slice3A_2 = vector.extract_strided_slice %get3A_1 {offsets = [1, 0], sizes = [1, 2048], strides = [1, 1]} : vector<2x2048xf32> to vector<1x2048xf32>
    %squeeze3A_3 = vector.shape_cast %slice3A_2 : vector<1x2048xf32> to vector<2048xf32>
    %add3A = arith.addf %squeeze3A, %squeeze3A_3 : vector<2048xf32>
    %add3A_4 = arith.constant 1.000000e+00 : f32
    %add3A_5 = vector.broadcast %add3A_4 : f32 to vector<2048xf32>
    %add3A_6 = arith.addf %add3A, %add3A_5 : vector<2048xf32>
    %gt3A = arith.constant 0.000000e+00 : f32
    %gt3A_7 = vector.broadcast %gt3A : f32 to vector<2048xf32>
    %gt3A_8 = arith.cmpf ogt, %add3A_6, %gt3A_7 : vector<2048xf32>
    %rsqrt3A = math.rsqrt %add3A_6 : vector<2048xf32>
    %jit3A = arith.constant 0.000000e+00 : f32
    %broadcast_in_dim3A = vector.broadcast %jit3A : f32 to vector<2048xf32>
    %select_n3A = arith.select %gt3A_8, %rsqrt3A, %broadcast_in_dim3A : vector<2048xi1>, vector<2048xf32>
    %broadcast_in_dim3A_9 = vector.shape_cast %select_n3A : vector<2048xf32> to vector<2048x1xf32>
    %get3A_10 = arith.constant 0 : index
    %get3A_11 = arith.constant 0 : index
    %get3A_12 = vector.load %arg2[%get3A_10, %get3A_11] : memref<2048x128xf32, #tpu.memory_space<vmem>>, vector<2048x128xf32>
    %mul3A = vector.broadcast %broadcast_in_dim3A_9 : vector<2048x1xf32> to vector<2048x128xf32>
    %mul3A_13 = arith.mulf %mul3A, %get3A_12 : vector<2048x128xf32>
    %get3A_14 = arith.constant 0 : index
    %get3A_15 = arith.constant 0 : index
    %get3A_16 = vector.load %arg3[%get3A_14, %get3A_15] : memref<128x128xf32, #tpu.memory_space<vmem>>, vector<128x128xf32>
    %dot_general3A = arith.constant dense<0.000000e+00> : vector<2048x128xf32>
    %dot_general3A_17 = tpu.matmul %mul3A_13, %get3A_16, %dot_general3A {dimension_numbers = #tpu.dot_dimension_numbers<[1], [0], [0], [1], [0, 0, 1, 1], [], []>, transpose_lhs_hint = false} : vector<2048x128xf32>, vector<128x128xf32>, vector<2048x128xf32> -> vector<2048x128xf32>
    %slice3A_18 = vector.extract_strided_slice %dot_general3A_17 {offsets = [0, 0], sizes = [2048, 64], strides = [1, 1]} : vector<2048x128xf32> to vector<2048x64xf32>
    %swap3A = arith.constant 0 : index
    %swap3A_19 = arith.constant 0 : index
    %swap3A_20 = arith.constant 0 : index
    %swap3A_21 = vector.load %arg4[%swap3A, %swap3A_19, %swap3A_20] : memref<2x2048x64xf32, #tpu.memory_space<vmem>>, vector<1x2048x64xf32>
    %swap3A_22 = vector.shape_cast %swap3A_21 : vector<1x2048x64xf32> to vector<2048x64xf32>
    %swap3A_23 = vector.shape_cast %slice3A_18 : vector<2048x64xf32> to vector<1x2048x64xf32>
    tpu.vector_store %arg4[%swap3A, %swap3A_19, %swap3A_20], %swap3A_23 {strides = array<i32>} : memref<2x2048x64xf32, #tpu.memory_space<vmem>>, vector<1x2048x64xf32>,
    %slice3A_24 = vector.extract_strided_slice %dot_general3A_17 {offsets = [0, 64], sizes = [2048, 64], strides = [1, 1]} : vector<2048x128xf32> to vector<2048x64xf32>
    %swap3A_25 = arith.constant 1 : index
    %swap3A_26 = arith.constant 0 : index
    %swap3A_27 = arith.constant 0 : index
    %swap3A_28 = vector.load %arg4[%swap3A_25, %swap3A_26, %swap3A_27] : memref<2x2048x64xf32, #tpu.memory_space<vmem>>, vector<1x2048x64xf32>
    %swap3A_29 = vector.shape_cast %swap3A_28 : vector<1x2048x64xf32> to vector<2048x64xf32>
    %swap3A_30 = vector.shape_cast %slice3A_24 : vector<2048x64xf32> to vector<1x2048x64xf32>
    tpu.vector_store %arg4[%swap3A_25, %swap3A_26, %swap3A_27], %swap3A_30 {strides = array<i32>} : memref<2x2048x64xf32, #tpu.memory_space<vmem>>, vector<1x2048x64xf32>,
    %swap3A_31 = arith.constant 0 : index
    %swap3A_32 = arith.constant 0 : index
    %swap3A_33 = vector.load %arg5[%swap3A_31, %swap3A_32] : memref<2048x1xf32, #tpu.memory_space<vmem>>, vector<2048x1xf32>
    tpu.vector_store %arg5[%swap3A_31, %swap3A_32], %broadcast_in_dim3A_9 {strides = array<i32>} : memref<2048x1xf32, #tpu.memory_space<vmem>>, vector<2048x1xf32>,
    return
  }
  func.func @transform_0(%arg0: i32) -> (i32, i32) {
    %c0_i32 = arith.constant 0 : i32
    %c0_i32_0 = arith.constant 0 : i32
    return %c0_i32, %arg0 : i32, i32
  }
  func.func @transform_1(%arg0: i32) -> (i32, i32) {
    %c0_i32 = arith.constant 0 : i32
    %c0_i32_0 = arith.constant 0 : i32
    return %arg0, %c0_i32 : i32, i32
  }
  func.func @transform_2(%arg0: i32) -> (i32, i32) {
    %c0_i32 = arith.constant 0 : i32
    %c0_i32_0 = arith.constant 0 : i32
    %c0_i32_1 = arith.constant 0 : i32
    return %c0_i32, %c0_i32_0 : i32, i32
  }
  func.func @transform_3(%arg0: i32) -> (i32, i32, i32) {
    %c0_i32 = arith.constant 0 : i32
    %c0_i32_0 = arith.constant 0 : i32
    %c0_i32_1 = arith.constant 0 : i32
    return %c0_i32, %arg0, %c0_i32_0 : i32, i32, i32
  }
  func.func @transform_4(%arg0: i32) -> (i32, i32) {
    %c0_i32 = arith.constant 0 : i32
    %c0_i32_0 = arith.constant 0 : i32
    return %arg0, %c0_i32 : i32, i32
  }
}

module attributes {stable_mosaic.version = 14 : i64} {
  func.func @_lin2_body(%arg0: i32, %arg1: memref<2x2048x64xf32, #tpu.memory_space<vmem>>, %arg2: memref<2x2048x64xf32, #tpu.memory_space<vmem>>, %arg3: memref<2048x1xf32, #tpu.memory_space<vmem>>, %arg4: memref<1x128xf32, #tpu.memory_space<vmem>>, %arg5: memref<128x1xf32, #tpu.memory_space<vmem>>, %arg6: memref<2048x1xf32, #tpu.memory_space<vmem>>) attributes {dimension_semantics = [#tpu.dimension_semantics<arbitrary>], iteration_bounds = array<i64: 5>, scalar_prefetch = 0 : i64, scratch_operands = 0 : i64, tpu.core_type = #tpu.core_type<tc>, window_params = [{transform_indices = @transform_0, window_bounds = array<i64: 2, 2048, 64>}, {transform_indices = @transform_1, window_bounds = array<i64: 2, 2048, 64>}, {transform_indices = @transform_2, window_bounds = array<i64: 2048, 1>}, {pipeline_mode = #tpu.pipeline_mode<synchronous>, transform_indices = @transform_3, window_bounds = array<i64: 1, 128>}, {pipeline_mode = #tpu.pipeline_mode<synchronous>, transform_indices = @transform_4, window_bounds = array<i64: 128, 1>}, {transform_indices = @transform_5, window_bounds = array<i64: 2048, 1>}]} {
    %get3A = arith.constant 0 : index
    %get3A_0 = arith.constant 0 : index
    %get3A_1 = arith.constant 0 : index
    %get3A_2 = vector.load %arg1[%get3A, %get3A_0, %get3A_1] : memref<2x2048x64xf32, #tpu.memory_space<vmem>>, vector<2x2048x64xf32>
    %get3A_3 = arith.constant 0 : index
    %get3A_4 = arith.constant 0 : index
    %get3A_5 = arith.constant 0 : index
    %get3A_6 = vector.load %arg2[%get3A_3, %get3A_4, %get3A_5] : memref<2x2048x64xf32, #tpu.memory_space<vmem>>, vector<2x2048x64xf32>
    %add3A = arith.addf %get3A_2, %get3A_6 : vector<2x2048x64xf32>
    %slice3A = vector.extract_strided_slice %add3A {offsets = [0, 0, 0], sizes = [1, 2048, 64], strides = [1, 1, 1]} : vector<2x2048x64xf32> to vector<1x2048x64xf32>
    %squeeze3A = vector.shape_cast %slice3A : vector<1x2048x64xf32> to vector<2048x64xf32>
    %slice3A_7 = vector.extract_strided_slice %add3A {offsets = [1, 0, 0], sizes = [1, 2048, 64], strides = [1, 1, 1]} : vector<2x2048x64xf32> to vector<1x2048x64xf32>
    %squeeze3A_8 = vector.shape_cast %slice3A_7 : vector<1x2048x64xf32> to vector<2048x64xf32>
    %concatenate3A = tpu.concatenate %squeeze3A, %squeeze3A_8 in 1 : vector<2048x64xf32>, vector<2048x64xf32> -> vector<2048x128xf32>
    %get3A_9 = arith.constant 0 : index
    %get3A_10 = arith.constant 0 : index
    %get3A_11 = vector.load %arg3[%get3A_9, %get3A_10] : memref<2048x1xf32, #tpu.memory_space<vmem>>, vector<2048x1xf32>
    %mul3A = vector.broadcast %get3A_11 : vector<2048x1xf32> to vector<2048x128xf32>
    %mul3A_12 = arith.mulf %mul3A, %concatenate3A : vector<2048x128xf32>
    %get3A_13 = arith.constant 0 : index
    %get3A_14 = arith.constant 0 : index
    %get3A_15 = vector.load %arg4[%get3A_13, %get3A_14] : memref<1x128xf32, #tpu.memory_space<vmem>>, vector<1x128xf32>
    %add3A_16 = vector.broadcast %get3A_15 : vector<1x128xf32> to vector<2048x128xf32>
    %add3A_17 = arith.addf %mul3A_12, %add3A_16 : vector<2048x128xf32>
    %max3A = arith.constant 0.000000e+00 : f32
    %max3A_18 = vector.broadcast %max3A : f32 to vector<2048x128xf32>
    %max3A_19 = arith.maximumf %add3A_17, %max3A_18 : vector<2048x128xf32>
    %get3A_20 = arith.constant 0 : index
    %get3A_21 = arith.constant 0 : index
    %get3A_22 = vector.load %arg5[%get3A_20, %get3A_21] : memref<128x1xf32, #tpu.memory_space<vmem>>, vector<128x1xf32>
    %dot_general3A = arith.constant dense<0.000000e+00> : vector<2048x1xf32>
    %dot_general3A_23 = tpu.matmul %max3A_19, %get3A_22, %dot_general3A {dimension_numbers = #tpu.dot_dimension_numbers<[1], [0], [0], [1], [0, 0, 1, 1], [], []>, transpose_lhs_hint = false} : vector<2048x128xf32>, vector<128x1xf32>, vector<2048x1xf32> -> vector<2048x1xf32>
    %mul3A_24 = arith.mulf %get3A_11, %dot_general3A_23 : vector<2048x1xf32>
    %swap3A = arith.constant 0 : index
    %swap3A_25 = arith.constant 0 : index
    %swap3A_26 = vector.load %arg6[%swap3A, %swap3A_25] : memref<2048x1xf32, #tpu.memory_space<vmem>>, vector<2048x1xf32>
    tpu.vector_store %arg6[%swap3A, %swap3A_25], %mul3A_24 {strides = array<i32>} : memref<2048x1xf32, #tpu.memory_space<vmem>>, vector<2048x1xf32>,
    return
  }
  func.func @transform_0(%arg0: i32) -> (i32, i32, i32) {
    %c0_i32 = arith.constant 0 : i32
    %c0_i32_0 = arith.constant 0 : i32
    %c0_i32_1 = arith.constant 0 : i32
    return %c0_i32, %arg0, %c0_i32_0 : i32, i32, i32
  }
  func.func @transform_1(%arg0: i32) -> (i32, i32, i32) {
    %c0_i32 = arith.constant 0 : i32
    %c0_i32_0 = arith.constant 0 : i32
    %c0_i32_1 = arith.constant 0 : i32
    return %c0_i32, %arg0, %c0_i32_0 : i32, i32, i32
  }
  func.func @transform_2(%arg0: i32) -> (i32, i32) {
    %c0_i32 = arith.constant 0 : i32
    %c0_i32_0 = arith.constant 0 : i32
    return %arg0, %c0_i32 : i32, i32
  }
  func.func @transform_3(%arg0: i32) -> (i32, i32) {
    %c0_i32 = arith.constant 0 : i32
    %c0_i32_0 = arith.constant 0 : i32
    %c0_i32_1 = arith.constant 0 : i32
    return %c0_i32, %c0_i32_0 : i32, i32
  }
  func.func @transform_4(%arg0: i32) -> (i32, i32) {
    %c0_i32 = arith.constant 0 : i32
    %c0_i32_0 = arith.constant 0 : i32
    %c0_i32_1 = arith.constant 0 : i32
    return %c0_i32, %c0_i32_0 : i32, i32
  }
  func.func @transform_5(%arg0: i32) -> (i32, i32) {
    %c0_i32 = arith.constant 0 : i32
    %c0_i32_0 = arith.constant 0 : i32
    return %arg0, %c0_i32 : i32, i32
  }
}

module attributes {stable_mosaic.version = 14 : i64} {
  func.func @_fin_body(%arg0: memref<2x80x128xf32, #tpu.memory_space<vmem>>, %arg1: memref<80x128xf32, #tpu.memory_space<vmem>>, %arg2: memref<80x128xf32, #tpu.memory_space<vmem>>, %arg3: memref<1x1xf32, #tpu.memory_space<vmem>>, %arg4: memref<80x128xf32, #tpu.memory_space<vmem>>) attributes {dimension_semantics = [], scalar_prefetch = 0 : i64, scratch_operands = 0 : i64, tpu.core_type = #tpu.core_type<tc>} {
    %get3A = arith.constant 0 : index
    %get3A_0 = arith.constant 0 : index
    %get3A_1 = arith.constant 0 : index
    %get3A_2 = vector.load %arg0[%get3A, %get3A_0, %get3A_1] : memref<2x80x128xf32, #tpu.memory_space<vmem>>, vector<2x80x128xf32>
    %get3A_3 = arith.constant 0 : index
    %get3A_4 = arith.constant 0 : index
    %get3A_5 = vector.load %arg2[%get3A_3, %get3A_4] : memref<80x128xf32, #tpu.memory_space<vmem>>, vector<80x128xf32>
    %slice3A = vector.extract_strided_slice %get3A_2 {offsets = [0, 0, 0], sizes = [1, 80, 128], strides = [1, 1, 1]} : vector<2x80x128xf32> to vector<1x80x128xf32>
    %squeeze3A = vector.shape_cast %slice3A : vector<1x80x128xf32> to vector<80x128xf32>
    %slice3A_6 = vector.extract_strided_slice %get3A_2 {offsets = [1, 0, 0], sizes = [1, 80, 128], strides = [1, 1, 1]} : vector<2x80x128xf32> to vector<1x80x128xf32>
    %squeeze3A_7 = vector.shape_cast %slice3A_6 : vector<1x80x128xf32> to vector<80x128xf32>
    %add3A = arith.addf %squeeze3A, %squeeze3A_7 : vector<80x128xf32>
    %get3A_8 = arith.constant 0 : index
    %get3A_9 = arith.constant 0 : index
    %get3A_10 = vector.load %arg1[%get3A_8, %get3A_9] : memref<80x128xf32, #tpu.memory_space<vmem>>, vector<80x128xf32>
    %add3A_11 = arith.addf %add3A, %get3A_10 : vector<80x128xf32>
    %mul3A = arith.mulf %get3A_5, %add3A_11 : vector<80x128xf32>
    %get3A_12 = arith.constant 0 : index
    %get3A_13 = arith.constant 0 : index
    %get3A_14 = vector.load %arg3[%get3A_12, %get3A_13] : memref<1x1xf32, #tpu.memory_space<vmem>>, vector<1x1xf32>
    %add3A_15 = vector.broadcast %get3A_14 : vector<1x1xf32> to vector<80x128xf32>
    %add3A_16 = arith.addf %mul3A, %add3A_15 : vector<80x128xf32>
    %swap3A = arith.constant 0 : index
    %swap3A_17 = arith.constant 0 : index
    %swap3A_18 = vector.load %arg4[%swap3A, %swap3A_17] : memref<80x128xf32, #tpu.memory_space<vmem>>, vector<80x128xf32>
    tpu.vector_store %arg4[%swap3A, %swap3A_17], %add3A_16 {strides = array<i32>} : memref<80x128xf32, #tpu.memory_space<vmem>>, vector<80x128xf32>,
    return
  }
}

</mosaic_0001>

<sc_bundles>
// kernel: kernel.11.cloned.1.call-start
scs
__scs_entry_jumppad:
0x0: {  	(pc) =	sbr.rel $0x88, $3  }
0x1: {  	(tag) =	ssettag $0x0;
	lr =	simm.s32 $0x1  }
0x2: {  	[smem:$0x3F9B] =	sst lr;
	_ =	strace $0xD0000000  }
0x3: {  	_ = 	snop  }
0x4: {  	_ = 	snop  }
0x5: {  	_ = 	snop  }
0x6: {  	_ = 	snop  }
0x7: {  	_ = 	snop  }
__scs_overlays_trampoline_lowered:
0x8: {  	[smem:$0x3FAA] =	sst s0  }
0x9: {  	[smem:$0x3FAB] =	sst s1  }
0xa: {  	[smem:$0x3FAC] =	sst s2  }
0xb: {  	[smem:$0x3FAD] =	sst s3  }
0xc: {  	[smem:$0x3FAE] =	sst s4  }
0xd: {  	[smem:$0x3FAF] =	sst s5  }
0xe: {  	[smem:$0x3FB0] =	sst s6  }
0xf: {  	[smem:$0x3FB1] =	sst s7  }
0x10: {  	[smem:$0x3FB2] =	sst s8  }
0x11: {  	[smem:$0x3FB3] =	sst s9;
	s0 =	simm.s32 @!p0 $0x0  }
0x12: {  	s1 =	sld [smem:$0x3F99];
	s0 =	simm.s32 @p0 $0x1  }
0x13: {  	[smem:$0x3FB4] =	sst s0;
	s0 =	simm.s32 @!p1 $0x0  }
0x14: {  	s2 =	sld [smem:$0x3F98];
	s0 =	simm.s32 @p1 $0x1  }
0x15: {  	[smem:$0x3FB5] =	sst s0;
	s0 =	simm.s32 @!p2 $0x0  }
0x16: {  	s3 =	sld [smem:$0x3FDB];
	s0 =	simm.s32 @p2 $0x1  }
0x17: {  	s4 =	simm.s32 $0x1BF5;
	[smem:$0x3FB7] =	sst s0  }
0x18: {  	s0 =	sld [smem:$0x3F9A];
	_ =	swait.ge [sflag:s4], $0x0  }
0x19: {  	s7 =	sld [smem:$0x3F9B]  }
0x1a: {  	s8 =	sadd.s32 $0xFFFFE003, lr  }
0x1b: {  	s9 =	sadd.s32 $0xFFFFFEF7, lr;
	s5 =	simm.s32 $0xFFFFFFFF;
	p2 =	slt.u32 s8, $0xFFFFF086  }
0x1c: {  	p1 =	slt.u32 s9, $0xF7A;
	s5 =	simm.s32 @!p2 $0x0  }
0x1d: {  	s5 =	simm.s32 @p1 $0x1;
	p0 =	seq.s32 s7, s2  }
0x1e: {  	s7 =	smul.u32 @!p0 $0xF7A, s2;
	p2 =	seq.s32 @!p0 s5, $0x0  }
0x1f: {  	s9 =	smul.u32 $0xF7A, s1;
	s8 =	simm.s32 @!p0 $0x1BF5;
	p2 =	por !p2, p0  }
0x20: {  	[sflag:s8] =	ssyncset.s32 @!p0 $0xFFFFF086;
	s6 =	sadd.s32 @!p0 s3, s7;
	s7 =	simm.s32 @!p0 $0x108  }
0x21: {  	s3 =	sadd.s32 s3, s9;
	s6 =	sadd.s32 @!p0 $0x88, s6;
	s7 =	simm.s32 @p2 $0x1082  }
0x22: {  	[simem:s7], [sflag:s8] =	dma.local @!p0 [hbm:s6], $0xF7A  }
0x23: {  	s9 =	sor.u32 $0xD0000000, s2;
	s6 =	simm.s32 $0x108;
	_ =	swait.ge @!p0 [sflag:s8], $0x0  }
0x24: {  	s3 =	sadd.s32 $0x88, s3;
	s6 =	simm.s32 @!p1 $0x1082;
	[sflag:s4] =	ssyncset.s32 $0xFFFFF086  }
0x25: {  	[simem:s6], [sflag:s4] =	dma.local [hbm:s3], $0xF7A  }
0x26: {  	[smem:$0x3F9B] =	sst s1;
	(tag) =	ssettag s2;
	_ =	strace s9  }
0x27: {  	s1 =	sld [smem:$0x3FAB]  }
0x28: {  	s2 =	sld [smem:$0x3FAC]  }
0x29: {  	s4 =	sld [smem:$0x3FAE]  }
0x2a: {  	p0 =	seq.s32 s5, $0x0;
	s5 =	sld [smem:$0x3FAF]  }
0x2b: {  	s6 =	sld [smem:$0x3FB0]  }
0x2c: {  	s7 =	sld [smem:$0x3FB1]  }
0x2d: {  	s3 =	simm.s32 $0x108;
	s8 =	sld [smem:$0x3FB2]  }
0x2e: {  	s3 =	simm.s32 @!p0 $0x1082;
	s9 =	sld [smem:$0x3FB3]  }
0x2f: {  	lr =	sadd.s32 s0, s3;
	s0 =	sld [smem:$0x3FAA]  }
0x30: {  	s3 =	sld [smem:$0x3FAD]  }
0x31: {  	[smem:$0x3FB6] =	sst s10  }
0x32: {  	s10 =	sld [smem:$0x3FB4];
	_ =	sdelay $0x3  }
0x33: {  	p0 =	seq.s32 s10, $0x1;
	s10 =	sld [smem:$0x3FB6];
	_ =	sdelay $0x3  }
0x34: {  	[smem:$0x3FB6] =	sst s10  }
0x35: {  	s10 =	sld [smem:$0x3FB5];
	_ =	sdelay $0x3  }
0x36: {  	p1 =	seq.s32 s10, $0x1;
	s10 =	sld [smem:$0x3FB6];
	_ =	sdelay $0x3  }
0x37: {  	[smem:$0x3FB6] =	sst s10  }
0x38: {  	s10 =	sld [smem:$0x3FB7]  }
0x39: {  	_ = 	snop;
	(pc) =	sbr.ind lr, $3  }
0x3a: {  	_ = 	snop  }
0x3b: {  	_ = 	snop  }
0x3c: {  	p2 =	seq.s32 s10, $0x1;
	s10 =	sld [smem:$0x3FB6]  }
0x3d: {  	_ =	shalt  }
0x3e: {  	_ =	shalt  }
0x3f: {  	_ =	shalt  }
0x40: {  	_ =	shalt  }
0x41: {  	_ =	shalt  }
0x42: {  	_ =	shalt  }
0x43: {  	_ =	shalt  }
0x44: {  	_ =	shalt  }
0x45: {  	_ =	shalt  }
0x46: {  	_ =	shalt  }
0x47: {  	_ =	shalt  }
0x48: {  	_ =	shalt  }
0x49: {  	_ =	shalt  }
0x4a: {  	_ =	shalt  }
0x4b: {  	_ =	shalt  }
0x4c: {  	_ =	shalt  }
0x4d: {  	_ =	shalt  }
0x4e: {  	_ =	shalt  }
0x4f: {  	_ =	shalt  }
0x50: {  	_ =	shalt  }
0x51: {  	_ =	shalt  }
0x52: {  	_ =	shalt  }
0x53: {  	_ =	shalt  }
0x54: {  	_ =	shalt  }
0x55: {  	_ =	shalt  }
0x56: {  	_ =	shalt  }
0x57: {  	_ =	shalt  }
0x58: {  	_ =	shalt  }
0x59: {  	_ =	shalt  }
0x5a: {  	_ =	shalt  }
0x5b: {  	_ =	shalt  }
0x5c: {  	_ =	shalt  }
0x5d: {  	_ =	shalt  }
0x5e: {  	_ =	shalt  }
0x5f: {  	_ =	shalt  }
0x60: {  	_ =	shalt  }
0x61: {  	_ =	shalt  }
0x62: {  	_ =	shalt  }
0x63: {  	_ =	shalt  }
0x64: {  	_ =	shalt  }
0x65: {  	_ =	shalt  }
0x66: {  	_ =	shalt  }
0x67: {  	_ =	shalt  }
0x68: {  	_ =	shalt  }
0x69: {  	_ =	shalt  }
0x6a: {  	_ =	shalt  }
0x6b: {  	_ =	shalt  }
0x6c: {  	_ =	shalt  }
0x6d: {  	_ =	shalt  }
0x6e: {  	_ =	shalt  }
0x6f: {  	_ =	shalt  }
0x70: {  	_ =	shalt  }
0x71: {  	_ =	shalt  }
0x72: {  	_ =	shalt  }
0x73: {  	_ =	shalt  }
0x74: {  	_ =	shalt  }
0x75: {  	_ =	shalt  }
0x76: {  	_ =	shalt  }
0x77: {  	_ =	shalt  }
0x78: {  	_ =	shalt  }
0x79: {  	_ =	shalt  }
0x7a: {  	_ =	shalt  }
0x7b: {  	_ =	shalt  }
0x7c: {  	_ =	shalt  }
0x7d: {  	_ =	shalt  }
0x7e: {  	_ =	shalt  }
0x7f: {  	_ =	shalt  }
0x80: {  	_ =	shalt  }
0x81: {  	_ =	shalt  }
0x82: {  	_ =	shalt  }
0x83: {  	_ =	shalt  }
0x84: {  	_ =	shalt  }
0x85: {  	_ =	shalt  }
0x86: {  	_ =	shalt  }
0x87: {  	_ =	shalt  }
.Lfunc_end0:
.L_simem_size_0:
called_computation.1_lowered:
.L_overlay_start_0:
0x88: {  	s2 =	sld [smem:$0x3FD9]  }
0x89: {  	s3 =	sld [smem:$0x3FFE];
	_ =	sdelay $0x1  }
0x8a: {  	s1 =	srdreg.scid  }
0x8b: {  	s0 =	sand.u32 $0x1, s1  }
0x8c: {  	s16 =	sshll.u32 s0, $0xA;
	s2 =	sadd.s32 s3, s2  }
0x8d: {  	s2 =	sadd.s32 s2, s16  }
0x8e: {  	[smem:$0x3FC2] =	sst s2  }
0x8f: {  	_ = 	snop  }
0x90: {  	(tm) =	ssettm $0x1  }
0x91: {  	s17 =	sld [smem:$0x3FFB];
	_ =	sdelay $0x3  }
0x92: {  	_ =	strace s17  }
0x93: {  	s2 =	sld [smem:$0x3FFC];
	_ =	sdelay $0x3  }
0x94: {  	_ =	strace s2  }
0x95: {  	s2 =	sld [smem:$0x3FFD];
	_ =	sdelay $0x3  }
0x96: {  	_ =	strace s2  }
0x97: {  	_ =	strace $0x8FFFFFFF  }
0x98: {  	s18 =	sld [smem:$0x3FDB];
	_ =	sdelay $0x1  }
0x99: {  	s19 =	simm.s32 $_scs_section_size  }
0x9a: {  	s4 =	simm.s32 $_size__tile_overlayer_lowered;
	s5 =	simm.s32 $_tile_overlayer_lowered  }
0x9b: {  	s22 =	simm.s32 $0x1BFF;
	s21 =	sshll.u32 s5, $0x1;
	s2 =	sadd.s32 s19, s18  }
0x9c: {  	s6 =	simm.s32 $0x0;
	s20 =	sshll.u32 s4, $0x1;
	s4 =	sadd.s32 s21, s2  }
0x9d: {  	[timem:s6], [sflag:s22] =	dma.local [hbm:s4], s20  }
0x9e: {  	_ =	swait.ge [sflag:s22], s20  }
0x9f: {  	s3 =	ssub.s32 $0x0, s20;
	[sflag:s22] =	ssyncset.done $0x0  }
0xa0: {  	[sflag:s22] =	ssyncadd.s32 s3;
	_ =	sdelay $0x1  }
0xa1: {  	s23 =	simm.s32 $0x1B8B  }
0xa2: {  	_ =	swait.ge [sflag:s23], $0x1  }
0xa3: {  	[sflag:s23] =	ssyncset.done $0x0  }
0xa4: {  	s25 =	simm.s32 $0x1B8E;
	s24 =	sld [smem:$0x3FFE];
	[sflag:s23] =	ssyncadd.s32 $0xFFFFFFFF  }
0xa5: {  	s26 =	simm.s32 $execute0_lowered;
	[smem:$0x3FD2] =	sst s25  }
0xa6: {  	s4 =	sshll.u32 s26, $0x1;
	_ =	strace $0x80000049;
	[dreg:$0x1] =	wrdreg $0xFFFFFFFF  }
0xa7: {  	s28 =	simm.s32 $_size_execute0_lowered;
	s2 =	sadd.s32 s2, s4;
	[dreg:$0x0] =	wrdreg $0x0  }
0xa8: {  	s4 =	sshll.u32 s28, $0x1;
	[dreg:$0x2] =	wrdreg s2  }
0xa9: {  	[dreg:$0x3] =	wrdreg s4  }
0xaa: {  	[dreg:$0x4] =	wrdreg $0xC0  }
0xab: {  	_ =	task [dreg:s6], $0x5FFFF  }
0xac: {  	[dreg:$0x1] =	wrdreg $0xFFFFFFFF  }
0xad: {  	[dreg:$0x0] =	wrdreg $0x60  }
0xae: {  	[dreg:$0x2] =	wrdreg s24  }
0xaf: {  	[dreg:$0x3] =	wrdreg $0x120000  }
0xb0: {  	[dreg:$0x4] =	wrdreg $0x9  }
0xb1: {  	_ =	task.clear_ibuf [dreg:s6], $0x5FFFF;
	_ =	strace $0x90000049  }
0xb2: {  	s29 =	simm.s32 $0x9;
	_ =	strace $0x8000004B  }
0xb3: {  	_ =	swait.ge [sflag:s29], $0x1  }
0xb4: {  	[sflag:s29] =	ssyncadd.s32 $0xFFFFFFFF  }
0xb5: {  	_ =	strace $0x9000004B  }
0xb6: {  	_ =	sfence  }
0xb7: {  	s30 =	sld [smem:$0x0];
	_ =	sdelay $0x2  }
0xb8: {  	s31 =	sshll.u32 s1, $0xD;
	s1 =	sshrl.u32 s1, $0x2  }
0xb9: {  	s3 =	sand.u32 $0x4000, s31;
	s1 =	sadd.s32 s1, s30  }
0xba: {  	s0 =	sor.u32 s3, s0;
	s1 =	sshll.u32 s1, $0x11  }
0xbb: {  	s0 =	sor.u32 s1, s0  }
0xbc: {  	s0 =	sadd.s32 $0x8F2B, s0  }
0xbd: {  	[sflag:s0] =	ssyncadd.remote.s32 $0x1  }
0xbe: {  	_ =	sfence.sel $0xFFFF  }
0xbf: {  	[dreg:$0x0] =	wrdreg $0xFFFFFFFF;
	(pc) =	sbr.abs _section_cstart, $3  }
0xc0: {  	[dreg:$0x1] =	wrdreg $0xFFFFFFFF  }
0xc1: {  	_ =	task.clear_ibuf [dreg:s6], $0x2FFFF;
	_ =	strace $0x9FFFFFFF  }
0xc2: {  	(tm) =	ssettm $0x7FFFFFFF  }
0xc3: {  	_ =	shalt  }
tec
execute0_lowered:
.L_overlay_start_1:
0x0: {  	(tag) =	ssettag $0x1  }
0x1: {  	s0 =	rddreg [dreg:$0x0]  }
0x2: {  	s2 =	rddreg [dreg:$0x1];
	s9 =	stileid.u32  }
0x3: {  	s4 =	srdreg.scid;
	s3 =	simm.s32 $0x0;
	s14 =	simm.s32 $0x9  }
0x4: {  	s16 =	simm.s32 $0xA000;
	s17 =	simm.s32 $0x80;
	s18 =	simm.s32 $0xC000  }
0x5: {  	s20 =	simm.s32 $0xE000;
	s22 =	simm.s32 $0x10000;
	s23 =	simm.s32 $0x1  }
0x6: {  	s24 =	simm.s32 $0x2;
	s25 =	simm.s32 $0x3;
	s28 =	simm.s32 $0x5  }
0x7: {  	s29 =	simm.s32 $0x6;
	s30 =	simm.s32 $0x7;
	s1 =	smul.u32 $0xA00, s9  }
0x8: {  	s31 =	simm.s32 $0x8;
	s21 =	simm.s32 $0x0;
	s8 =	smul.u32 $0xA000, s9  }
0x9: {  	s7 =	sand.u32 $0x1, s4;
	[smem:$0x7FF] =	sst s3;
	s9 =	smul.u32 $0x28000, s9  }
0xa: {  	s4 =	smul.u32 $0xA0000, s7;
	_ =	strace $0x8000004A;
	s6 =	ssub.s32 $0x2, s7  }
0xb: {  	s15 =	smul.u32 $0x2800, s7;
	s1 =	sadd.s32 s1, s0;
	s10 =	sshrl.u32 s6, $0x1  }
0xc: {  	s9 =	sshrl.u32 s9, $0x2;
	s7 =	sadd.s32 s8, s2;
	s5 =	sadd.s32 s8, s4  }
0xd: {  	s4 =	sadd.s32 $0x8DA00, s0;
	s13 =	ssub.s32 s6, s10;
	s26 =	sadd.s32 s9, s2  }
0xe: {  	s6 =	sadd.s32 $0x1A00, s1;
	s5 =	sshrl.u32 s5, $0x3;
	s8 =	sadd.s32 $0x2000, s26  }
0xf: {  	s9 =	sadd.s32 $0x4000, s26;
	s10 =	sadd.s32 $0x6000, s26;
	s11 =	sadd.s32 $0x8000, s26  }
0x10: {  	s13 =	smax.u32 s13, $0x1;
	s26 =	simm.s32 $0x4;
	s0 =	sadd.s32 s5, s0  }
0x11: {  	v1 =	vimm.f32 $0.0e+00;
	v0 =	vmov s15;
	s5 =	sadd.s32 $0xBA00, s1;
	s1 =	simm.s32 $0x9F80;
	s12 =	sadd.s32 $0xB5A00, s0  }
.LBB2_1:
0x12: {  	[tilespmem:s3], [sflag:$0x9] =	stream.linear.gather [hbm4b:s5+s3], $0x5000, $0x38;
	[tilespmem:$0x1C000] =	vst v63  }
0x13: {  	_ =	swait.ge [sflag:s14], $0x5000  }
0x14: {  	[sflag:s14] =	ssyncset.done $0x0  }
0x15: {  	s0 =	simm.s32 $0x5000;
	[sflag:s14] =	ssyncadd.s32 $0xFFFFB000  }
0x16: {  	[tilespmem:s0], [sflag:$0x9] =	stream.linear.gather [hbm4b:s6+s3], $0x5000, $0x38;
	[tilespmem:$0x1C000] =	vst v63  }
0x17: {  	_ =	swait.ge [sflag:s14], $0x5000  }
0x18: {  	[sflag:s14] =	ssyncset.done $0x0  }
0x19: {  	s0 =	simm.s32 $0x0;
	[sflag:s14] =	ssyncadd.s32 $0xFFFFB000  }
0x1a: {  	v4 =	vld [tilespmem:s0+$0x0]  }
0x1b: {  	v6 =	vld [tilespmem:s0+$0x10]  }
0x1c: {  	v5 =	vld [tilespmem:s0+$0x20]  }
0x1d: {  	v3 =	vld [tilespmem:s0+$0x30]  }
0x1e: {  	v2 =	vld [tilespmem:s0+$0x40]  }
0x1f: {  	v7 =	vadd.s32 v0, v4;
	v4 =	vld [tilespmem:s0+$0x50]  }
0x20: {  	s15 =	simm.s32 $0x200;
	[tilespmem:s0+$0x0] =	vst v7;
	v7 =	vadd.s32 v0, v6;
	v6 =	vld [tilespmem:s0+$0x60]  }
.LBB2_2:
0x21: {  	s19 =	sshra.s32 s15, $0x2;
	p0 =	sne.s32 s15, $0x13E00;
	[tilespmem:s0+$0x10] =	vst v7;
	v5 =	vadd.s32 v0, v5;
	v7 =	vld [tilespmem:s0+$0x70]  }
0x22: {  	v8 =	vld [tilespmem:s19+$0x0];
	[tilespmem:s0+$0x20] =	vst v5;
	v3 =	vadd.s32 v0, v3  }
0x23: {  	v9 =	vld [tilespmem:s19+$0x10];
	[tilespmem:s0+$0x30] =	vst v3;
	v2 =	vadd.s32 v0, v2  }
.Ltmp0:
0x24: {  	v5 =	vld [tilespmem:s19+$0x20];
	[tilespmem:s0+$0x40] =	vst v2;
	v2 =	vadd.s32 v0, v4;
	(pc) =	sbr.rel @p0 .LBB2_2-.Ltmp0, $4  }
0x25: {  	v3 =	vld [tilespmem:s19+$0x30];
	[tilespmem:s0+$0x50] =	vst v2;
	v4 =	vadd.s32 v0, v6  }
0x26: {  	v2 =	vld [tilespmem:s19+$0x40];
	[tilespmem:s0+$0x60] =	vst v4;
	v6 =	vadd.s32 v0, v7  }
0x27: {  	v7 =	vadd.s32 v0, v8;
	v4 =	vld [tilespmem:s19+$0x50];
	[tilespmem:s0+$0x70] =	vst v6;
	s0 =	smov.u32 s19  }
0x28: {  	s15 =	sadd.s32 $0x200, s15;
	[tilespmem:s0+$0x0] =	vst v7;
	v7 =	vadd.s32 v0, v9;
	v6 =	vld [tilespmem:s0+$0x60]  }
0x29: {  	[tilespmem:s0+$0x10] =	vst v7;
	v5 =	vadd.s32 v0, v5;
	v63 =	vld [tilespmem:s0+$0x70]  }
0x2a: {  	[tilespmem:s0+$0x20] =	vst v5;
	v3 =	vadd.s32 v0, v3  }
0x2b: {  	[tilespmem:s0+$0x30] =	vst v3;
	v2 =	vadd.s32 v0, v2  }
0x2c: {  	[tilespmem:s0+$0x40] =	vst v2;
	v2 =	vadd.s32 v0, v4  }
0x2d: {  	[tilespmem:s0+$0x50] =	vst v2;
	v2 =	vadd.s32 v0, v6  }
0x2e: {  	[tilespmem:s0+$0x60] =	vst v2;
	v2 =	vadd.s32 v0, v63  }
0x2f: {  	s15 =	simm.s32 $0x100;
	[tilespmem:s0+$0x70] =	vst v2;
	s0 =	simm.s32 $0x0  }
.LBB2_4:
0x30: {  	p0 =	sne.s32 s15, $0x7F00;
	[tilespmem:s0+$0xA030] =	vst v1;
	s19 =	smov.u32 s15;
	s15 =	sadd.s32 $0x100, s15  }
.Ltmp1:
0x31: {  	[tilespmem:s0+$0xA020] =	vst v1;
	(pc) =	sbr.rel @p0 .LBB2_4-.Ltmp1, $3  }
0x32: {  	[tilespmem:s0+$0xA000] =	vst v1  }
0x33: {  	[tilespmem:s0+$0xA010] =	vst v1;
	_ =	sdelay $0x1  }
0x34: {  	s0 =	sshra.s32 s19, $0x2  }
0x35: {  	[tilespmem:s0+$0xA030] =	vst v1  }
0x36: {  	[tilespmem:s0+$0xA020] =	vst v1  }
0x37: {  	[tilespmem:s0+$0xA000] =	vst v1  }
0x38: {  	[tilespmem:s0+$0xA010] =	vst v1  }
0x39: {  	[spmem:s7] =	stream.linear.scatter [tilespmem:s16], [sflag:$0x9], $0x2000, $0x38;
	[tilespmem:$0x1C000] =	vst v63  }
0x3a: {  	_ =	swait.ge [sflag:s14], $0x2000  }
0x3b: {  	[sflag:s14] =	ssyncset.done $0x0  }
0x3c: {  	[sflag:s14] =	ssyncadd.s32 $0xFFFFE000  }
0x3d: {  	[spmem:s8] =	stream.linear.scatter [tilespmem:s16], [sflag:$0x9], $0x2000, $0x38;
	[tilespmem:$0x1C000] =	vst v63  }
0x3e: {  	_ =	swait.ge [sflag:s14], $0x2000  }
0x3f: {  	[sflag:s14] =	ssyncset.done $0x0  }
0x40: {  	[sflag:s14] =	ssyncadd.s32 $0xFFFFE000  }
0x41: {  	[spmem:s9] =	stream.linear.scatter [tilespmem:s16], [sflag:$0x9], $0x2000, $0x38;
	[tilespmem:$0x1C000] =	vst v63  }
0x42: {  	_ =	swait.ge [sflag:s14], $0x2000  }
0x43: {  	[sflag:s14] =	ssyncset.done $0x0  }
0x44: {  	[sflag:s14] =	ssyncadd.s32 $0xFFFFE000  }
0x45: {  	[spmem:s10] =	stream.linear.scatter [tilespmem:s16], [sflag:$0x9], $0x2000, $0x38;
	[tilespmem:$0x1C000] =	vst v63  }
0x46: {  	_ =	swait.ge [sflag:s14], $0x2000  }
0x47: {  	[sflag:s14] =	ssyncset.done $0x0  }
0x48: {  	[sflag:s14] =	ssyncadd.s32 $0xFFFFE000  }
0x49: {  	[spmem:s11] =	stream.linear.scatter [tilespmem:s16], [sflag:$0x9], $0x2000, $0x38;
	[tilespmem:$0x1C000] =	vst v63  }
0x4a: {  	_ =	swait.ge [sflag:s14], $0x2000  }
0x4b: {  	[sflag:s14] =	ssyncset.done $0x0  }
0x4c: {  	[sflag:s14] =	ssyncadd.s32 $0xFFFFE000  }
0x4d: {  	s15 =	simm.s32 $0x0;
	[bflag:$0x0] =	sbarrier.arrive $0xFFFF  }
0x4e: {  	[tilespmem:s16], [sflag:$0x1] =	stream.indirect.gather [hbm4b:s4+s17], $0x40, s15, s17, $0xb8;
	[tilespmem:$0x1C000] =	vst v63  }
0x4f: {  	_ = 	snop  }
0x50: {  	[tilespmem:s18], [sflag:$0x2] =	stream.indirect.gather [hbm4b:s4+s17], $0x40, s17, s17, $0xb8;
	[tilespmem:$0x1C000] =	vst v63  }
0x51: {  	s19 =	simm.s32 $0x100  }
0x52: {  	[tilespmem:s20], [sflag:$0x3] =	stream.indirect.gather [hbm4b:s4+s17], $0x40, s19, s17, $0xb8;
	[tilespmem:$0x1C000] =	vst v63  }
0x53: {  	s15 =	simm.s32 $0x180  }
0x54: {  	[tilespmem:s22], [sflag:$0x4] =	stream.indirect.gather [hbm4b:s4+s17], $0x40, s15, s17, $0xb8;
	[tilespmem:$0x1C000] =	vst v63  }
0x55: {  	_ =	swait.ge [sflag:s23], $0x2000  }
0x56: {  	[sflag:s23] =	ssyncset.done $0x0  }
0x57: {  	s19 =	simm.s32 $0x5000;
	[sflag:s23] =	ssyncadd.s32 $0xFFFFE000  }
0x58: {  	[spmem:s2] =	stream.indirect.scatter.add.f32 [tilespmem:s16], [sflag:$0x5], $0x40, s19, s17, $0xb8;
	[tilespmem:$0x1C000] =	vst v63  }
0x59: {  	_ =	swait.ge [sflag:s24], $0x2000  }
0x5a: {  	[sflag:s24] =	ssyncset.done $0x0  }
0x5b: {  	s15 =	simm.s32 $0x5080;
	[sflag:s24] =	ssyncadd.s32 $0xFFFFE000  }
0x5c: {  	[spmem:s2] =	stream.indirect.scatter.add.f32 [tilespmem:s18], [sflag:$0x6], $0x40, s15, s17, $0xb8;
	[tilespmem:$0x1C000] =	vst v63  }
0x5d: {  	_ =	swait.ge [sflag:s25], $0x2000  }
0x5e: {  	[sflag:s25] =	ssyncset.done $0x0  }
0x5f: {  	s19 =	simm.s32 $0x5100;
	[sflag:s25] =	ssyncadd.s32 $0xFFFFE000  }
0x60: {  	[spmem:s2] =	stream.indirect.scatter.add.f32 [tilespmem:s20], [sflag:$0x7], $0x40, s19, s17, $0xb8;
	[tilespmem:$0x1C000] =	vst v63  }
0x61: {  	_ =	swait.ge [sflag:s26], $0x2000  }
0x62: {  	[sflag:s26] =	ssyncset.done $0x0  }
0x63: {  	s15 =	simm.s32 $0x5180;
	[sflag:s26] =	ssyncadd.s32 $0xFFFFE000  }
0x64: {  	[spmem:s2] =	stream.indirect.scatter.add.f32 [tilespmem:s22], [sflag:$0x8], $0x40, s15, s17, $0xb8;
	[tilespmem:$0x1C000] =	vst v63  }
0x65: {  	_ =	swait.ge [sflag:s28], $0x2000  }
0x66: {  	[sflag:s28] =	ssyncset.done $0x0  }
0x67: {  	s19 =	simm.s32 $0x200;
	[sflag:s28] =	ssyncadd.s32 $0xFFFFE000  }
0x68: {  	[tilespmem:s16], [sflag:$0x1] =	stream.indirect.gather [hbm4b:s4+s17], $0x40, s19, s17, $0xb8;
	[tilespmem:$0x1C000] =	vst v63  }
0x69: {  	_ =	swait.ge [sflag:s29], $0x2000  }
0x6a: {  	[sflag:s29] =	ssyncset.done $0x0  }
0x6b: {  	s15 =	simm.s32 $0x280;
	[sflag:s29] =	ssyncadd.s32 $0xFFFFE000  }
0x6c: {  	[tilespmem:s18], [sflag:$0x2] =	stream.indirect.gather [hbm4b:s4+s17], $0x40, s15, s17, $0xb8;
	[tilespmem:$0x1C000] =	vst v63  }
0x6d: {  	_ =	swait.ge [sflag:s30], $0x2000  }
0x6e: {  	[sflag:s30] =	ssyncset.done $0x0  }
0x6f: {  	s19 =	simm.s32 $0x300;
	[sflag:s30] =	ssyncadd.s32 $0xFFFFE000  }
0x70: {  	[tilespmem:s20], [sflag:$0x3] =	stream.indirect.gather [hbm4b:s4+s17], $0x40, s19, s17, $0xb8;
	[tilespmem:$0x1C000] =	vst v63  }
0x71: {  	_ =	swait.ge [sflag:s31], $0x2000  }
0x72: {  	[sflag:s31] =	ssyncset.done $0x0  }
0x73: {  	s0 =	simm.s32 $0x800;
	s15 =	simm.s32 $0x380;
	[sflag:s31] =	ssyncadd.s32 $0xFFFFE000  }
.LBB2_6:
0x74: {  	[tilespmem:s22], [sflag:$0x4] =	stream.indirect.gather [hbm4b:s4+s17], $0x40, s15, s17, $0xb8;
	[tilespmem:$0x1C000] =	vst v63  }
0x75: {  	s15 =	smov.u32 s0  }
0x76: {  	p0 =	sne.s32 s0, $0x13000;
	s0 =	sadd.s32 $0x800, s0;
	_ =	swait.ge [sflag:s23], $0x2000  }
0x77: {  	s15 =	sshra.s32 s15, $0x2;
	[sflag:s23] =	ssyncset.done $0x0  }
0x78: {  	s19 =	sadd.s32 $0x5000, s15;
	[sflag:s23] =	ssyncadd.s32 $0xFFFFE000  }
0x79: {  	[spmem:s2] =	stream.indirect.scatter.add.f32 [tilespmem:s16], [sflag:$0x5], $0x40, s19, s17, $0xb8;
	[tilespmem:$0x1C000] =	vst v63  }
0x7a: {  	_ =	swait.ge [sflag:s24], $0x2000  }
0x7b: {  	[sflag:s24] =	ssyncset.done $0x0  }
0x7c: {  	s19 =	sadd.s32 $0x5080, s15;
	[sflag:s24] =	ssyncadd.s32 $0xFFFFE000  }
0x7d: {  	[spmem:s2] =	stream.indirect.scatter.add.f32 [tilespmem:s18], [sflag:$0x6], $0x40, s19, s17, $0xb8;
	[tilespmem:$0x1C000] =	vst v63  }
0x7e: {  	_ =	swait.ge [sflag:s25], $0x2000  }
0x7f: {  	[sflag:s25] =	ssyncset.done $0x0  }
0x80: {  	s19 =	sadd.s32 $0x5100, s15;
	[sflag:s25] =	ssyncadd.s32 $0xFFFFE000  }
0x81: {  	[spmem:s2] =	stream.indirect.scatter.add.f32 [tilespmem:s20], [sflag:$0x7], $0x40, s19, s17, $0xb8;
	[tilespmem:$0x1C000] =	vst v63  }
0x82: {  	_ =	swait.ge [sflag:s26], $0x2000  }
0x83: {  	[sflag:s26] =	ssyncset.done $0x0  }
0x84: {  	s19 =	sadd.s32 $0x5180, s15;
	[sflag:s26] =	ssyncadd.s32 $0xFFFFE000  }
0x85: {  	[spmem:s2] =	stream.indirect.scatter.add.f32 [tilespmem:s22], [sflag:$0x8], $0x40, s19, s17, $0xb8;
	[tilespmem:$0x1C000] =	vst v63  }
0x86: {  	_ =	swait.ge [sflag:s28], $0x2000  }
0x87: {  	[sflag:s28] =	ssyncset.done $0x0  }
0x88: {  	s19 =	sadd.s32 $0x200, s15;
	[sflag:s28] =	ssyncadd.s32 $0xFFFFE000  }
0x89: {  	[tilespmem:s16], [sflag:$0x1] =	stream.indirect.gather [hbm4b:s4+s17], $0x40, s19, s17, $0xb8;
	[tilespmem:$0x1C000] =	vst v63  }
0x8a: {  	_ =	swait.ge [sflag:s29], $0x2000  }
0x8b: {  	[sflag:s29] =	ssyncset.done $0x0  }
0x8c: {  	s19 =	sadd.s32 $0x280, s15;
	[sflag:s29] =	ssyncadd.s32 $0xFFFFE000  }
0x8d: {  	[tilespmem:s18], [sflag:$0x2] =	stream.indirect.gather [hbm4b:s4+s17], $0x40, s19, s17, $0xb8;
	[tilespmem:$0x1C000] =	vst v63  }
0x8e: {  	_ =	swait.ge [sflag:s30], $0x2000  }
0x8f: {  	[sflag:s30] =	ssyncset.done $0x0  }
.Ltmp2:
0x90: {  	s19 =	sadd.s32 $0x300, s15;
	[sflag:s30] =	ssyncadd.s32 $0xFFFFE000;
	(pc) =	sbr.rel @p0 .LBB2_6-.Ltmp2, $4  }
0x91: {  	[tilespmem:s20], [sflag:$0x3] =	stream.indirect.gather [hbm4b:s4+s17], $0x40, s19, s17, $0xb8;
	[tilespmem:$0x1C000] =	vst v63  }
0x92: {  	_ =	swait.ge [sflag:s31], $0x2000  }
0x93: {  	[sflag:s31] =	ssyncset.done $0x0  }
0x94: {  	s15 =	sadd.s32 $0x380, s15;
	[sflag:s31] =	ssyncadd.s32 $0xFFFFE000  }
0x95: {  	[tilespmem:s22], [sflag:$0x4] =	stream.indirect.gather [hbm4b:s4+s17], $0x40, s15, s17, $0xb8;
	[tilespmem:$0x1C000] =	vst v63  }
0x96: {  	_ =	swait.ge [sflag:s23], $0x2000  }
0x97: {  	[sflag:s23] =	ssyncset.done $0x0  }
0x98: {  	s0 =	simm.s32 $0x9E00;
	[sflag:s23] =	ssyncadd.s32 $0xFFFFE000  }
0x99: {  	[spmem:s2] =	stream.indirect.scatter.add.f32 [tilespmem:s16], [sflag:$0x5], $0x40, s0, s17, $0xb8;
	[tilespmem:$0x1C000] =	vst v63  }
0x9a: {  	_ =	swait.ge [sflag:s24], $0x2000  }
0x9b: {  	[sflag:s24] =	ssyncset.done $0x0  }
0x9c: {  	s15 =	simm.s32 $0x9E80;
	[sflag:s24] =	ssyncadd.s32 $0xFFFFE000  }
0x9d: {  	[spmem:s2] =	stream.indirect.scatter.add.f32 [tilespmem:s18], [sflag:$0x6], $0x40, s15, s17, $0xb8;
	[tilespmem:$0x1C000] =	vst v63  }
0x9e: {  	_ =	swait.ge [sflag:s25], $0x2000  }
0x9f: {  	[sflag:s25] =	ssyncset.done $0x0  }
0xa0: {  	s19 =	simm.s32 $0x9F00;
	[sflag:s25] =	ssyncadd.s32 $0xFFFFE000  }
0xa1: {  	[spmem:s2] =	stream.indirect.scatter.add.f32 [tilespmem:s20], [sflag:$0x7], $0x40, s19, s17, $0xb8;
	[tilespmem:$0x1C000] =	vst v63  }
0xa2: {  	_ =	swait.ge [sflag:s26], $0x2000  }
0xa3: {  	[sflag:s26] =	ssyncset.done $0x0  }
0xa4: {  	[sflag:s26] =	ssyncadd.s32 $0xFFFFE000  }
0xa5: {  	[spmem:s2] =	stream.indirect.scatter.add.f32 [tilespmem:s22], [sflag:$0x8], $0x40, s1, s17, $0xb8;
	[tilespmem:$0x1C000] =	vst v63  }
0xa6: {  	_ =	swait.ge [sflag:s28], $0x2000  }
0xa7: {  	[sflag:s28] =	ssyncset.done $0x0  }
0xa8: {  	[sflag:s28] =	ssyncadd.s32 $0xFFFFE000  }
0xa9: {  	_ =	swait.ge [sflag:s29], $0x2000  }
0xaa: {  	[sflag:s29] =	ssyncset.done $0x0  }
0xab: {  	[sflag:s29] =	ssyncadd.s32 $0xFFFFE000  }
0xac: {  	_ =	swait.ge [sflag:s30], $0x2000  }
0xad: {  	[sflag:s30] =	ssyncset.done $0x0  }
0xae: {  	[sflag:s30] =	ssyncadd.s32 $0xFFFFE000  }
0xaf: {  	s15 =	stileid.u32;
	_ =	swait.ge [sflag:s31], $0x2000  }
0xb0: {  	s21 =	sadd.s32 $0x1, s21;
	s0 =	sshll.u32 s15, $0x6;
	[sflag:s31] =	ssyncset.done $0x0  }
0xb1: {  	p0 =	sne.s32 s21, s13;
	s0 =	sor.u32 $0x1C09, s0;
	[sflag:s31] =	ssyncadd.s32 $0xFFFFE000  }
.Ltmp3:
0xb2: {  	s19 =	sshrl.u32 s7, $0x3;
	[bflag:$0x0] =	sbarrier.arrive $0xFFFF;
	(pc) =	sbr.rel @p0 .LBB2_1-.Ltmp3, $4  }
0xb3: {  	[hbm:s12], [sflag:s0] =	dma.local [spmem:s19], $0x1400  }
0xb4: {  	_ =	swait.ge [sflag:s14], $0x1400  }
0xb5: {  	[sflag:s14] =	ssyncset.done $0x0  }
0xb6: {  	[sflag:s14] =	ssyncadd.s32 $0xFFFFEC00  }
0xb7: {  	_ =	sfence.sel $0x180000  }
0xb8: {  	[bflag:$0x0] =	sbarrier.arrive $0xFFFF  }
0xb9: {  	_ =	strace $0x9000004A  }
0xba: {  	s0 =	stileid.u32;
	[bflag:$0x2] =	sbarrier.arrive $0xFFFF  }
0xbb: {  	p0 =	sne.s32 s0, $0x0;
	s0 =	rddreg [dreg:$0x2]  }
0xbc: {  	s0 =	sadd.s32 @!p0 $0x100000, s0  }
0xbd: {  	[sflag:s0] =	ssyncadd.tile.s32 @!p0 $0x1;
	_ =	shalt  }
.Lfunc_end2:
_tile_overlayer_lowered:
.L_overlay_start_2:
0xbe: {  	(tag) =	ssettag $0x2  }
0xbf: {  	s0 =	rddreg [dreg:$0x0];
	s2 =	stileid.u32  }
0xc0: {  	s1 =	rddreg [dreg:$0x1];
	p0 =	sne.s32 s2, $0x0  }
0xc1: {  	s3 =	rddreg [dreg:$0x2];
	[bflag:$0x3] =	sbarrier.arrive $0xFFFF;
	s2 =	simm.s32 @!p0 $0x1C09  }
0xc2: {  	[timem:s3], [sflag:s2] =	dma.local @!p0 [hbm:s0], s1  }
0xc3: {  	s0 =	simm.s32 @!p0 $0x9  }
0xc4: {  	_ =	swait.ge @!p0 [sflag:s0], s1  }
0xc5: {  	s1 =	ssub.s32 @!p0 $0x0, s1;
	[sflag:s0] =	ssyncset.done @!p0 $0x0  }
0xc6: {  	[sflag:s0] =	ssyncadd.s32 @!p0 s1  }
0xc7: {  	[bflag:$0x3] =	sbarrier.arrive $0xFFFF  }
0xc8: {  	_ =	shalt  }

// kernel: kernel.14.cloned.1.call-start
scs
__scs_entry_jumppad:
0x0: {  	(pc) =	sbr.rel $0x88, $3  }
0x1: {  	(tag) =	ssettag $0x0;
	lr =	simm.s32 $0x1  }
0x2: {  	[smem:$0x3F9B] =	sst lr;
	_ =	strace $0xD0000000  }
0x3: {  	_ = 	snop  }
0x4: {  	_ = 	snop  }
0x5: {  	_ = 	snop  }
0x6: {  	_ = 	snop  }
0x7: {  	_ = 	snop  }
__scs_overlays_trampoline_lowered:
0x8: {  	[smem:$0x3FAA] =	sst s0  }
0x9: {  	[smem:$0x3FAB] =	sst s1  }
0xa: {  	[smem:$0x3FAC] =	sst s2  }
0xb: {  	[smem:$0x3FAD] =	sst s3  }
0xc: {  	[smem:$0x3FAE] =	sst s4  }
0xd: {  	[smem:$0x3FAF] =	sst s5  }
0xe: {  	[smem:$0x3FB0] =	sst s6  }
0xf: {  	[smem:$0x3FB1] =	sst s7  }
0x10: {  	[smem:$0x3FB2] =	sst s8  }
0x11: {  	[smem:$0x3FB3] =	sst s9;
	s0 =	simm.s32 @!p0 $0x0  }
0x12: {  	s1 =	sld [smem:$0x3F99];
	s0 =	simm.s32 @p0 $0x1  }
0x13: {  	[smem:$0x3FB4] =	sst s0;
	s0 =	simm.s32 @!p1 $0x0  }
0x14: {  	s2 =	sld [smem:$0x3F98];
	s0 =	simm.s32 @p1 $0x1  }
0x15: {  	[smem:$0x3FB5] =	sst s0;
	s0 =	simm.s32 @!p2 $0x0  }
0x16: {  	s3 =	sld [smem:$0x3FDB];
	s0 =	simm.s32 @p2 $0x1  }
0x17: {  	s4 =	simm.s32 $0x1BF5;
	[smem:$0x3FB7] =	sst s0  }
0x18: {  	s0 =	sld [smem:$0x3F9A];
	_ =	swait.ge [sflag:s4], $0x0  }
0x19: {  	s7 =	sld [smem:$0x3F9B]  }
0x1a: {  	s8 =	sadd.s32 $0xFFFFE003, lr  }
0x1b: {  	s9 =	sadd.s32 $0xFFFFFEF7, lr;
	s5 =	simm.s32 $0xFFFFFFFF;
	p2 =	slt.u32 s8, $0xFFFFF086  }
0x1c: {  	p1 =	slt.u32 s9, $0xF7A;
	s5 =	simm.s32 @!p2 $0x0  }
0x1d: {  	s5 =	simm.s32 @p1 $0x1;
	p0 =	seq.s32 s7, s2  }
0x1e: {  	s7 =	smul.u32 @!p0 $0xF7A, s2;
	p2 =	seq.s32 @!p0 s5, $0x0  }
0x1f: {  	s9 =	smul.u32 $0xF7A, s1;
	s8 =	simm.s32 @!p0 $0x1BF5;
	p2 =	por !p2, p0  }
0x20: {  	[sflag:s8] =	ssyncset.s32 @!p0 $0xFFFFF086;
	s6 =	sadd.s32 @!p0 s3, s7;
	s7 =	simm.s32 @!p0 $0x108  }
0x21: {  	s3 =	sadd.s32 s3, s9;
	s6 =	sadd.s32 @!p0 $0x88, s6;
	s7 =	simm.s32 @p2 $0x1082  }
0x22: {  	[simem:s7], [sflag:s8] =	dma.local @!p0 [hbm:s6], $0xF7A  }
0x23: {  	s9 =	sor.u32 $0xD0000000, s2;
	s6 =	simm.s32 $0x108;
	_ =	swait.ge @!p0 [sflag:s8], $0x0  }
0x24: {  	s3 =	sadd.s32 $0x88, s3;
	s6 =	simm.s32 @!p1 $0x1082;
	[sflag:s4] =	ssyncset.s32 $0xFFFFF086  }
0x25: {  	[simem:s6], [sflag:s4] =	dma.local [hbm:s3], $0xF7A  }
0x26: {  	[smem:$0x3F9B] =	sst s1;
	(tag) =	ssettag s2;
	_ =	strace s9  }
0x27: {  	s1 =	sld [smem:$0x3FAB]  }
0x28: {  	s2 =	sld [smem:$0x3FAC]  }
0x29: {  	s4 =	sld [smem:$0x3FAE]  }
0x2a: {  	p0 =	seq.s32 s5, $0x0;
	s5 =	sld [smem:$0x3FAF]  }
0x2b: {  	s6 =	sld [smem:$0x3FB0]  }
0x2c: {  	s7 =	sld [smem:$0x3FB1]  }
0x2d: {  	s3 =	simm.s32 $0x108;
	s8 =	sld [smem:$0x3FB2]  }
0x2e: {  	s3 =	simm.s32 @!p0 $0x1082;
	s9 =	sld [smem:$0x3FB3]  }
0x2f: {  	lr =	sadd.s32 s0, s3;
	s0 =	sld [smem:$0x3FAA]  }
0x30: {  	s3 =	sld [smem:$0x3FAD]  }
0x31: {  	[smem:$0x3FB6] =	sst s10  }
0x32: {  	s10 =	sld [smem:$0x3FB4];
	_ =	sdelay $0x3  }
0x33: {  	p0 =	seq.s32 s10, $0x1;
	s10 =	sld [smem:$0x3FB6];
	_ =	sdelay $0x3  }
0x34: {  	[smem:$0x3FB6] =	sst s10  }
0x35: {  	s10 =	sld [smem:$0x3FB5];
	_ =	sdelay $0x3  }
0x36: {  	p1 =	seq.s32 s10, $0x1;
	s10 =	sld [smem:$0x3FB6];
	_ =	sdelay $0x3  }
0x37: {  	[smem:$0x3FB6] =	sst s10  }
0x38: {  	s10 =	sld [smem:$0x3FB7]  }
0x39: {  	_ = 	snop;
	(pc) =	sbr.ind lr, $3  }
0x3a: {  	_ = 	snop  }
0x3b: {  	_ = 	snop  }
0x3c: {  	p2 =	seq.s32 s10, $0x1;
	s10 =	sld [smem:$0x3FB6]  }
0x3d: {  	_ =	shalt  }
0x3e: {  	_ =	shalt  }
0x3f: {  	_ =	shalt  }
0x40: {  	_ =	shalt  }
0x41: {  	_ =	shalt  }
0x42: {  	_ =	shalt  }
0x43: {  	_ =	shalt  }
0x44: {  	_ =	shalt  }
0x45: {  	_ =	shalt  }
0x46: {  	_ =	shalt  }
0x47: {  	_ =	shalt  }
0x48: {  	_ =	shalt  }
0x49: {  	_ =	shalt  }
0x4a: {  	_ =	shalt  }
0x4b: {  	_ =	shalt  }
0x4c: {  	_ =	shalt  }
0x4d: {  	_ =	shalt  }
0x4e: {  	_ =	shalt  }
0x4f: {  	_ =	shalt  }
0x50: {  	_ =	shalt  }
0x51: {  	_ =	shalt  }
0x52: {  	_ =	shalt  }
0x53: {  	_ =	shalt  }
0x54: {  	_ =	shalt  }
0x55: {  	_ =	shalt  }
0x56: {  	_ =	shalt  }
0x57: {  	_ =	shalt  }
0x58: {  	_ =	shalt  }
0x59: {  	_ =	shalt  }
0x5a: {  	_ =	shalt  }
0x5b: {  	_ =	shalt  }
0x5c: {  	_ =	shalt  }
0x5d: {  	_ =	shalt  }
0x5e: {  	_ =	shalt  }
0x5f: {  	_ =	shalt  }
0x60: {  	_ =	shalt  }
0x61: {  	_ =	shalt  }
0x62: {  	_ =	shalt  }
0x63: {  	_ =	shalt  }
0x64: {  	_ =	shalt  }
0x65: {  	_ =	shalt  }
0x66: {  	_ =	shalt  }
0x67: {  	_ =	shalt  }
0x68: {  	_ =	shalt  }
0x69: {  	_ =	shalt  }
0x6a: {  	_ =	shalt  }
0x6b: {  	_ =	shalt  }
0x6c: {  	_ =	shalt  }
0x6d: {  	_ =	shalt  }
0x6e: {  	_ =	shalt  }
0x6f: {  	_ =	shalt  }
0x70: {  	_ =	shalt  }
0x71: {  	_ =	shalt  }
0x72: {  	_ =	shalt  }
0x73: {  	_ =	shalt  }
0x74: {  	_ =	shalt  }
0x75: {  	_ =	shalt  }
0x76: {  	_ =	shalt  }
0x77: {  	_ =	shalt  }
0x78: {  	_ =	shalt  }
0x79: {  	_ =	shalt  }
0x7a: {  	_ =	shalt  }
0x7b: {  	_ =	shalt  }
0x7c: {  	_ =	shalt  }
0x7d: {  	_ =	shalt  }
0x7e: {  	_ =	shalt  }
0x7f: {  	_ =	shalt  }
0x80: {  	_ =	shalt  }
0x81: {  	_ =	shalt  }
0x82: {  	_ =	shalt  }
0x83: {  	_ =	shalt  }
0x84: {  	_ =	shalt  }
0x85: {  	_ =	shalt  }
0x86: {  	_ =	shalt  }
0x87: {  	_ =	shalt  }
.Lfunc_end0:
.L_simem_size_0:
called_computation.2_lowered:
.L_overlay_start_0:
0x88: {  	s2 =	sld [smem:$0x3FD9]  }
0x89: {  	s3 =	sld [smem:$0x3FFE];
	_ =	sdelay $0x1  }
0x8a: {  	s1 =	srdreg.scid  }
0x8b: {  	s0 =	sand.u32 $0x1, s1  }
0x8c: {  	s17 =	sshll.u32 s0, $0xA;
	s2 =	sadd.s32 s3, s2  }
0x8d: {  	s2 =	sadd.s32 s2, s17  }
0x8e: {  	[smem:$0x3FC2] =	sst s2  }
0x8f: {  	_ = 	snop  }
0x90: {  	s2 =	sld [smem:$0x3FD0];
	(tm) =	ssettm $0x1  }
0x91: {  	s18 =	sld [smem:$0x3FFB];
	_ =	sdelay $0x3  }
0x92: {  	_ =	strace s18  }
0x93: {  	s3 =	sld [smem:$0x3FFC];
	_ =	sdelay $0x3  }
0x94: {  	_ =	strace s3  }
0x95: {  	s3 =	sld [smem:$0x3FFD];
	_ =	sdelay $0x3  }
0x96: {  	_ =	strace s3  }
0x97: {  	_ =	strace $0x8FFFFFFF  }
0x98: {  	s19 =	sld [smem:$0x3FDB];
	_ =	sdelay $0x1  }
0x99: {  	s4 =	simm.s32 $_scs_section_size  }
0x9a: {  	s5 =	simm.s32 $_size__tile_overlayer_lowered;
	s6 =	simm.s32 $_tile_overlayer_lowered  }
0x9b: {  	s22 =	simm.s32 $0x1BFF;
	s21 =	sshll.u32 s6, $0x1;
	s3 =	sadd.s32 s4, s19  }
0x9c: {  	s7 =	simm.s32 $0x0;
	s20 =	sshll.u32 s5, $0x1;
	s5 =	sadd.s32 s21, s3  }
0x9d: {  	[timem:s7], [sflag:s22] =	dma.local [hbm:s5], s20  }
0x9e: {  	_ =	swait.ge [sflag:s22], s20  }
0x9f: {  	s4 =	ssub.s32 $0x0, s20;
	[sflag:s22] =	ssyncset.done $0x0  }
0xa0: {  	[sflag:s22] =	ssyncadd.s32 s4;
	_ =	sdelay $0x1  }
0xa1: {  	s23 =	simm.s32 $0x1B8B  }
0xa2: {  	_ =	swait.ge [sflag:s23], $0x1  }
0xa3: {  	[sflag:s23] =	ssyncset.done $0x0  }
0xa4: {  	s25 =	simm.s32 $0x1B8E;
	s24 =	sld [smem:$0x3FFE];
	[sflag:s23] =	ssyncadd.s32 $0xFFFFFFFF  }
0xa5: {  	s26 =	simm.s32 $execute0_lowered;
	[smem:$0x3FD2] =	sst s25  }
0xa6: {  	s5 =	sshll.u32 s26, $0x1;
	_ =	strace $0x8000004C;
	[dreg:$0x1] =	wrdreg $0xFFFFFFFF  }
0xa7: {  	s28 =	simm.s32 $_size_execute0_lowered;
	s3 =	sadd.s32 s3, s5;
	[dreg:$0x0] =	wrdreg $0x0  }
0xa8: {  	s5 =	sshll.u32 s28, $0x1;
	[dreg:$0x2] =	wrdreg s3  }
0xa9: {  	[dreg:$0x3] =	wrdreg s5  }
0xaa: {  	[dreg:$0x4] =	wrdreg $0xC0  }
0xab: {  	_ =	task [dreg:s7], $0x5FFFF  }
0xac: {  	[dreg:$0x1] =	wrdreg $0xFFFFFFFF  }
0xad: {  	[dreg:$0x0] =	wrdreg $0x60  }
0xae: {  	[dreg:$0x2] =	wrdreg s24  }
0xaf: {  	[dreg:$0x3] =	wrdreg s2  }
0xb0: {  	[dreg:$0x4] =	wrdreg $0xA2800  }
0xb1: {  	[dreg:$0x5] =	wrdreg $0x9  }
0xb2: {  	_ =	task.clear_ibuf [dreg:s7], $0x6FFFF;
	_ =	strace $0x9000004C  }
0xb3: {  	s29 =	simm.s32 $0x9;
	_ =	strace $0x8000004E  }
0xb4: {  	_ =	swait.ge [sflag:s29], $0x1  }
0xb5: {  	[sflag:s29] =	ssyncadd.s32 $0xFFFFFFFF  }
0xb6: {  	_ =	strace $0x9000004E  }
0xb7: {  	_ =	sfence  }
0xb8: {  	s30 =	sld [smem:$0x0];
	_ =	sdelay $0x2  }
0xb9: {  	s31 =	sshll.u32 s1, $0xD;
	s1 =	sshrl.u32 s1, $0x2  }
0xba: {  	s3 =	sand.u32 $0x4000, s31;
	s1 =	sadd.s32 s1, s30  }
0xbb: {  	s0 =	sor.u32 s3, s0;
	s1 =	sshll.u32 s1, $0x11  }
0xbc: {  	s0 =	sor.u32 s1, s0  }
0xbd: {  	s0 =	sadd.s32 $0x8F2B, s0  }
0xbe: {  	[sflag:s0] =	ssyncadd.remote.s32 $0x1  }
0xbf: {  	_ =	sfence.sel $0xFFFF  }
0xc0: {  	[dreg:$0x0] =	wrdreg $0xFFFFFFFF;
	(pc) =	sbr.abs _section_cstart, $3  }
0xc1: {  	[dreg:$0x1] =	wrdreg $0xFFFFFFFF  }
0xc2: {  	_ =	task.clear_ibuf [dreg:s7], $0x2FFFF;
	_ =	strace $0x9FFFFFFF  }
0xc3: {  	(tm) =	ssettm $0x7FFFFFFF  }
tec
execute0_lowered:
.L_overlay_start_1:
0x0: {  	(tag) =	ssettag $0x1  }
0x1: {  	s5 =	rddreg [dreg:$0x0]  }
0x2: {  	s2 =	rddreg [dreg:$0x1]  }
0x3: {  	s3 =	rddreg [dreg:$0x2];
	s4 =	srdreg.scid  }
0x4: {  	s0 =	rddreg [dreg:$0x3];
	s1 =	stileid.u32;
	s11 =	simm.s32 $0x2800  }
0x5: {  	s12 =	simm.s32 $0x5000;
	s13 =	simm.s32 $0xA000;
	s14 =	simm.s32 $0x80  }
0x6: {  	s17 =	simm.s32 $0x20;
	s18 =	simm.s32 $0x10;
	s19 =	simm.s32 $0x0  }
0x7: {  	s6 =	sand.u32 $0x1, s4;
	s4 =	simm.s32 $0x0;
	s8 =	smul.u32 $0x500, s1  }
0x8: {  	s30 =	smul.u32 $0xA00, s1;
	s15 =	sshll.u32 s1, $0x6;
	s7 =	sshll.u32 s6, $0x4  }
0x9: {  	[smem:$0x7FF] =	sst s4;
	s9 =	sshll.u32 s6, $0x7;
	s6 =	ssub.s32 $0x2, s6  }
0xa: {  	s15 =	sor.u32 $0x1C01, s15;
	s7 =	sor.u32 s1, s7;
	s8 =	sor.u32 s9, s8  }
0xb: {  	_ =	strace $0x8000004D;
	s7 =	smul.u32 $0x500, s7;
	s8 =	sshrl.u32 s8, $0x3  }
0xc: {  	s31 =	sshrl.u32 s6, $0x1;
	s9 =	sshrl.u32 s30, $0x2;
	s8 =	sadd.s32 s8, s5  }
0xd: {  	s10 =	ssub.s32 s6, s31;
	s7 =	sadd.s32 s7, s5;
	s8 =	sadd.s32 $0x15A00, s8  }
0xe: {  	s5 =	sadd.s32 $0xBA00, s7;
	s6 =	sadd.s32 $0x1A00, s7;
	s7 =	sadd.s32 s9, s3  }
0xf: {  	v0 =	vimm.f32 $0.0e+00;
	s9 =	smax.u32 s10, $0x1;
	s10 =	simm.s32 $0x1;
	s16 =	sshrl.u32 s7, $0x3  }
.LBB2_1:
0x10: {  	[tilespmem:s4], [sflag:$0x1] =	stream.linear.gather [hbm4b:s5+s4], $0x2800, $0x38;
	[tilespmem:$0xA500] =	vst v63  }
0x11: {  	_ =	swait.ge [sflag:s10], $0x2800  }
0x12: {  	[sflag:s10] =	ssyncset.done $0x0  }
0x13: {  	[sflag:s10] =	ssyncadd.s32 $0xFFFFD800  }
0x14: {  	[tilespmem:s11], [sflag:$0x1] =	stream.linear.gather [hbm4b:s6+s4], $0x2800, $0x38;
	[tilespmem:$0xA500] =	vst v63  }
0x15: {  	_ =	swait.ge [sflag:s10], $0x2800  }
0x16: {  	[sflag:s10] =	ssyncset.done $0x0  }
0x17: {  	[sflag:s10] =	ssyncadd.s32 $0xFFFFD800  }
0x18: {  	[tilespmem:s12], [sflag:$0x1] =	stream.linear.gather [hbm4b:s2+s4], $0x2800, $0x38;
	[tilespmem:$0xA500] =	vst v63  }
0x19: {  	_ =	swait.ge [sflag:s10], $0x2800  }
0x1a: {  	[sflag:s10] =	ssyncset.done $0x0  }
0x1b: {  	[sflag:s10] =	ssyncadd.s32 $0xFFFFD800  }
0x1c: {  	[tilespmem:$0xA000] =	vst v0  }
0x1d: {  	[tilespmem:$0xA010] =	vst v0  }
0x1e: {  	[tilespmem:$0xA020] =	vst v0  }
0x1f: {  	[tilespmem:$0xA030] =	vst v0  }
0x20: {  	[tilespmem:$0xA040] =	vst v0  }
0x21: {  	[tilespmem:$0xA050] =	vst v0  }
0x22: {  	[tilespmem:$0xA060] =	vst v0  }
0x23: {  	[tilespmem:$0xA070] =	vst v0  }
0x24: {  	[tilespmem:$0xA080] =	vst v0  }
0x25: {  	[tilespmem:$0xA090] =	vst v0  }
0x26: {  	[tilespmem:$0xA0A0] =	vst v0  }
0x27: {  	[tilespmem:$0xA0B0] =	vst v0  }
0x28: {  	[tilespmem:$0xA0C0] =	vst v0  }
0x29: {  	[tilespmem:$0xA0D0] =	vst v0  }
0x2a: {  	[tilespmem:$0xA0E0] =	vst v0  }
0x2b: {  	[tilespmem:$0xA0F0] =	vst v0  }
0x2c: {  	[tilespmem:$0xA100] =	vst v0  }
0x2d: {  	[tilespmem:$0xA110] =	vst v0  }
0x2e: {  	[tilespmem:$0xA120] =	vst v0  }
0x2f: {  	[tilespmem:$0xA130] =	vst v0  }
0x30: {  	[tilespmem:$0xA140] =	vst v0  }
0x31: {  	[tilespmem:$0xA150] =	vst v0  }
0x32: {  	[tilespmem:$0xA160] =	vst v0  }
0x33: {  	[tilespmem:$0xA170] =	vst v0  }
0x34: {  	[tilespmem:$0xA180] =	vst v0  }
0x35: {  	[tilespmem:$0xA190] =	vst v0  }
0x36: {  	[tilespmem:$0xA1A0] =	vst v0  }
0x37: {  	[tilespmem:$0xA1B0] =	vst v0  }
0x38: {  	[tilespmem:$0xA1C0] =	vst v0  }
0x39: {  	[tilespmem:$0xA1D0] =	vst v0  }
0x3a: {  	[tilespmem:$0xA1E0] =	vst v0  }
0x3b: {  	[tilespmem:$0xA1F0] =	vst v0  }
0x3c: {  	[tilespmem:$0xA200] =	vst v0  }
0x3d: {  	[tilespmem:$0xA210] =	vst v0  }
0x3e: {  	[tilespmem:$0xA220] =	vst v0  }
0x3f: {  	[tilespmem:$0xA230] =	vst v0  }
0x40: {  	[tilespmem:$0xA240] =	vst v0  }
0x41: {  	[tilespmem:$0xA250] =	vst v0  }
0x42: {  	[tilespmem:$0xA260] =	vst v0  }
0x43: {  	[tilespmem:$0xA270] =	vst v0  }
0x44: {  	[spmem:s7] =	stream.linear.scatter [tilespmem:s13], [sflag:$0x1], $0x280, $0x38;
	[tilespmem:$0xA500] =	vst v63  }
0x45: {  	_ =	swait.ge [sflag:s10], $0x280  }
0x46: {  	[sflag:s10] =	ssyncset.done $0x0  }
0x47: {  	[sflag:s10] =	ssyncadd.s32 $0xFFFFFD80  }
0x48: {  	s20 =	simm.s32 $0x0;
	[bflag:$0x0] =	sbarrier.arrive $0xFFFF  }
0x49: {  	v1 =	vld [tilespmem:s20+$0x0];
	_ =	sdelay $0x5  }
0x4a: {  	v2 =	vld [tilespmem:s20+$0x10];
	_ =	sdelay $0x1  }
0x4b: {  	v1 =	vld.idx.msk [tilespmem:v1+s12+$0x0], $0xffff;
	_ =	sdelay $0x3  }
0x4c: {  	v3 =	vld [tilespmem:s20+$0x20]  }
0x4d: {  	[tilespmem:s20+$0x7800] =	vst v1  }
0x4e: {  	v1 =	vld.idx.msk [tilespmem:v2+s12+$0x0], $0xffff;
	_ =	sdelay $0x3  }
0x4f: {  	v2 =	vld [tilespmem:s20+$0x30]  }
0x50: {  	[tilespmem:s20+$0x7810] =	vst v1  }
0x51: {  	v1 =	vld.idx.msk [tilespmem:v3+s12+$0x0], $0xffff;
	_ =	sdelay $0x3  }
0x52: {  	v3 =	vld [tilespmem:s20+$0x40]  }
0x53: {  	[tilespmem:s20+$0x7820] =	vst v1  }
0x54: {  	v1 =	vld.idx.msk [tilespmem:v2+s12+$0x0], $0xffff;
	_ =	sdelay $0x3  }
0x55: {  	v2 =	vld [tilespmem:s20+$0x50]  }
0x56: {  	[tilespmem:s20+$0x7830] =	vst v1  }
0x57: {  	v1 =	vld.idx.msk [tilespmem:v3+s12+$0x0], $0xffff;
	_ =	sdelay $0x3  }
0x58: {  	v3 =	vld [tilespmem:s20+$0x60]  }
0x59: {  	[tilespmem:s20+$0x7840] =	vst v1  }
0x5a: {  	v1 =	vld.idx.msk [tilespmem:v2+s12+$0x0], $0xffff;
	_ =	sdelay $0x3  }
0x5b: {  	v2 =	vld [tilespmem:s20+$0x70]  }
0x5c: {  	[tilespmem:s20+$0x7850] =	vst v1  }
0x5d: {  	v1 =	vld.idx.msk [tilespmem:v3+s12+$0x0], $0xffff;
	_ =	sdelay $0x4  }
0x5e: {  	[tilespmem:s20+$0x7860] =	vst v1  }
0x5f: {  	v1 =	vld.idx.msk [tilespmem:v2+s12+$0x0], $0xffff;
	_ =	sdelay $0x4  }
0x60: {  	s21 =	simm.s32 $0x7800;
	s31 =	simm.s32 $0x2800;
	[tilespmem:s20+$0x7870] =	vst v1  }
0x61: {  	[spmem:s3] =	stream.indirect.scatter.add.f32 [tilespmem:s21], [sflag:$0x1], $0x1, s31, s14, $0xb8;
	[tilespmem:$0xA500] =	vst v63  }
0x62: {  	_ =	swait.ge [sflag:s10], $0x80  }
0x63: {  	s23 =	simm.s32 $0x400;
	s20 =	simm.s32 $0x200;
	[sflag:s10] =	ssyncset.done $0x0  }
.LBB2_2:
0x64: {  	s22 =	sshra.s32 s20, $0x2  }
0x65: {  	[sflag:s10] =	ssyncadd.s32 $0xFFFFFF80;
	s20 =	smov.u32 s23;
	s21 =	sadd.s32 $0x200, s23  }
0x66: {  	p0 =	sne.s32 s23, $0x9E00;
	v1 =	vld [tilespmem:s22+$0x0];
	_ =	sdelay $0x6  }
0x67: {  	v2 =	vld [tilespmem:s22+$0x10]  }
0x68: {  	v1 =	vld.idx.msk [tilespmem:v1+s12+$0x0], $0xffff;
	_ =	sdelay $0x5  }
0x69: {  	[tilespmem:s22+$0x7800] =	vst v1;
	v1 =	vld [tilespmem:s22+$0x20]  }
0x6a: {  	v2 =	vld.idx.msk [tilespmem:v2+s12+$0x0], $0xffff;
	_ =	sdelay $0x5  }
0x6b: {  	[tilespmem:s22+$0x7810] =	vst v2;
	v2 =	vld [tilespmem:s22+$0x30]  }
0x6c: {  	v1 =	vld.idx.msk [tilespmem:v1+s12+$0x0], $0xffff;
	_ =	sdelay $0x5  }
0x6d: {  	[tilespmem:s22+$0x7820] =	vst v1;
	v1 =	vld [tilespmem:s22+$0x40]  }
0x6e: {  	v2 =	vld.idx.msk [tilespmem:v2+s12+$0x0], $0xffff;
	_ =	sdelay $0x5  }
0x6f: {  	[tilespmem:s22+$0x7830] =	vst v2;
	v2 =	vld [tilespmem:s22+$0x50]  }
0x70: {  	v1 =	vld.idx.msk [tilespmem:v1+s12+$0x0], $0xffff;
	_ =	sdelay $0x5  }
0x71: {  	[tilespmem:s22+$0x7840] =	vst v1;
	v1 =	vld [tilespmem:s22+$0x60]  }
0x72: {  	v2 =	vld.idx.msk [tilespmem:v2+s12+$0x0], $0xffff;
	_ =	sdelay $0x5  }
0x73: {  	[tilespmem:s22+$0x7850] =	vst v2;
	v2 =	vld [tilespmem:s22+$0x70]  }
0x74: {  	v1 =	vld.idx.msk [tilespmem:v1+s12+$0x0], $0xffff;
	_ =	sdelay $0x5  }
0x75: {  	[tilespmem:s22+$0x7860] =	vst v1  }
0x76: {  	v1 =	vld.idx.msk [tilespmem:v2+s12+$0x0], $0xffff;
	_ =	sdelay $0x4  }
.Ltmp0:
0x77: {  	(pc) =	sbr.rel @p0 .LBB2_2-.Ltmp0, $4  }
0x78: {  	s23 =	sadd.s32 $0x7800, s22;
	[tilespmem:s22+$0x7870] =	vst v1;
	s22 =	sadd.s32 $0x2800, s22  }
0x79: {  	[spmem:s3] =	stream.indirect.scatter.add.f32 [tilespmem:s23], [sflag:$0x1], $0x1, s22, s14, $0xb8;
	[tilespmem:$0xA500] =	vst v63  }
0x7a: {  	_ =	swait.ge [sflag:s10], $0x80  }
0x7b: {  	s23 =	smov.u32 s21;
	[sflag:s10] =	ssyncset.done $0x0  }
0x7c: {  	s20 =	sshra.s32 s20, $0x2;
	[sflag:s10] =	ssyncadd.s32 $0xFFFFFF80  }
0x7d: {  	v1 =	vld [tilespmem:s20+$0x0];
	_ =	sdelay $0x5  }
0x7e: {  	v2 =	vld [tilespmem:s20+$0x10];
	_ =	sdelay $0x1  }
0x7f: {  	v1 =	vld.idx.msk [tilespmem:v1+s12+$0x0], $0xffff;
	_ =	sdelay $0x3  }
0x80: {  	v3 =	vld [tilespmem:s20+$0x20]  }
0x81: {  	[tilespmem:s20+$0x7800] =	vst v1  }
0x82: {  	v1 =	vld.idx.msk [tilespmem:v2+s12+$0x0], $0xffff;
	_ =	sdelay $0x3  }
0x83: {  	v2 =	vld [tilespmem:s20+$0x30]  }
0x84: {  	[tilespmem:s20+$0x7810] =	vst v1  }
0x85: {  	v1 =	vld.idx.msk [tilespmem:v3+s12+$0x0], $0xffff;
	_ =	sdelay $0x3  }
0x86: {  	v3 =	vld [tilespmem:s20+$0x40]  }
0x87: {  	[tilespmem:s20+$0x7820] =	vst v1  }
0x88: {  	v1 =	vld.idx.msk [tilespmem:v2+s12+$0x0], $0xffff;
	_ =	sdelay $0x3  }
0x89: {  	v2 =	vld [tilespmem:s20+$0x50]  }
0x8a: {  	[tilespmem:s20+$0x7830] =	vst v1  }
0x8b: {  	v1 =	vld.idx.msk [tilespmem:v3+s12+$0x0], $0xffff;
	_ =	sdelay $0x3  }
0x8c: {  	v3 =	vld [tilespmem:s20+$0x60]  }
0x8d: {  	[tilespmem:s20+$0x7840] =	vst v1  }
0x8e: {  	v1 =	vld.idx.msk [tilespmem:v2+s12+$0x0], $0xffff;
	_ =	sdelay $0x3  }
0x8f: {  	v2 =	vld [tilespmem:s20+$0x70]  }
0x90: {  	[tilespmem:s20+$0x7850] =	vst v1  }
0x91: {  	v1 =	vld.idx.msk [tilespmem:v3+s12+$0x0], $0xffff;
	_ =	sdelay $0x4  }
0x92: {  	[tilespmem:s20+$0x7860] =	vst v1  }
0x93: {  	v1 =	vld.idx.msk [tilespmem:v2+s12+$0x0], $0xffff;
	_ =	sdelay $0x4  }
0x94: {  	s21 =	sadd.s32 $0x7800, s20;
	[tilespmem:s20+$0x7870] =	vst v1;
	s20 =	sadd.s32 $0x2800, s20  }
0x95: {  	[spmem:s3] =	stream.indirect.scatter.add.f32 [tilespmem:s21], [sflag:$0x1], $0x1, s20, s14, $0xb8;
	[tilespmem:$0xA500] =	vst v63  }
0x96: {  	_ =	swait.ge [sflag:s10], $0x80  }
0x97: {  	s19 =	sadd.s32 $0x1, s19;
	[sflag:s10] =	ssyncset.done $0x0  }
0x98: {  	p0 =	sne.s32 s19, s9;
	[sflag:s10] =	ssyncadd.s32 $0xFFFFFF80  }
.Ltmp1:
0x99: {  	[bflag:$0x0] =	sbarrier.arrive $0xFFFF;
	(pc) =	sbr.rel @p0 .LBB2_1-.Ltmp1, $4  }
0x9a: {  	[hbm:s8@s17], [sflag:s15] =	dma.strided [spmem:s16@s18], $0x50, s10, $0x10   }
0x9b: {  	_ =	swait.ge [sflag:s10], $0x50  }
0x9c: {  	[sflag:s10] =	ssyncset.done $0x0  }
0x9d: {  	[sflag:s10] =	ssyncadd.s32 $0xFFFFFFB0  }
0x9e: {  	_ =	sfence.sel $0x180000  }
0x9f: {  	[bflag:$0x0] =	sbarrier.arrive $0xFFFF  }
0xa0: {  	p0 =	sne.s32 s1, $0x0;
	_ =	strace $0x9000004D  }
0xa1: {  	s0 =	sadd.s32 @!p0 $0x100000, s0;
	[bflag:$0x2] =	sbarrier.arrive $0xFFFF  }
0xa2: {  	[sflag:s0] =	ssyncadd.tile.s32 @!p0 $0x1;
	_ =	shalt  }
.Lfunc_end2:
_tile_overlayer_lowered:
.L_overlay_start_2:
0xa3: {  	(tag) =	ssettag $0x2  }
0xa4: {  	s0 =	rddreg [dreg:$0x0];
	s2 =	stileid.u32  }
0xa5: {  	s1 =	rddreg [dreg:$0x1];
	p0 =	sne.s32 s2, $0x0  }
0xa6: {  	s3 =	rddreg [dreg:$0x2];
	[bflag:$0x3] =	sbarrier.arrive $0xFFFF;
	s2 =	simm.s32 @!p0 $0x1C01  }
0xa7: {  	[timem:s3], [sflag:s2] =	dma.local @!p0 [hbm:s0], s1  }
0xa8: {  	s0 =	simm.s32 @!p0 $0x1  }
0xa9: {  	_ =	swait.ge @!p0 [sflag:s0], s1  }
0xaa: {  	s1 =	ssub.s32 @!p0 $0x0, s1;
	[sflag:s0] =	ssyncset.done @!p0 $0x0  }
0xab: {  	[sflag:s0] =	ssyncadd.s32 @!p0 s1  }
0xac: {  	[bflag:$0x3] =	sbarrier.arrive $0xFFFF  }
0xad: {  	_ =	shalt  }

// kernel: kernel.8.cloned.1.call-start
scs
__scs_entry_jumppad:
0x0: {  	(pc) =	sbr.rel $0x88, $3  }
0x1: {  	(tag) =	ssettag $0x0;
	lr =	simm.s32 $0x1  }
0x2: {  	[smem:$0x3F9B] =	sst lr;
	_ =	strace $0xD0000000  }
0x3: {  	_ = 	snop  }
0x4: {  	_ = 	snop  }
0x5: {  	_ = 	snop  }
0x6: {  	_ = 	snop  }
0x7: {  	_ = 	snop  }
__scs_overlays_trampoline_lowered:
0x8: {  	[smem:$0x3FAA] =	sst s0  }
0x9: {  	[smem:$0x3FAB] =	sst s1  }
0xa: {  	[smem:$0x3FAC] =	sst s2  }
0xb: {  	[smem:$0x3FAD] =	sst s3  }
0xc: {  	[smem:$0x3FAE] =	sst s4  }
0xd: {  	[smem:$0x3FAF] =	sst s5  }
0xe: {  	[smem:$0x3FB0] =	sst s6  }
0xf: {  	[smem:$0x3FB1] =	sst s7  }
0x10: {  	[smem:$0x3FB2] =	sst s8  }
0x11: {  	[smem:$0x3FB3] =	sst s9;
	s0 =	simm.s32 @!p0 $0x0  }
0x12: {  	s1 =	sld [smem:$0x3F99];
	s0 =	simm.s32 @p0 $0x1  }
0x13: {  	[smem:$0x3FB4] =	sst s0;
	s0 =	simm.s32 @!p1 $0x0  }
0x14: {  	s2 =	sld [smem:$0x3F98];
	s0 =	simm.s32 @p1 $0x1  }
0x15: {  	[smem:$0x3FB5] =	sst s0;
	s0 =	simm.s32 @!p2 $0x0  }
0x16: {  	s3 =	sld [smem:$0x3FDB];
	s0 =	simm.s32 @p2 $0x1  }
0x17: {  	s4 =	simm.s32 $0x1BF5;
	[smem:$0x3FB7] =	sst s0  }
0x18: {  	s0 =	sld [smem:$0x3F9A];
	_ =	swait.ge [sflag:s4], $0x0  }
0x19: {  	s7 =	sld [smem:$0x3F9B]  }
0x1a: {  	s8 =	sadd.s32 $0xFFFFE003, lr  }
0x1b: {  	s9 =	sadd.s32 $0xFFFFFEF7, lr;
	s5 =	simm.s32 $0xFFFFFFFF;
	p2 =	slt.u32 s8, $0xFFFFF086  }
0x1c: {  	p1 =	slt.u32 s9, $0xF7A;
	s5 =	simm.s32 @!p2 $0x0  }
0x1d: {  	s5 =	simm.s32 @p1 $0x1;
	p0 =	seq.s32 s7, s2  }
0x1e: {  	s7 =	smul.u32 @!p0 $0xF7A, s2;
	p2 =	seq.s32 @!p0 s5, $0x0  }
0x1f: {  	s9 =	smul.u32 $0xF7A, s1;
	s8 =	simm.s32 @!p0 $0x1BF5;
	p2 =	por !p2, p0  }
0x20: {  	[sflag:s8] =	ssyncset.s32 @!p0 $0xFFFFF086;
	s6 =	sadd.s32 @!p0 s3, s7;
	s7 =	simm.s32 @!p0 $0x108  }
0x21: {  	s3 =	sadd.s32 s3, s9;
	s6 =	sadd.s32 @!p0 $0x88, s6;
	s7 =	simm.s32 @p2 $0x1082  }
0x22: {  	[simem:s7], [sflag:s8] =	dma.local @!p0 [hbm:s6], $0xF7A  }
0x23: {  	s9 =	sor.u32 $0xD0000000, s2;
	s6 =	simm.s32 $0x108;
	_ =	swait.ge @!p0 [sflag:s8], $0x0  }
0x24: {  	s3 =	sadd.s32 $0x88, s3;
	s6 =	simm.s32 @!p1 $0x1082;
	[sflag:s4] =	ssyncset.s32 $0xFFFFF086  }
0x25: {  	[simem:s6], [sflag:s4] =	dma.local [hbm:s3], $0xF7A  }
0x26: {  	[smem:$0x3F9B] =	sst s1;
	(tag) =	ssettag s2;
	_ =	strace s9  }
0x27: {  	s1 =	sld [smem:$0x3FAB]  }
0x28: {  	s2 =	sld [smem:$0x3FAC]  }
0x29: {  	s4 =	sld [smem:$0x3FAE]  }
0x2a: {  	p0 =	seq.s32 s5, $0x0;
	s5 =	sld [smem:$0x3FAF]  }
0x2b: {  	s6 =	sld [smem:$0x3FB0]  }
0x2c: {  	s7 =	sld [smem:$0x3FB1]  }
0x2d: {  	s3 =	simm.s32 $0x108;
	s8 =	sld [smem:$0x3FB2]  }
0x2e: {  	s3 =	simm.s32 @!p0 $0x1082;
	s9 =	sld [smem:$0x3FB3]  }
0x2f: {  	lr =	sadd.s32 s0, s3;
	s0 =	sld [smem:$0x3FAA]  }
0x30: {  	s3 =	sld [smem:$0x3FAD]  }
0x31: {  	[smem:$0x3FB6] =	sst s10  }
0x32: {  	s10 =	sld [smem:$0x3FB4];
	_ =	sdelay $0x3  }
0x33: {  	p0 =	seq.s32 s10, $0x1;
	s10 =	sld [smem:$0x3FB6];
	_ =	sdelay $0x3  }
0x34: {  	[smem:$0x3FB6] =	sst s10  }
0x35: {  	s10 =	sld [smem:$0x3FB5];
	_ =	sdelay $0x3  }
0x36: {  	p1 =	seq.s32 s10, $0x1;
	s10 =	sld [smem:$0x3FB6];
	_ =	sdelay $0x3  }
0x37: {  	[smem:$0x3FB6] =	sst s10  }
0x38: {  	s10 =	sld [smem:$0x3FB7]  }
0x39: {  	_ = 	snop;
	(pc) =	sbr.ind lr, $3  }
0x3a: {  	_ = 	snop  }
0x3b: {  	_ = 	snop  }
0x3c: {  	p2 =	seq.s32 s10, $0x1;
	s10 =	sld [smem:$0x3FB6]  }
0x3d: {  	_ =	shalt  }
0x3e: {  	_ =	shalt  }
0x3f: {  	_ =	shalt  }
0x40: {  	_ =	shalt  }
0x41: {  	_ =	shalt  }
0x42: {  	_ =	shalt  }
0x43: {  	_ =	shalt  }
0x44: {  	_ =	shalt  }
0x45: {  	_ =	shalt  }
0x46: {  	_ =	shalt  }
0x47: {  	_ =	shalt  }
0x48: {  	_ =	shalt  }
0x49: {  	_ =	shalt  }
0x4a: {  	_ =	shalt  }
0x4b: {  	_ =	shalt  }
0x4c: {  	_ =	shalt  }
0x4d: {  	_ =	shalt  }
0x4e: {  	_ =	shalt  }
0x4f: {  	_ =	shalt  }
0x50: {  	_ =	shalt  }
0x51: {  	_ =	shalt  }
0x52: {  	_ =	shalt  }
0x53: {  	_ =	shalt  }
0x54: {  	_ =	shalt  }
0x55: {  	_ =	shalt  }
0x56: {  	_ =	shalt  }
0x57: {  	_ =	shalt  }
0x58: {  	_ =	shalt  }
0x59: {  	_ =	shalt  }
0x5a: {  	_ =	shalt  }
0x5b: {  	_ =	shalt  }
0x5c: {  	_ =	shalt  }
0x5d: {  	_ =	shalt  }
0x5e: {  	_ =	shalt  }
0x5f: {  	_ =	shalt  }
0x60: {  	_ =	shalt  }
0x61: {  	_ =	shalt  }
0x62: {  	_ =	shalt  }
0x63: {  	_ =	shalt  }
0x64: {  	_ =	shalt  }
0x65: {  	_ =	shalt  }
0x66: {  	_ =	shalt  }
0x67: {  	_ =	shalt  }
0x68: {  	_ =	shalt  }
0x69: {  	_ =	shalt  }
0x6a: {  	_ =	shalt  }
0x6b: {  	_ =	shalt  }
0x6c: {  	_ =	shalt  }
0x6d: {  	_ =	shalt  }
0x6e: {  	_ =	shalt  }
0x6f: {  	_ =	shalt  }
0x70: {  	_ =	shalt  }
0x71: {  	_ =	shalt  }
0x72: {  	_ =	shalt  }
0x73: {  	_ =	shalt  }
0x74: {  	_ =	shalt  }
0x75: {  	_ =	shalt  }
0x76: {  	_ =	shalt  }
0x77: {  	_ =	shalt  }
0x78: {  	_ =	shalt  }
0x79: {  	_ =	shalt  }
0x7a: {  	_ =	shalt  }
0x7b: {  	_ =	shalt  }
0x7c: {  	_ =	shalt  }
0x7d: {  	_ =	shalt  }
0x7e: {  	_ =	shalt  }
0x7f: {  	_ =	shalt  }
0x80: {  	_ =	shalt  }
0x81: {  	_ =	shalt  }
0x82: {  	_ =	shalt  }
0x83: {  	_ =	shalt  }
0x84: {  	_ =	shalt  }
0x85: {  	_ =	shalt  }
0x86: {  	_ =	shalt  }
0x87: {  	_ =	shalt  }
.Lfunc_end0:
.L_simem_size_0:
called_computation_lowered:
.L_overlay_start_0:
0x88: {  	s2 =	sld [smem:$0x3FD9]  }
0x89: {  	s3 =	sld [smem:$0x3FFE];
	_ =	sdelay $0x1  }
0x8a: {  	s1 =	srdreg.scid  }
0x8b: {  	s0 =	sand.u32 $0x1, s1  }
0x8c: {  	s16 =	sshll.u32 s0, $0xA;
	s2 =	sadd.s32 s3, s2  }
0x8d: {  	s2 =	sadd.s32 s2, s16  }
0x8e: {  	[smem:$0x3FC2] =	sst s2  }
0x8f: {  	_ = 	snop  }
0x90: {  	(tm) =	ssettm $0x1  }
0x91: {  	s17 =	sld [smem:$0x3FFB];
	_ =	sdelay $0x3  }
0x92: {  	_ =	strace s17  }
0x93: {  	s2 =	sld [smem:$0x3FFC];
	_ =	sdelay $0x3  }
0x94: {  	_ =	strace s2  }
0x95: {  	s2 =	sld [smem:$0x3FFD];
	_ =	sdelay $0x3  }
0x96: {  	_ =	strace s2  }
0x97: {  	_ =	strace $0x8FFFFFFF  }
0x98: {  	s18 =	sld [smem:$0x3FDB];
	_ =	sdelay $0x1  }
0x99: {  	s19 =	simm.s32 $_scs_section_size  }
0x9a: {  	s4 =	simm.s32 $_size__tile_overlayer_lowered;
	s5 =	simm.s32 $_tile_overlayer_lowered  }
0x9b: {  	s22 =	simm.s32 $0x1BFF;
	s21 =	sshll.u32 s5, $0x1;
	s2 =	sadd.s32 s19, s18  }
0x9c: {  	s6 =	simm.s32 $0x0;
	s20 =	sshll.u32 s4, $0x1;
	s4 =	sadd.s32 s21, s2  }
0x9d: {  	[timem:s6], [sflag:s22] =	dma.local [hbm:s4], s20  }
0x9e: {  	_ =	swait.ge [sflag:s22], s20  }
0x9f: {  	s3 =	ssub.s32 $0x0, s20;
	[sflag:s22] =	ssyncset.done $0x0  }
0xa0: {  	[sflag:s22] =	ssyncadd.s32 s3;
	_ =	sdelay $0x1  }
0xa1: {  	s23 =	simm.s32 $0x1B8B  }
0xa2: {  	_ =	swait.ge [sflag:s23], $0x1  }
0xa3: {  	[sflag:s23] =	ssyncset.done $0x0  }
0xa4: {  	s25 =	simm.s32 $0x1B8E;
	s24 =	sld [smem:$0x3FFE];
	[sflag:s23] =	ssyncadd.s32 $0xFFFFFFFF  }
0xa5: {  	s26 =	simm.s32 $execute0_lowered;
	[smem:$0x3FD2] =	sst s25  }
0xa6: {  	s4 =	sshll.u32 s26, $0x1;
	_ =	strace $0x80000046;
	[dreg:$0x1] =	wrdreg $0xFFFFFFFF  }
0xa7: {  	s28 =	simm.s32 $_size_execute0_lowered;
	s2 =	sadd.s32 s2, s4;
	[dreg:$0x0] =	wrdreg $0x0  }
0xa8: {  	s4 =	sshll.u32 s28, $0x1;
	[dreg:$0x2] =	wrdreg s2  }
0xa9: {  	[dreg:$0x3] =	wrdreg s4  }
0xaa: {  	[dreg:$0x4] =	wrdreg $0xC0  }
0xab: {  	_ =	task [dreg:s6], $0x5FFFF  }
0xac: {  	[dreg:$0x1] =	wrdreg $0xFFFFFFFF  }
0xad: {  	[dreg:$0x0] =	wrdreg $0x60  }
0xae: {  	[dreg:$0x2] =	wrdreg s24  }
0xaf: {  	[dreg:$0x3] =	wrdreg $0x2B000  }
0xb0: {  	[dreg:$0x4] =	wrdreg $0x9  }
0xb1: {  	_ =	task.clear_ibuf [dreg:s6], $0x5FFFF;
	_ =	strace $0x90000046  }
0xb2: {  	s29 =	simm.s32 $0x9;
	_ =	strace $0x80000048  }
0xb3: {  	_ =	swait.ge [sflag:s29], $0x1  }
0xb4: {  	[sflag:s29] =	ssyncadd.s32 $0xFFFFFFFF  }
0xb5: {  	_ =	strace $0x90000048  }
0xb6: {  	_ =	sfence  }
0xb7: {  	s30 =	sld [smem:$0x0];
	_ =	sdelay $0x2  }
0xb8: {  	s31 =	sshll.u32 s1, $0xD;
	s1 =	sshrl.u32 s1, $0x2  }
0xb9: {  	s3 =	sand.u32 $0x4000, s31;
	s1 =	sadd.s32 s1, s30  }
0xba: {  	s0 =	sor.u32 s3, s0;
	s1 =	sshll.u32 s1, $0x11  }
0xbb: {  	s0 =	sor.u32 s1, s0  }
0xbc: {  	s0 =	sadd.s32 $0x8F2B, s0  }
0xbd: {  	[sflag:s0] =	ssyncadd.remote.s32 $0x1  }
0xbe: {  	_ =	sfence.sel $0xFFFF  }
0xbf: {  	[dreg:$0x0] =	wrdreg $0xFFFFFFFF;
	(pc) =	sbr.abs _section_cstart, $3  }
0xc0: {  	[dreg:$0x1] =	wrdreg $0xFFFFFFFF  }
0xc1: {  	_ =	task.clear_ibuf [dreg:s6], $0x2FFFF;
	_ =	strace $0x9FFFFFFF  }
0xc2: {  	(tm) =	ssettm $0x7FFFFFFF  }
0xc3: {  	_ =	shalt  }
tec
execute0_lowered:
.L_overlay_start_1:
0x0: {  	(tag) =	ssettag $0x1  }
0x1: {  	s4 =	rddreg [dreg:$0x0];
	s0 =	srdreg.scid  }
0x2: {  	s2 =	rddreg [dreg:$0x1];
	s1 =	stileid.u32  }
0x3: {  	s3 =	simm.s32 $0x0;
	s10 =	simm.s32 $0x80;
	s11 =	simm.s32 $0x2800  }
0x4: {  	s14 =	simm.s32 $0x20;
	s15 =	simm.s32 $0x10;
	s16 =	simm.s32 $0x0  }
0x5: {  	s5 =	sand.u32 $0x1, s0;
	s0 =	rddreg [dreg:$0x2];
	s7 =	smul.u32 $0x500, s1  }
0x6: {  	[smem:$0x7FF] =	sst s3;
	s30 =	smul.u32 $0xA00, s1;
	s12 =	sshll.u32 s1, $0x6  }
0x7: {  	s6 =	sshll.u32 s5, $0x4;
	s8 =	sshll.u32 s5, $0x7;
	_ =	strace $0x80000047  }
0x8: {  	s5 =	ssub.s32 $0x2, s5;
	s12 =	sor.u32 $0x1C01, s12;
	s6 =	sor.u32 s1, s6  }
0x9: {  	s7 =	sor.u32 s8, s7;
	s31 =	sshrl.u32 s5, $0x1;
	s6 =	smul.u32 $0x500, s6  }
0xa: {  	s8 =	sshrl.u32 s30, $0x2;
	s7 =	sshrl.u32 s7, $0x3;
	s9 =	ssub.s32 s5, s31  }
0xb: {  	s5 =	sadd.s32 s8, s2;
	s8 =	simm.s32 $0x1;
	s6 =	sadd.s32 s6, s4  }
0xc: {  	s7 =	sadd.s32 s7, s4;
	s13 =	sshrl.u32 s5, $0x3;
	s4 =	sadd.s32 $0x1A00, s6  }
0xd: {  	v0 =	vimm.f32 $1.000000000e+00;
	v1 =	vimm.f32 $0.0e+00;
	s6 =	sadd.s32 $0x15A00, s7;
	s7 =	smax.u32 s9, $0x1;
	s9 =	simm.s32 $0x2880  }
.LBB2_1:
0xe: {  	[tilespmem:s3], [sflag:$0x1] =	stream.linear.gather [hbm4b:s4+s3], $0x2800, $0x38;
	[tilespmem:$0x2D80] =	vst v63  }
0xf: {  	_ =	swait.ge [sflag:s8], $0x2800  }
0x10: {  	[sflag:s8] =	ssyncset.done $0x0  }
0x11: {  	[sflag:s8] =	ssyncadd.s32 $0xFFFFD800  }
0x12: {  	[tilespmem:$0x2800] =	vst v0  }
0x13: {  	[tilespmem:$0x2810] =	vst v0  }
0x14: {  	[tilespmem:$0x2820] =	vst v0  }
0x15: {  	[tilespmem:$0x2830] =	vst v0  }
0x16: {  	[tilespmem:$0x2840] =	vst v0  }
0x17: {  	[tilespmem:$0x2850] =	vst v0  }
0x18: {  	[tilespmem:$0x2860] =	vst v0  }
0x19: {  	[tilespmem:$0x2870] =	vst v0  }
0x1a: {  	[tilespmem:$0x2880] =	vst v1  }
0x1b: {  	[tilespmem:$0x2890] =	vst v1  }
0x1c: {  	[tilespmem:$0x28A0] =	vst v1  }
0x1d: {  	[tilespmem:$0x28B0] =	vst v1  }
0x1e: {  	[tilespmem:$0x28C0] =	vst v1  }
0x1f: {  	[tilespmem:$0x28D0] =	vst v1  }
0x20: {  	[tilespmem:$0x28E0] =	vst v1  }
0x21: {  	[tilespmem:$0x28F0] =	vst v1  }
0x22: {  	[tilespmem:$0x2900] =	vst v1  }
0x23: {  	[tilespmem:$0x2910] =	vst v1  }
0x24: {  	[tilespmem:$0x2920] =	vst v1  }
0x25: {  	[tilespmem:$0x2930] =	vst v1  }
0x26: {  	[tilespmem:$0x2940] =	vst v1  }
0x27: {  	[tilespmem:$0x2950] =	vst v1  }
0x28: {  	[tilespmem:$0x2960] =	vst v1  }
0x29: {  	[tilespmem:$0x2970] =	vst v1  }
0x2a: {  	[tilespmem:$0x2980] =	vst v1  }
0x2b: {  	[tilespmem:$0x2990] =	vst v1  }
0x2c: {  	[tilespmem:$0x29A0] =	vst v1  }
0x2d: {  	[tilespmem:$0x29B0] =	vst v1  }
0x2e: {  	[tilespmem:$0x29C0] =	vst v1  }
0x2f: {  	[tilespmem:$0x29D0] =	vst v1  }
0x30: {  	[tilespmem:$0x29E0] =	vst v1  }
0x31: {  	[tilespmem:$0x29F0] =	vst v1  }
0x32: {  	[tilespmem:$0x2A00] =	vst v1  }
0x33: {  	[tilespmem:$0x2A10] =	vst v1  }
0x34: {  	[tilespmem:$0x2A20] =	vst v1  }
0x35: {  	[tilespmem:$0x2A30] =	vst v1  }
0x36: {  	[tilespmem:$0x2A40] =	vst v1  }
0x37: {  	[tilespmem:$0x2A50] =	vst v1  }
0x38: {  	[tilespmem:$0x2A60] =	vst v1  }
0x39: {  	[tilespmem:$0x2A70] =	vst v1  }
0x3a: {  	[tilespmem:$0x2A80] =	vst v1  }
0x3b: {  	[tilespmem:$0x2A90] =	vst v1  }
0x3c: {  	[tilespmem:$0x2AA0] =	vst v1  }
0x3d: {  	[tilespmem:$0x2AB0] =	vst v1  }
0x3e: {  	[tilespmem:$0x2AC0] =	vst v1  }
0x3f: {  	[tilespmem:$0x2AD0] =	vst v1  }
0x40: {  	[tilespmem:$0x2AE0] =	vst v1  }
0x41: {  	[tilespmem:$0x2AF0] =	vst v1  }
0x42: {  	[spmem:s5] =	stream.linear.scatter [tilespmem:s9], [sflag:$0x1], $0x280, $0x38;
	[tilespmem:$0x2D80] =	vst v63  }
0x43: {  	_ =	swait.ge [sflag:s8], $0x280  }
0x44: {  	[sflag:s8] =	ssyncset.done $0x0  }
0x45: {  	[sflag:s8] =	ssyncadd.s32 $0xFFFFFD80  }
0x46: {  	s17 =	simm.s32 $0x0;
	[bflag:$0x0] =	sbarrier.arrive $0xFFFF  }
0x47: {  	[spmem:s2] =	stream.indirect.scatter.add.f32 [tilespmem:s11], [sflag:$0x1], $0x1, s17, s10, $0xb8;
	[tilespmem:$0x2D80] =	vst v63  }
0x48: {  	_ =	swait.ge [sflag:s8], $0x80  }
0x49: {  	s17 =	simm.s32 $0x200;
	[sflag:s8] =	ssyncset.done $0x0  }
.LBB2_2:
0x4a: {  	s18 =	sshra.s32 s17, $0x2;
	[sflag:s8] =	ssyncadd.s32 $0xFFFFFF80;
	p0 =	sne.s32 s17, $0x9E00  }
0x4b: {  	[spmem:s2] =	stream.indirect.scatter.add.f32 [tilespmem:s11], [sflag:$0x1], $0x1, s18, s10, $0xb8;
	[tilespmem:$0x2D80] =	vst v63  }
.Ltmp0:
0x4c: {  	_ = 	snop;
	(pc) =	sbr.rel @p0 .LBB2_2-.Ltmp0, $4  }
0x4d: {  	_ = 	snop  }
0x4e: {  	s17 =	sadd.s32 $0x200, s17  }
0x4f: {  	_ =	swait.ge [sflag:s8], $0x80  }
0x50: {  	[sflag:s8] =	ssyncset.done $0x0  }
0x51: {  	s16 =	sadd.s32 $0x1, s16  }
0x52: {  	[sflag:s8] =	ssyncadd.s32 $0xFFFFFF80;
	p0 =	sne.s32 s16, s7  }
.Ltmp1:
0x53: {  	[bflag:$0x0] =	sbarrier.arrive $0xFFFF;
	(pc) =	sbr.rel @p0 .LBB2_1-.Ltmp1, $4  }
0x54: {  	[hbm:s6@s14], [sflag:s12] =	dma.strided [spmem:s13@s15], $0x50, s8, $0x10   }
0x55: {  	_ =	swait.ge [sflag:s8], $0x50  }
0x56: {  	[sflag:s8] =	ssyncset.done $0x0  }
0x57: {  	[sflag:s8] =	ssyncadd.s32 $0xFFFFFFB0  }
0x58: {  	_ =	sfence.sel $0x180000  }
0x59: {  	[bflag:$0x0] =	sbarrier.arrive $0xFFFF  }
0x5a: {  	p0 =	sne.s32 s1, $0x0;
	_ =	strace $0x90000047  }
0x5b: {  	s0 =	sadd.s32 @!p0 $0x100000, s0;
	[bflag:$0x2] =	sbarrier.arrive $0xFFFF  }
0x5c: {  	[sflag:s0] =	ssyncadd.tile.s32 @!p0 $0x1;
	_ =	shalt  }
.Lfunc_end2:
_tile_overlayer_lowered:
.L_overlay_start_2:
0x5d: {  	(tag) =	ssettag $0x2  }
0x5e: {  	s0 =	rddreg [dreg:$0x0];
	s2 =	stileid.u32  }
0x5f: {  	s1 =	rddreg [dreg:$0x1];
	p0 =	sne.s32 s2, $0x0  }
0x60: {  	s3 =	rddreg [dreg:$0x2];
	[bflag:$0x3] =	sbarrier.arrive $0xFFFF;
	s2 =	simm.s32 @!p0 $0x1C01  }
0x61: {  	[timem:s3], [sflag:s2] =	dma.local @!p0 [hbm:s0], s1  }
0x62: {  	s0 =	simm.s32 @!p0 $0x1  }
0x63: {  	_ =	swait.ge @!p0 [sflag:s0], s1  }
0x64: {  	s1 =	ssub.s32 @!p0 $0x0, s1;
	[sflag:s0] =	ssyncset.done @!p0 $0x0  }
0x65: {  	[sflag:s0] =	ssyncadd.s32 @!p0 s1  }
0x66: {  	[bflag:$0x3] =	sbarrier.arrive $0xFFFF  }
0x67: {  	_ =	shalt  }

</sc_bundles>
